<compile_context>
chip_gen: v7x
topology: tpu7x:2x2x1
jax: 0.10.2.dev20260603
libtpu: 0.0.44.dev20260713+nightly
codegen_flags: <defaults>
</compile_context>

<pallas_src>
import functools

import jax
import jax.numpy as jnp
import numpy as np
from jax import lax
from jax.experimental import pallas as pl
from jax.experimental.pallas import tpu as pltpu
from jax.experimental.pallas import tpu_sc as plsc

B = 4096
L = 200
EMBED = 32
HID = 128
CLASSES = 10

_info = plsc.get_sparse_core_info()
NC = _info.num_cores
NS = _info.num_subcores
LANES = _info.num_lanes
NW = NC * NS
BPW = B // NW
CB = 2
NCHUNK = BPW // CB
ROWS = CB * L
G = 80
NG = ROWS // G


def _sc_pool(x2, w_word, w_bigram, w_field):
    mesh = plsc.VectorSubcoreMesh(core_axis_name="c", subcore_axis_name="s")

    @functools.partial(
        pl.kernel,
        mesh=mesh,
        out_type=jax.ShapeDtypeStruct((B * 2 * EMBED,), jnp.float32),
        scratch_types=[
            pltpu.VMEM((3 * ROWS,), jnp.int32),
            pltpu.VMEM((3 * ROWS,), jnp.int32),
            pltpu.VMEM((3 * ROWS, EMBED // 2), jnp.float32),
            pltpu.VMEM((3 * ROWS, EMBED // 2), jnp.float32),
            pltpu.VMEM((BPW * 2 * EMBED,), jnp.float32),
            pltpu.SemaphoreType.DMA,
            pltpu.SemaphoreType.DMA,
        ],
        compiler_params=pltpu.CompilerParams(
            use_tc_tiling_on_sc=False, needs_layout_passes=False),
    )
    def body(x2_hbm, ww_hbm, wb_hbm, wf_hbm, out_hbm,
             idx0, idx1, rows0, rows1, acc_v, sem0, sem1):
        wid = lax.axis_index("s") * NC + lax.axis_index("c")
        tabs = (ww_hbm, wb_hbm, wf_hbm)
        idxs = (idx0, idx1)
        rows = (rows0, rows1)
        sems = (sem0, sem1)

        def issue(c, slot):
            off0 = pl.multiple_of((wid * BPW + c * CB) * L, ROWS)
            for t in range(3):
                pltpu.sync_copy(
                    x2_hbm.at[pl.ds(t * (B * L) + off0, ROWS)],
                    idxs[slot].at[pl.ds(t * ROWS, ROWS)])
            for t in range(3):
                for j in range(NG):
                    o = t * ROWS + j * G
                    pltpu.async_copy(
                        tabs[t].at[idxs[slot].at[pl.ds(o, G)]],
                        rows[slot].at[pl.ds(o, G)],
                        sems[slot])

        def drain(slot):
            pltpu.make_async_copy(
                tabs[0].at[pl.ds(0, 3 * ROWS)], rows[slot], sems[slot]).wait()

        def accumulate(c, slot):
            rv = rows[slot]
            for b in range(CB):
                def acc_body(l, carry):
                    a0, a1, g0, g1, f0, f1 = carry
                    r = b * L + l
                    fmt = plsc.PackFormat.INTERLEAVED
                    we, wo = plsc.unpack(
                        plsc.bitcast(rv[r], jnp.bfloat16), format=fmt)
                    ge, go = plsc.unpack(
                        plsc.bitcast(rv[ROWS + r], jnp.bfloat16), format=fmt)
                    fe, fo = plsc.unpack(
                        plsc.bitcast(rv[2 * ROWS + r], jnp.bfloat16),
                        format=fmt)
                    return (a0 + we, a1 + wo, g0 + ge, g1 + go,
                            f0 + fe, f1 + fo)
                z = jnp.zeros((LANES,), jnp.float32)
                a0, a1, g0, g1, f0, f1 = lax.fori_loop(
                    0, L, acc_body, (z, z, z, z, z, z))
                inv = jnp.float32(1.0 / L)
                o = (c * CB + b) * 2 * EMBED
                acc_v[pl.ds(o, LANES)] = (a0 + 5.0 * f0) * inv
                acc_v[pl.ds(o + LANES, LANES)] = (a1 + 5.0 * f1) * inv
                acc_v[pl.ds(o + 2 * LANES, LANES)] = g0 * inv
                acc_v[pl.ds(o + 3 * LANES, LANES)] = g1 * inv

        issue(0, 0)

        def pair_body(i, _):
            c0 = i * 2
            issue(c0 + 1, 1)
            drain(0)
            accumulate(c0, 0)

            @pl.when(c0 + 2 < NCHUNK)
            def _():
                issue(c0 + 2, 0)
            drain(1)
            accumulate(c0 + 1, 1)
            return 0

        lax.fori_loop(0, NCHUNK // 2, pair_body, 0)
        pltpu.sync_copy(
            acc_v, out_hbm.at[pl.ds(wid * BPW * 2 * EMBED, BPW * 2 * EMBED)])

    return body(x2, w_word, w_bigram, w_field)


VC = 1024
VQ = 125000
SS = 124928
MAIN = 8 * SS
TS = 72


_SEL_E = np.zeros((EMBED, EMBED // 2), np.float32)
_SEL_E[np.arange(0, EMBED, 2), np.arange(EMBED // 2)] = 1.0
_SEL_O = np.zeros((EMBED, EMBED // 2), np.float32)
_SEL_O[np.arange(1, EMBED, 2), np.arange(EMBED // 2)] = 1.0


def _pack_words(x, se, so):
    dn = (((0,), (0,)), ((), ()))
    e = lax.dot_general(x, se, dn, preferred_element_type=jnp.float32)
    o = lax.dot_general(x, so, dn, preferred_element_type=jnp.float32)
    ue = lax.shift_right_logical(
        lax.bitcast_convert_type(e, jnp.uint32), jnp.uint32(16))
    uo = lax.bitcast_convert_type(o, jnp.uint32) & jnp.uint32(0xFFFF0000)
    return lax.bitcast_convert_type(uo | ue, jnp.float32)


def _repack_body(se_ref, so_ref, *refs):
    se = se_ref[...]
    so = so_ref[...]
    ins, out = refs[:8], refs[8]
    for s in range(8):
        out[:, 16 * s:16 * (s + 1)] = _pack_words(ins[s][...], se, so)


def _repack(wt):
    grid = (SS // VC,)
    sel_spec = pl.BlockSpec((EMBED, EMBED // 2), lambda i: (0, 0))
    in_specs = [sel_spec] * 2
    for s in range(8):
        off = s * (SS // VC)
        in_specs.append(pl.BlockSpec(
            (EMBED, VC), lambda i, off=off: (0, off + i)))
    out_spec = pl.BlockSpec((VC, 128), lambda i: (i, 0))
    shp = jax.ShapeDtypeStruct((SS, 128), jnp.float32)
    return pl.pallas_call(
        _repack_body,
        grid=grid,
        in_specs=in_specs,
        out_specs=out_spec,
        out_shape=shp,
        compiler_params=pltpu.CompilerParams(
            fuse_transposed_lhs_in_matmul=True),
    )(jnp.asarray(_SEL_E), jnp.asarray(_SEL_O), *([wt] * 8))


def _repack_tail_body(se_ref, so_ref, i3, out):
    se = se_ref[...]
    so = so_ref[...]
    x3 = i3[...]
    for s in range(8):
        out[:, 16 * s:16 * (s + 1)] = _pack_words(x3[:, s, :], se, so)


def _repack_tail(wt):
    t3 = wt[:, MAIN:].reshape(EMBED, 8, TS)
    shp = jax.ShapeDtypeStruct((TS, 128), jnp.float32)
    return pl.pallas_call(
        _repack_tail_body,
        out_shape=shp,
    )(jnp.asarray(_SEL_E), jnp.asarray(_SEL_O), t3)


_CPR = 128
_NCH = SS // _CPR


def _sc_linearize(m, t):
    mesh = plsc.VectorSubcoreMesh(core_axis_name="c", subcore_axis_name="s")
    shp = jax.ShapeDtypeStruct((VQ, 128), jnp.float32)

    @functools.partial(
        pl.kernel,
        mesh=mesh,
        out_type=shp,
        scratch_types=[pltpu.VMEM((_CPR, 128), jnp.float32),
                       pltpu.VMEM((_CPR, 128), jnp.float32),
                       pltpu.SemaphoreType.DMA,
                       pltpu.SemaphoreType.DMA],
        compiler_params=pltpu.CompilerParams(
            use_tc_tiling_on_sc=False, needs_layout_passes=False),
    )
    def body(m_hbm, t_hbm, out, vb0, vb1, sem0, sem1):
        wid = lax.axis_index("s") * NC + lax.axis_index("c")
        vbs = (vb0, vb1)
        sems = (sem0, sem1)

        def chunk_body(k, _):
            cid = k * NW + wid

            @pl.when(cid < _NCH)
            def _():
                r0 = pl.multiple_of(cid * _CPR, _CPR)
                pltpu.sync_copy(m_hbm.at[pl.ds(r0, _CPR)], vb0)
                pltpu.sync_copy(vb0, out.at[pl.ds(r0, _CPR)])
            return 0

        lax.fori_loop(0, (_NCH + NW - 1) // NW, chunk_body, 0)

        @pl.when(wid == 0)
        def _():
            pltpu.sync_copy(t_hbm, vb0.at[pl.ds(0, TS)])
            pltpu.sync_copy(vb0.at[pl.ds(0, TS)], out.at[pl.ds(SS, TS)])

    return body(m, t)


def _mlp_body(p_ref, w1_ref, b1_ref, w2_ref, b2_ref, o_ref):
    h = jnp.dot(p_ref[...], w1_ref[...], preferred_element_type=jnp.float32)
    h = jnp.maximum(h + b1_ref[...], 0.0)
    o_ref[...] = (
        jnp.dot(h, w2_ref[...], preferred_element_type=jnp.float32)
        + b2_ref[...]
    )


_PERM = np.concatenate([
    np.arange(0, EMBED, 2), np.arange(1, EMBED, 2),
    EMBED + np.arange(0, EMBED, 2), EMBED + np.arange(1, EMBED, 2),
])


def _mlp(pooled, fc1_w, fc1_b, fc2_w, fc2_b):
    w1p = fc1_w[_PERM, :]
    w2p = jnp.pad(fc2_w, ((0, 0), (0, HID - CLASSES)))
    b2p = jnp.pad(fc2_b, (0, HID - CLASSES)).reshape(1, HID)
    out = pl.pallas_call(
        _mlp_body,
        out_shape=jax.ShapeDtypeStruct((B, HID), jnp.float32),
    )(pooled, w1p, fc1_b.reshape(1, HID), w2p, b2p)
    return out[:, :CLASSES]


def kernel(x, W_word, W_bigram, W_field, fc1_w, fc1_b, fc2_w, fc2_b):
    xi = x.astype(jnp.int32)
    xt = xi - MAIN
    xp = jnp.where(xi < MAIN,
                   8 * (xi % SS) + xi // SS,
                   MAIN + 8 * (xt % TS) + xt // TS)
    x2 = xp.reshape(3 * B * L)
    ww, wb, wf = [_sc_linearize(_repack(wt), _repack_tail(wt))
                  for wt in (W_word.T, W_bigram.T, W_field.T)]
    p16 = (VQ * 8, EMBED // 2)
    pooled = _sc_pool(x2, ww.reshape(p16), wb.reshape(p16),
                      wf.reshape(p16)).reshape(B, 2 * EMBED)
    return _mlp(pooled, fc1_w, fc1_b, fc2_w, fc2_b)

# --- scband reference (transcript-rebuilt; emitter-appended) ---
"""Pipeline reference for scband-fast-text-25769803776185 (READ-ONLY COPY).

The authoritative reference and input builder live on the scoring server;
editing this copy changes nothing except your own understanding.
"""

import jax, jax.numpy as jnp
import numpy as np

VOCAB = 1000000
NGRAM = 1000000
FIELD = 1000000
EMBED = 32
B = 4096
L = 200
HID = 128
CLASSES = 10


def setup_inputs(seed: int = 0) -> dict:
    key = jax.random.key(seed)
    ks = jax.random.split(key, 8)
    x = jax.random.randint(ks[0], (3, B, L), 0, VOCAB)
    W_word = jax.random.normal(ks[1], (VOCAB, EMBED), dtype=jnp.float32) * 0.02
    # padding_idx = vocab_size - 1 -> zero row at init
    W_word = W_word.at[VOCAB - 1].set(0.0)
    W_bigram = jax.random.normal(ks[2], (NGRAM, EMBED), dtype=jnp.float32) * 0.02
    W_field = jax.random.normal(ks[3], (FIELD, EMBED), dtype=jnp.float32) * 0.02
    fc1_w = jax.random.normal(ks[4], (EMBED * 2, HID), dtype=jnp.float32) * 0.05
    fc1_b = jnp.zeros((HID,), dtype=jnp.float32)
    fc2_w = jax.random.normal(ks[5], (HID, CLASSES), dtype=jnp.float32) * 0.05
    fc2_b = jnp.zeros((CLASSES,), dtype=jnp.float32)
    return {
        "x": x,
        "W_word": W_word,
        "W_bigram": W_bigram,
        "W_field": W_field,
        "fc1_w": fc1_w,
        "fc1_b": fc1_b,
        "fc2_w": fc2_w,
        "fc2_b": fc2_b,
    }


def reference(x, W_word, W_bigram, W_field, fc1_w, fc1_b, fc2_w, fc2_b):
    # out_word = embedding(x[0]); out_bigram = embedding_ngram2(x[1]); out_field = embedding_field(x[2])
    out_word = jnp.take(W_word, x[0], axis=0)      # [B, L, EMBED]
    out_bigram = jnp.take(W_bigram, x[1], axis=0)  # [B, L, EMBED]
    out_field = jnp.take(W_field, x[2], axis=0)    # [B, L, EMBED]
    out_word_field = out_word + out_field * 5.0
    out = jnp.concatenate((out_word_field, out_bigram), axis=-1)  # [B, L, 2*EMBED]
    out = jnp.mean(out, axis=1)                                   # [B, 2*EMBED]
    out = jnp.dot(out, fc1_w) + fc1_b
    out = jax.nn.relu(out)
    # dropout is identity at inference
    out = jnp.dot(out, fc2_w) + fc2_b                             # [B, CLASSES]
    return out

if __name__ == "__main__":
    import jax
    _d = setup_inputs()
    print(jax.jit(kernel)(*tuple(_d.values())))

</pallas_src>

<mosaic_0001>
#map = affine_map<(d0, d1) -> (0, 0)>
module attributes {stable_mosaic.version = 14 : i64} {
  func.func @body(%arg0: i32, %arg1: i32, %arg2: memref<124928x128xf32, #tpu.memory_space<hbm>>, %arg3: memref<72x128xf32, #tpu.memory_space<hbm>>, %arg4: memref<125000x128xf32, #tpu.memory_space<hbm>>, %arg5: memref<128x128xf32, #tpu.memory_space<vmem>>, %arg6: memref<128x128xf32, #tpu.memory_space<vmem>>, %arg7: memref<!tpu.dma_semaphore, #tpu.memory_space<semaphore_mem>>, %arg8: memref<!tpu.dma_semaphore, #tpu.memory_space<semaphore_mem>>) attributes {dimension_semantics = [#tpu.dimension_semantics<core_parallel>, #tpu.dimension_semantics<subcore_parallel>], iteration_bounds = array<i64: 2, 16>, scalar_prefetch = 0 : i64, scratch_operands = 4 : i64, tpu.core_type = #tpu.core_type<sc_vector_subcore>, window_params = [{transform_indices = #map}, {transform_indices = #map}, {transform_indices = #map}]} {
    %mul3A = arith.constant 2 : i32
    %mul3A_0 = arith.muli %arg1, %mul3A : i32
    %add3A = arith.addi %mul3A_0, %arg0 : i32
    %scan3A = arith.constant 0 : i32
    %scan3A_1 = arith.constant 0 : i32
    %scan3A_2 = arith.constant 31 : i32
    %scan3A_3 = arith.addi %scan3A_1, %scan3A_2 : i32
    %scan3A_4 = arith.constant 1 : i32
    %scan3A_5 = scf.for %scan3A_9 = %scan3A_1 to %scan3A_3 step %scan3A_4 iter_args(%scan3A_10 = %scan3A) -> (i32)  : i32 {
      %mul3A_11 = arith.constant 32 : i32
      %mul3A_12 = arith.muli %scan3A_9, %mul3A_11 : i32
      %add3A_13 = arith.addi %mul3A_12, %add3A : i32
      %lt3A = arith.constant 976 : i32
      %lt3A_14 = arith.cmpi slt, %add3A_13, %lt3A : i32
      %convert_element_type3A_15 = arith.extui %lt3A_14 : i1 to i32
      %cond3A_16 = arith.constant 0 : i32
      %cond3A_17 = arith.cmpi ne, %convert_element_type3A_15, %cond3A_16 : i32
      scf.if %cond3A_17 {
        %mul3A_19 = arith.constant 128 : i32
        %mul3A_20 = arith.muli %add3A_13, %mul3A_19 : i32
        %multiple_of3A = tpu.assume_multiple %mul3A_20, 128 : i32
        "tpu.region"() ({
          %run_scoped3A = tpu.sem_alloc : memref<!tpu.dma_semaphore, #tpu.memory_space<semaphore_mem>>
          %dma_start3A = arith.constant 0 : i32
          %dma_start3A_21 = tpu.memref_slice %arg2[%multiple_of3A, %dma_start3A] : memref<124928x128xf32, #tpu.memory_space<hbm>> -> memref<128x128xf32, #tpu.memory_space<hbm>>
          %dma_start3A_22 = arith.constant 0 : i32
          %dma_start3A_23 = tpu.memref_slice %arg2[%multiple_of3A, %dma_start3A_22] : memref<124928x128xf32, #tpu.memory_space<hbm>> -> memref<128x128xf32, #tpu.memory_space<hbm>>
          tpu.enqueue_dma source(%dma_start3A_23 : memref<128x128xf32, #tpu.memory_space<hbm>>) target(%arg5 : memref<128x128xf32, #tpu.memory_space<vmem>>) target_semaphore(%run_scoped3A : memref<!tpu.dma_semaphore, #tpu.memory_space<semaphore_mem>>)
          %dma_wait3A = arith.constant 0 : i32
          %dma_wait3A_24 = tpu.memref_slice %arg2[%multiple_of3A, %dma_wait3A] : memref<124928x128xf32, #tpu.memory_space<hbm>> -> memref<128x128xf32, #tpu.memory_space<hbm>>
          %dma_wait3A_25 = arith.constant 0 : i32
          %dma_wait3A_26 = tpu.memref_slice %arg2[%multiple_of3A, %dma_wait3A_25] : memref<124928x128xf32, #tpu.memory_space<hbm>> -> memref<128x128xf32, #tpu.memory_space<hbm>>
          tpu.wait_dma2 semaphore(%run_scoped3A : memref<!tpu.dma_semaphore, #tpu.memory_space<semaphore_mem>>) src(%dma_wait3A_26 : memref<128x128xf32, #tpu.memory_space<hbm>>) dst(%arg5 : memref<128x128xf32, #tpu.memory_space<vmem>>)
          tpu.yield
        }) : () -> ()
        "tpu.region"() ({
          %run_scoped3A = tpu.sem_alloc : memref<!tpu.dma_semaphore, #tpu.memory_space<semaphore_mem>>
          %dma_start3A = arith.constant 0 : i32
          %dma_start3A_21 = tpu.memref_slice %arg4[%multiple_of3A, %dma_start3A] : memref<125000x128xf32, #tpu.memory_space<hbm>> -> memref<128x128xf32, #tpu.memory_space<hbm>>
          %dma_start3A_22 = arith.constant 0 : i32
          %dma_start3A_23 = tpu.memref_slice %arg4[%multiple_of3A, %dma_start3A_22] : memref<125000x128xf32, #tpu.memory_space<hbm>> -> memref<128x128xf32, #tpu.memory_space<hbm>>
          tpu.enqueue_dma source(%arg5 : memref<128x128xf32, #tpu.memory_space<vmem>>) target(%dma_start3A_23 : memref<128x128xf32, #tpu.memory_space<hbm>>) target_semaphore(%run_scoped3A : memref<!tpu.dma_semaphore, #tpu.memory_space<semaphore_mem>>)
          %dma_wait3A = arith.constant 0 : i32
          %dma_wait3A_24 = tpu.memref_slice %arg4[%multiple_of3A, %dma_wait3A] : memref<125000x128xf32, #tpu.memory_space<hbm>> -> memref<128x128xf32, #tpu.memory_space<hbm>>
          %dma_wait3A_25 = arith.constant 0 : i32
          %dma_wait3A_26 = tpu.memref_slice %arg4[%multiple_of3A, %dma_wait3A_25] : memref<125000x128xf32, #tpu.memory_space<hbm>> -> memref<128x128xf32, #tpu.memory_space<hbm>>
          tpu.wait_dma2 semaphore(%run_scoped3A : memref<!tpu.dma_semaphore, #tpu.memory_space<semaphore_mem>>) src(%arg5 : memref<128x128xf32, #tpu.memory_space<vmem>>) dst(%dma_wait3A_26 : memref<128x128xf32, #tpu.memory_space<hbm>>)
          tpu.yield
        }) : () -> ()
      } else {
      }
      %scan3A_18 = arith.constant 0 : i32
      scf.yield %scan3A_18 : i32
    }
    %scan3A_6 = arith.constant 31 : i32
    %eq3A = arith.constant 0 : i32
    %eq3A_7 = arith.cmpi eq, %add3A, %eq3A : i32
    %convert_element_type3A = arith.extui %eq3A_7 : i1 to i32
    %cond3A = arith.constant 0 : i32
    %cond3A_8 = arith.cmpi ne, %convert_element_type3A, %cond3A : i32
    scf.if %cond3A_8 {
      "tpu.region"() ({
        %run_scoped3A = tpu.sem_alloc : memref<!tpu.dma_semaphore, #tpu.memory_space<semaphore_mem>>
        %dma_start3A = arith.constant 0 : i32
        %dma_start3A_9 = arith.constant 0 : i32
        %dma_start3A_10 = tpu.memref_slice %arg5[%dma_start3A, %dma_start3A_9] : memref<128x128xf32, #tpu.memory_space<vmem>> -> memref<72x128xf32, #tpu.memory_space<vmem>>
        %dma_start3A_11 = arith.constant 0 : i32
        %dma_start3A_12 = arith.constant 0 : i32
        %dma_start3A_13 = tpu.memref_slice %arg5[%dma_start3A_11, %dma_start3A_12] : memref<128x128xf32, #tpu.memory_space<vmem>> -> memref<72x128xf32, #tpu.memory_space<vmem>>
        tpu.enqueue_dma source(%arg3 : memref<72x128xf32, #tpu.memory_space<hbm>>) target(%dma_start3A_13 : memref<72x128xf32, #tpu.memory_space<vmem>>) target_semaphore(%run_scoped3A : memref<!tpu.dma_semaphore, #tpu.memory_space<semaphore_mem>>)
        %dma_wait3A = arith.constant 0 : i32
        %dma_wait3A_14 = arith.constant 0 : i32
        %dma_wait3A_15 = tpu.memref_slice %arg5[%dma_wait3A, %dma_wait3A_14] : memref<128x128xf32, #tpu.memory_space<vmem>> -> memref<72x128xf32, #tpu.memory_space<vmem>>
        %dma_wait3A_16 = arith.constant 0 : i32
        %dma_wait3A_17 = arith.constant 0 : i32
        %dma_wait3A_18 = tpu.memref_slice %arg5[%dma_wait3A_16, %dma_wait3A_17] : memref<128x128xf32, #tpu.memory_space<vmem>> -> memref<72x128xf32, #tpu.memory_space<vmem>>
        tpu.wait_dma2 semaphore(%run_scoped3A : memref<!tpu.dma_semaphore, #tpu.memory_space<semaphore_mem>>) src(%arg3 : memref<72x128xf32, #tpu.memory_space<hbm>>) dst(%dma_wait3A_18 : memref<72x128xf32, #tpu.memory_space<vmem>>)
        tpu.yield
      }) : () -> ()
      "tpu.region"() ({
        %run_scoped3A = tpu.sem_alloc : memref<!tpu.dma_semaphore, #tpu.memory_space<semaphore_mem>>
        %dma_start3A = arith.constant 0 : i32
        %dma_start3A_9 = arith.constant 0 : i32
        %dma_start3A_10 = tpu.memref_slice %arg5[%dma_start3A, %dma_start3A_9] : memref<128x128xf32, #tpu.memory_space<vmem>> -> memref<72x128xf32, #tpu.memory_space<vmem>>
        %dma_start3A_11 = arith.constant 124928 : i32
        %dma_start3A_12 = arith.constant 0 : i32
        %dma_start3A_13 = tpu.memref_slice %arg4[%dma_start3A_11, %dma_start3A_12] : memref<125000x128xf32, #tpu.memory_space<hbm>> -> memref<72x128xf32, #tpu.memory_space<hbm>>
        %dma_start3A_14 = arith.constant 124928 : i32
        %dma_start3A_15 = arith.constant 0 : i32
        %dma_start3A_16 = tpu.memref_slice %arg4[%dma_start3A_14, %dma_start3A_15] : memref<125000x128xf32, #tpu.memory_space<hbm>> -> memref<72x128xf32, #tpu.memory_space<hbm>>
        %dma_start3A_17 = arith.constant 0 : i32
        %dma_start3A_18 = arith.constant 0 : i32
        %dma_start3A_19 = tpu.memref_slice %arg5[%dma_start3A_17, %dma_start3A_18] : memref<128x128xf32, #tpu.memory_space<vmem>> -> memref<72x128xf32, #tpu.memory_space<vmem>>
        tpu.enqueue_dma source(%dma_start3A_19 : memref<72x128xf32, #tpu.memory_space<vmem>>) target(%dma_start3A_16 : memref<72x128xf32, #tpu.memory_space<hbm>>) target_semaphore(%run_scoped3A : memref<!tpu.dma_semaphore, #tpu.memory_space<semaphore_mem>>)
        %dma_wait3A = arith.constant 0 : i32
        %dma_wait3A_20 = arith.constant 0 : i32
        %dma_wait3A_21 = tpu.memref_slice %arg5[%dma_wait3A, %dma_wait3A_20] : memref<128x128xf32, #tpu.memory_space<vmem>> -> memref<72x128xf32, #tpu.memory_space<vmem>>
        %dma_wait3A_22 = arith.constant 124928 : i32
        %dma_wait3A_23 = arith.constant 0 : i32
        %dma_wait3A_24 = tpu.memref_slice %arg4[%dma_wait3A_22, %dma_wait3A_23] : memref<125000x128xf32, #tpu.memory_space<hbm>> -> memref<72x128xf32, #tpu.memory_space<hbm>>
        %dma_wait3A_25 = arith.constant 124928 : i32
        %dma_wait3A_26 = arith.constant 0 : i32
        %dma_wait3A_27 = tpu.memref_slice %arg4[%dma_wait3A_25, %dma_wait3A_26] : memref<125000x128xf32, #tpu.memory_space<hbm>> -> memref<72x128xf32, #tpu.memory_space<hbm>>
        %dma_wait3A_28 = arith.constant 0 : i32
        %dma_wait3A_29 = arith.constant 0 : i32
        %dma_wait3A_30 = tpu.memref_slice %arg5[%dma_wait3A_28, %dma_wait3A_29] : memref<128x128xf32, #tpu.memory_space<vmem>> -> memref<72x128xf32, #tpu.memory_space<vmem>>
        tpu.wait_dma2 semaphore(%run_scoped3A : memref<!tpu.dma_semaphore, #tpu.memory_space<semaphore_mem>>) src(%dma_wait3A_30 : memref<72x128xf32, #tpu.memory_space<vmem>>) dst(%dma_wait3A_27 : memref<72x128xf32, #tpu.memory_space<hbm>>)
        tpu.yield
      }) : () -> ()
    } else {
    }
    return
  }
}

#map = affine_map<(d0, d1) -> (0, 0)>
module attributes {stable_mosaic.version = 14 : i64} {
  func.func @body(%arg0: i32, %arg1: i32, %arg2: memref<124928x128xf32, #tpu.memory_space<hbm>>, %arg3: memref<72x128xf32, #tpu.memory_space<hbm>>, %arg4: memref<125000x128xf32, #tpu.memory_space<hbm>>, %arg5: memref<128x128xf32, #tpu.memory_space<vmem>>, %arg6: memref<128x128xf32, #tpu.memory_space<vmem>>, %arg7: memref<!tpu.dma_semaphore, #tpu.memory_space<semaphore_mem>>, %arg8: memref<!tpu.dma_semaphore, #tpu.memory_space<semaphore_mem>>) attributes {dimension_semantics = [#tpu.dimension_semantics<core_parallel>, #tpu.dimension_semantics<subcore_parallel>], iteration_bounds = array<i64: 2, 16>, scalar_prefetch = 0 : i64, scratch_operands = 4 : i64, tpu.core_type = #tpu.core_type<sc_vector_subcore>, window_params = [{transform_indices = #map}, {transform_indices = #map}, {transform_indices = #map}]} {
    %mul3A = arith.constant 2 : i32
    %mul3A_0 = arith.muli %arg1, %mul3A : i32
    %add3A = arith.addi %mul3A_0, %arg0 : i32
    %scan3A = arith.constant 0 : i32
    %scan3A_1 = arith.constant 0 : i32
    %scan3A_2 = arith.constant 31 : i32
    %scan3A_3 = arith.addi %scan3A_1, %scan3A_2 : i32
    %scan3A_4 = arith.constant 1 : i32
    %scan3A_5 = scf.for %scan3A_9 = %scan3A_1 to %scan3A_3 step %scan3A_4 iter_args(%scan3A_10 = %scan3A) -> (i32)  : i32 {
      %mul3A_11 = arith.constant 32 : i32
      %mul3A_12 = arith.muli %scan3A_9, %mul3A_11 : i32
      %add3A_13 = arith.addi %mul3A_12, %add3A : i32
      %lt3A = arith.constant 976 : i32
      %lt3A_14 = arith.cmpi slt, %add3A_13, %lt3A : i32
      %convert_element_type3A_15 = arith.extui %lt3A_14 : i1 to i32
      %cond3A_16 = arith.constant 0 : i32
      %cond3A_17 = arith.cmpi ne, %convert_element_type3A_15, %cond3A_16 : i32
      scf.if %cond3A_17 {
        %mul3A_19 = arith.constant 128 : i32
        %mul3A_20 = arith.muli %add3A_13, %mul3A_19 : i32
        %multiple_of3A = tpu.assume_multiple %mul3A_20, 128 : i32
        "tpu.region"() ({
          %run_scoped3A = tpu.sem_alloc : memref<!tpu.dma_semaphore, #tpu.memory_space<semaphore_mem>>
          %dma_start3A = arith.constant 0 : i32
          %dma_start3A_21 = tpu.memref_slice %arg2[%multiple_of3A, %dma_start3A] : memref<124928x128xf32, #tpu.memory_space<hbm>> -> memref<128x128xf32, #tpu.memory_space<hbm>>
          %dma_start3A_22 = arith.constant 0 : i32
          %dma_start3A_23 = tpu.memref_slice %arg2[%multiple_of3A, %dma_start3A_22] : memref<124928x128xf32, #tpu.memory_space<hbm>> -> memref<128x128xf32, #tpu.memory_space<hbm>>
          tpu.enqueue_dma source(%dma_start3A_23 : memref<128x128xf32, #tpu.memory_space<hbm>>) target(%arg5 : memref<128x128xf32, #tpu.memory_space<vmem>>) target_semaphore(%run_scoped3A : memref<!tpu.dma_semaphore, #tpu.memory_space<semaphore_mem>>)
          %dma_wait3A = arith.constant 0 : i32
          %dma_wait3A_24 = tpu.memref_slice %arg2[%multiple_of3A, %dma_wait3A] : memref<124928x128xf32, #tpu.memory_space<hbm>> -> memref<128x128xf32, #tpu.memory_space<hbm>>
          %dma_wait3A_25 = arith.constant 0 : i32
          %dma_wait3A_26 = tpu.memref_slice %arg2[%multiple_of3A, %dma_wait3A_25] : memref<124928x128xf32, #tpu.memory_space<hbm>> -> memref<128x128xf32, #tpu.memory_space<hbm>>
          tpu.wait_dma2 semaphore(%run_scoped3A : memref<!tpu.dma_semaphore, #tpu.memory_space<semaphore_mem>>) src(%dma_wait3A_26 : memref<128x128xf32, #tpu.memory_space<hbm>>) dst(%arg5 : memref<128x128xf32, #tpu.memory_space<vmem>>)
          tpu.yield
        }) : () -> ()
        "tpu.region"() ({
          %run_scoped3A = tpu.sem_alloc : memref<!tpu.dma_semaphore, #tpu.memory_space<semaphore_mem>>
          %dma_start3A = arith.constant 0 : i32
          %dma_start3A_21 = tpu.memref_slice %arg4[%multiple_of3A, %dma_start3A] : memref<125000x128xf32, #tpu.memory_space<hbm>> -> memref<128x128xf32, #tpu.memory_space<hbm>>
          %dma_start3A_22 = arith.constant 0 : i32
          %dma_start3A_23 = tpu.memref_slice %arg4[%multiple_of3A, %dma_start3A_22] : memref<125000x128xf32, #tpu.memory_space<hbm>> -> memref<128x128xf32, #tpu.memory_space<hbm>>
          tpu.enqueue_dma source(%arg5 : memref<128x128xf32, #tpu.memory_space<vmem>>) target(%dma_start3A_23 : memref<128x128xf32, #tpu.memory_space<hbm>>) target_semaphore(%run_scoped3A : memref<!tpu.dma_semaphore, #tpu.memory_space<semaphore_mem>>)
          %dma_wait3A = arith.constant 0 : i32
          %dma_wait3A_24 = tpu.memref_slice %arg4[%multiple_of3A, %dma_wait3A] : memref<125000x128xf32, #tpu.memory_space<hbm>> -> memref<128x128xf32, #tpu.memory_space<hbm>>
          %dma_wait3A_25 = arith.constant 0 : i32
          %dma_wait3A_26 = tpu.memref_slice %arg4[%multiple_of3A, %dma_wait3A_25] : memref<125000x128xf32, #tpu.memory_space<hbm>> -> memref<128x128xf32, #tpu.memory_space<hbm>>
          tpu.wait_dma2 semaphore(%run_scoped3A : memref<!tpu.dma_semaphore, #tpu.memory_space<semaphore_mem>>) src(%arg5 : memref<128x128xf32, #tpu.memory_space<vmem>>) dst(%dma_wait3A_26 : memref<128x128xf32, #tpu.memory_space<hbm>>)
          tpu.yield
        }) : () -> ()
      } else {
      }
      %scan3A_18 = arith.constant 0 : i32
      scf.yield %scan3A_18 : i32
    }
    %scan3A_6 = arith.constant 31 : i32
    %eq3A = arith.constant 0 : i32
    %eq3A_7 = arith.cmpi eq, %add3A, %eq3A : i32
    %convert_element_type3A = arith.extui %eq3A_7 : i1 to i32
    %cond3A = arith.constant 0 : i32
    %cond3A_8 = arith.cmpi ne, %convert_element_type3A, %cond3A : i32
    scf.if %cond3A_8 {
      "tpu.region"() ({
        %run_scoped3A = tpu.sem_alloc : memref<!tpu.dma_semaphore, #tpu.memory_space<semaphore_mem>>
        %dma_start3A = arith.constant 0 : i32
        %dma_start3A_9 = arith.constant 0 : i32
        %dma_start3A_10 = tpu.memref_slice %arg5[%dma_start3A, %dma_start3A_9] : memref<128x128xf32, #tpu.memory_space<vmem>> -> memref<72x128xf32, #tpu.memory_space<vmem>>
        %dma_start3A_11 = arith.constant 0 : i32
        %dma_start3A_12 = arith.constant 0 : i32
        %dma_start3A_13 = tpu.memref_slice %arg5[%dma_start3A_11, %dma_start3A_12] : memref<128x128xf32, #tpu.memory_space<vmem>> -> memref<72x128xf32, #tpu.memory_space<vmem>>
        tpu.enqueue_dma source(%arg3 : memref<72x128xf32, #tpu.memory_space<hbm>>) target(%dma_start3A_13 : memref<72x128xf32, #tpu.memory_space<vmem>>) target_semaphore(%run_scoped3A : memref<!tpu.dma_semaphore, #tpu.memory_space<semaphore_mem>>)
        %dma_wait3A = arith.constant 0 : i32
        %dma_wait3A_14 = arith.constant 0 : i32
        %dma_wait3A_15 = tpu.memref_slice %arg5[%dma_wait3A, %dma_wait3A_14] : memref<128x128xf32, #tpu.memory_space<vmem>> -> memref<72x128xf32, #tpu.memory_space<vmem>>
        %dma_wait3A_16 = arith.constant 0 : i32
        %dma_wait3A_17 = arith.constant 0 : i32
        %dma_wait3A_18 = tpu.memref_slice %arg5[%dma_wait3A_16, %dma_wait3A_17] : memref<128x128xf32, #tpu.memory_space<vmem>> -> memref<72x128xf32, #tpu.memory_space<vmem>>
        tpu.wait_dma2 semaphore(%run_scoped3A : memref<!tpu.dma_semaphore, #tpu.memory_space<semaphore_mem>>) src(%arg3 : memref<72x128xf32, #tpu.memory_space<hbm>>) dst(%dma_wait3A_18 : memref<72x128xf32, #tpu.memory_space<vmem>>)
        tpu.yield
      }) : () -> ()
      "tpu.region"() ({
        %run_scoped3A = tpu.sem_alloc : memref<!tpu.dma_semaphore, #tpu.memory_space<semaphore_mem>>
        %dma_start3A = arith.constant 0 : i32
        %dma_start3A_9 = arith.constant 0 : i32
        %dma_start3A_10 = tpu.memref_slice %arg5[%dma_start3A, %dma_start3A_9] : memref<128x128xf32, #tpu.memory_space<vmem>> -> memref<72x128xf32, #tpu.memory_space<vmem>>
        %dma_start3A_11 = arith.constant 124928 : i32
        %dma_start3A_12 = arith.constant 0 : i32
        %dma_start3A_13 = tpu.memref_slice %arg4[%dma_start3A_11, %dma_start3A_12] : memref<125000x128xf32, #tpu.memory_space<hbm>> -> memref<72x128xf32, #tpu.memory_space<hbm>>
        %dma_start3A_14 = arith.constant 124928 : i32
        %dma_start3A_15 = arith.constant 0 : i32
        %dma_start3A_16 = tpu.memref_slice %arg4[%dma_start3A_14, %dma_start3A_15] : memref<125000x128xf32, #tpu.memory_space<hbm>> -> memref<72x128xf32, #tpu.memory_space<hbm>>
        %dma_start3A_17 = arith.constant 0 : i32
        %dma_start3A_18 = arith.constant 0 : i32
        %dma_start3A_19 = tpu.memref_slice %arg5[%dma_start3A_17, %dma_start3A_18] : memref<128x128xf32, #tpu.memory_space<vmem>> -> memref<72x128xf32, #tpu.memory_space<vmem>>
        tpu.enqueue_dma source(%dma_start3A_19 : memref<72x128xf32, #tpu.memory_space<vmem>>) target(%dma_start3A_16 : memref<72x128xf32, #tpu.memory_space<hbm>>) target_semaphore(%run_scoped3A : memref<!tpu.dma_semaphore, #tpu.memory_space<semaphore_mem>>)
        %dma_wait3A = arith.constant 0 : i32
        %dma_wait3A_20 = arith.constant 0 : i32
        %dma_wait3A_21 = tpu.memref_slice %arg5[%dma_wait3A, %dma_wait3A_20] : memref<128x128xf32, #tpu.memory_space<vmem>> -> memref<72x128xf32, #tpu.memory_space<vmem>>
        %dma_wait3A_22 = arith.constant 124928 : i32
        %dma_wait3A_23 = arith.constant 0 : i32
        %dma_wait3A_24 = tpu.memref_slice %arg4[%dma_wait3A_22, %dma_wait3A_23] : memref<125000x128xf32, #tpu.memory_space<hbm>> -> memref<72x128xf32, #tpu.memory_space<hbm>>
        %dma_wait3A_25 = arith.constant 124928 : i32
        %dma_wait3A_26 = arith.constant 0 : i32
        %dma_wait3A_27 = tpu.memref_slice %arg4[%dma_wait3A_25, %dma_wait3A_26] : memref<125000x128xf32, #tpu.memory_space<hbm>> -> memref<72x128xf32, #tpu.memory_space<hbm>>
        %dma_wait3A_28 = arith.constant 0 : i32
        %dma_wait3A_29 = arith.constant 0 : i32
        %dma_wait3A_30 = tpu.memref_slice %arg5[%dma_wait3A_28, %dma_wait3A_29] : memref<128x128xf32, #tpu.memory_space<vmem>> -> memref<72x128xf32, #tpu.memory_space<vmem>>
        tpu.wait_dma2 semaphore(%run_scoped3A : memref<!tpu.dma_semaphore, #tpu.memory_space<semaphore_mem>>) src(%dma_wait3A_30 : memref<72x128xf32, #tpu.memory_space<vmem>>) dst(%dma_wait3A_27 : memref<72x128xf32, #tpu.memory_space<hbm>>)
        tpu.yield
      }) : () -> ()
    } else {
    }
    return
  }
}

#map = affine_map<(d0, d1) -> (0, 0)>
module attributes {stable_mosaic.version = 14 : i64} {
  func.func @body(%arg0: i32, %arg1: i32, %arg2: memref<124928x128xf32, #tpu.memory_space<hbm>>, %arg3: memref<72x128xf32, #tpu.memory_space<hbm>>, %arg4: memref<125000x128xf32, #tpu.memory_space<hbm>>, %arg5: memref<128x128xf32, #tpu.memory_space<vmem>>, %arg6: memref<128x128xf32, #tpu.memory_space<vmem>>, %arg7: memref<!tpu.dma_semaphore, #tpu.memory_space<semaphore_mem>>, %arg8: memref<!tpu.dma_semaphore, #tpu.memory_space<semaphore_mem>>) attributes {dimension_semantics = [#tpu.dimension_semantics<core_parallel>, #tpu.dimension_semantics<subcore_parallel>], iteration_bounds = array<i64: 2, 16>, scalar_prefetch = 0 : i64, scratch_operands = 4 : i64, tpu.core_type = #tpu.core_type<sc_vector_subcore>, window_params = [{transform_indices = #map}, {transform_indices = #map}, {transform_indices = #map}]} {
    %mul3A = arith.constant 2 : i32
    %mul3A_0 = arith.muli %arg1, %mul3A : i32
    %add3A = arith.addi %mul3A_0, %arg0 : i32
    %scan3A = arith.constant 0 : i32
    %scan3A_1 = arith.constant 0 : i32
    %scan3A_2 = arith.constant 31 : i32
    %scan3A_3 = arith.addi %scan3A_1, %scan3A_2 : i32
    %scan3A_4 = arith.constant 1 : i32
    %scan3A_5 = scf.for %scan3A_9 = %scan3A_1 to %scan3A_3 step %scan3A_4 iter_args(%scan3A_10 = %scan3A) -> (i32)  : i32 {
      %mul3A_11 = arith.constant 32 : i32
      %mul3A_12 = arith.muli %scan3A_9, %mul3A_11 : i32
      %add3A_13 = arith.addi %mul3A_12, %add3A : i32
      %lt3A = arith.constant 976 : i32
      %lt3A_14 = arith.cmpi slt, %add3A_13, %lt3A : i32
      %convert_element_type3A_15 = arith.extui %lt3A_14 : i1 to i32
      %cond3A_16 = arith.constant 0 : i32
      %cond3A_17 = arith.cmpi ne, %convert_element_type3A_15, %cond3A_16 : i32
      scf.if %cond3A_17 {
        %mul3A_19 = arith.constant 128 : i32
        %mul3A_20 = arith.muli %add3A_13, %mul3A_19 : i32
        %multiple_of3A = tpu.assume_multiple %mul3A_20, 128 : i32
        "tpu.region"() ({
          %run_scoped3A = tpu.sem_alloc : memref<!tpu.dma_semaphore, #tpu.memory_space<semaphore_mem>>
          %dma_start3A = arith.constant 0 : i32
          %dma_start3A_21 = tpu.memref_slice %arg2[%multiple_of3A, %dma_start3A] : memref<124928x128xf32, #tpu.memory_space<hbm>> -> memref<128x128xf32, #tpu.memory_space<hbm>>
          %dma_start3A_22 = arith.constant 0 : i32
          %dma_start3A_23 = tpu.memref_slice %arg2[%multiple_of3A, %dma_start3A_22] : memref<124928x128xf32, #tpu.memory_space<hbm>> -> memref<128x128xf32, #tpu.memory_space<hbm>>
          tpu.enqueue_dma source(%dma_start3A_23 : memref<128x128xf32, #tpu.memory_space<hbm>>) target(%arg5 : memref<128x128xf32, #tpu.memory_space<vmem>>) target_semaphore(%run_scoped3A : memref<!tpu.dma_semaphore, #tpu.memory_space<semaphore_mem>>)
          %dma_wait3A = arith.constant 0 : i32
          %dma_wait3A_24 = tpu.memref_slice %arg2[%multiple_of3A, %dma_wait3A] : memref<124928x128xf32, #tpu.memory_space<hbm>> -> memref<128x128xf32, #tpu.memory_space<hbm>>
          %dma_wait3A_25 = arith.constant 0 : i32
          %dma_wait3A_26 = tpu.memref_slice %arg2[%multiple_of3A, %dma_wait3A_25] : memref<124928x128xf32, #tpu.memory_space<hbm>> -> memref<128x128xf32, #tpu.memory_space<hbm>>
          tpu.wait_dma2 semaphore(%run_scoped3A : memref<!tpu.dma_semaphore, #tpu.memory_space<semaphore_mem>>) src(%dma_wait3A_26 : memref<128x128xf32, #tpu.memory_space<hbm>>) dst(%arg5 : memref<128x128xf32, #tpu.memory_space<vmem>>)
          tpu.yield
        }) : () -> ()
        "tpu.region"() ({
          %run_scoped3A = tpu.sem_alloc : memref<!tpu.dma_semaphore, #tpu.memory_space<semaphore_mem>>
          %dma_start3A = arith.constant 0 : i32
          %dma_start3A_21 = tpu.memref_slice %arg4[%multiple_of3A, %dma_start3A] : memref<125000x128xf32, #tpu.memory_space<hbm>> -> memref<128x128xf32, #tpu.memory_space<hbm>>
          %dma_start3A_22 = arith.constant 0 : i32
          %dma_start3A_23 = tpu.memref_slice %arg4[%multiple_of3A, %dma_start3A_22] : memref<125000x128xf32, #tpu.memory_space<hbm>> -> memref<128x128xf32, #tpu.memory_space<hbm>>
          tpu.enqueue_dma source(%arg5 : memref<128x128xf32, #tpu.memory_space<vmem>>) target(%dma_start3A_23 : memref<128x128xf32, #tpu.memory_space<hbm>>) target_semaphore(%run_scoped3A : memref<!tpu.dma_semaphore, #tpu.memory_space<semaphore_mem>>)
          %dma_wait3A = arith.constant 0 : i32
          %dma_wait3A_24 = tpu.memref_slice %arg4[%multiple_of3A, %dma_wait3A] : memref<125000x128xf32, #tpu.memory_space<hbm>> -> memref<128x128xf32, #tpu.memory_space<hbm>>
          %dma_wait3A_25 = arith.constant 0 : i32
          %dma_wait3A_26 = tpu.memref_slice %arg4[%multiple_of3A, %dma_wait3A_25] : memref<125000x128xf32, #tpu.memory_space<hbm>> -> memref<128x128xf32, #tpu.memory_space<hbm>>
          tpu.wait_dma2 semaphore(%run_scoped3A : memref<!tpu.dma_semaphore, #tpu.memory_space<semaphore_mem>>) src(%arg5 : memref<128x128xf32, #tpu.memory_space<vmem>>) dst(%dma_wait3A_26 : memref<128x128xf32, #tpu.memory_space<hbm>>)
          tpu.yield
        }) : () -> ()
      } else {
      }
      %scan3A_18 = arith.constant 0 : i32
      scf.yield %scan3A_18 : i32
    }
    %scan3A_6 = arith.constant 31 : i32
    %eq3A = arith.constant 0 : i32
    %eq3A_7 = arith.cmpi eq, %add3A, %eq3A : i32
    %convert_element_type3A = arith.extui %eq3A_7 : i1 to i32
    %cond3A = arith.constant 0 : i32
    %cond3A_8 = arith.cmpi ne, %convert_element_type3A, %cond3A : i32
    scf.if %cond3A_8 {
      "tpu.region"() ({
        %run_scoped3A = tpu.sem_alloc : memref<!tpu.dma_semaphore, #tpu.memory_space<semaphore_mem>>
        %dma_start3A = arith.constant 0 : i32
        %dma_start3A_9 = arith.constant 0 : i32
        %dma_start3A_10 = tpu.memref_slice %arg5[%dma_start3A, %dma_start3A_9] : memref<128x128xf32, #tpu.memory_space<vmem>> -> memref<72x128xf32, #tpu.memory_space<vmem>>
        %dma_start3A_11 = arith.constant 0 : i32
        %dma_start3A_12 = arith.constant 0 : i32
        %dma_start3A_13 = tpu.memref_slice %arg5[%dma_start3A_11, %dma_start3A_12] : memref<128x128xf32, #tpu.memory_space<vmem>> -> memref<72x128xf32, #tpu.memory_space<vmem>>
        tpu.enqueue_dma source(%arg3 : memref<72x128xf32, #tpu.memory_space<hbm>>) target(%dma_start3A_13 : memref<72x128xf32, #tpu.memory_space<vmem>>) target_semaphore(%run_scoped3A : memref<!tpu.dma_semaphore, #tpu.memory_space<semaphore_mem>>)
        %dma_wait3A = arith.constant 0 : i32
        %dma_wait3A_14 = arith.constant 0 : i32
        %dma_wait3A_15 = tpu.memref_slice %arg5[%dma_wait3A, %dma_wait3A_14] : memref<128x128xf32, #tpu.memory_space<vmem>> -> memref<72x128xf32, #tpu.memory_space<vmem>>
        %dma_wait3A_16 = arith.constant 0 : i32
        %dma_wait3A_17 = arith.constant 0 : i32
        %dma_wait3A_18 = tpu.memref_slice %arg5[%dma_wait3A_16, %dma_wait3A_17] : memref<128x128xf32, #tpu.memory_space<vmem>> -> memref<72x128xf32, #tpu.memory_space<vmem>>
        tpu.wait_dma2 semaphore(%run_scoped3A : memref<!tpu.dma_semaphore, #tpu.memory_space<semaphore_mem>>) src(%arg3 : memref<72x128xf32, #tpu.memory_space<hbm>>) dst(%dma_wait3A_18 : memref<72x128xf32, #tpu.memory_space<vmem>>)
        tpu.yield
      }) : () -> ()
      "tpu.region"() ({
        %run_scoped3A = tpu.sem_alloc : memref<!tpu.dma_semaphore, #tpu.memory_space<semaphore_mem>>
        %dma_start3A = arith.constant 0 : i32
        %dma_start3A_9 = arith.constant 0 : i32
        %dma_start3A_10 = tpu.memref_slice %arg5[%dma_start3A, %dma_start3A_9] : memref<128x128xf32, #tpu.memory_space<vmem>> -> memref<72x128xf32, #tpu.memory_space<vmem>>
        %dma_start3A_11 = arith.constant 124928 : i32
        %dma_start3A_12 = arith.constant 0 : i32
        %dma_start3A_13 = tpu.memref_slice %arg4[%dma_start3A_11, %dma_start3A_12] : memref<125000x128xf32, #tpu.memory_space<hbm>> -> memref<72x128xf32, #tpu.memory_space<hbm>>
        %dma_start3A_14 = arith.constant 124928 : i32
        %dma_start3A_15 = arith.constant 0 : i32
        %dma_start3A_16 = tpu.memref_slice %arg4[%dma_start3A_14, %dma_start3A_15] : memref<125000x128xf32, #tpu.memory_space<hbm>> -> memref<72x128xf32, #tpu.memory_space<hbm>>
        %dma_start3A_17 = arith.constant 0 : i32
        %dma_start3A_18 = arith.constant 0 : i32
        %dma_start3A_19 = tpu.memref_slice %arg5[%dma_start3A_17, %dma_start3A_18] : memref<128x128xf32, #tpu.memory_space<vmem>> -> memref<72x128xf32, #tpu.memory_space<vmem>>
        tpu.enqueue_dma source(%dma_start3A_19 : memref<72x128xf32, #tpu.memory_space<vmem>>) target(%dma_start3A_16 : memref<72x128xf32, #tpu.memory_space<hbm>>) target_semaphore(%run_scoped3A : memref<!tpu.dma_semaphore, #tpu.memory_space<semaphore_mem>>)
        %dma_wait3A = arith.constant 0 : i32
        %dma_wait3A_20 = arith.constant 0 : i32
        %dma_wait3A_21 = tpu.memref_slice %arg5[%dma_wait3A, %dma_wait3A_20] : memref<128x128xf32, #tpu.memory_space<vmem>> -> memref<72x128xf32, #tpu.memory_space<vmem>>
        %dma_wait3A_22 = arith.constant 124928 : i32
        %dma_wait3A_23 = arith.constant 0 : i32
        %dma_wait3A_24 = tpu.memref_slice %arg4[%dma_wait3A_22, %dma_wait3A_23] : memref<125000x128xf32, #tpu.memory_space<hbm>> -> memref<72x128xf32, #tpu.memory_space<hbm>>
        %dma_wait3A_25 = arith.constant 124928 : i32
        %dma_wait3A_26 = arith.constant 0 : i32
        %dma_wait3A_27 = tpu.memref_slice %arg4[%dma_wait3A_25, %dma_wait3A_26] : memref<125000x128xf32, #tpu.memory_space<hbm>> -> memref<72x128xf32, #tpu.memory_space<hbm>>
        %dma_wait3A_28 = arith.constant 0 : i32
        %dma_wait3A_29 = arith.constant 0 : i32
        %dma_wait3A_30 = tpu.memref_slice %arg5[%dma_wait3A_28, %dma_wait3A_29] : memref<128x128xf32, #tpu.memory_space<vmem>> -> memref<72x128xf32, #tpu.memory_space<vmem>>
        tpu.wait_dma2 semaphore(%run_scoped3A : memref<!tpu.dma_semaphore, #tpu.memory_space<semaphore_mem>>) src(%dma_wait3A_30 : memref<72x128xf32, #tpu.memory_space<vmem>>) dst(%dma_wait3A_27 : memref<72x128xf32, #tpu.memory_space<hbm>>)
        tpu.yield
      }) : () -> ()
    } else {
    }
    return
  }
}

#map = affine_map<(d0, d1) -> (0)>
#map1 = affine_map<(d0, d1) -> (0, 0)>
module attributes {stable_mosaic.version = 14 : i64} {
  func.func @body(%arg0: i32, %arg1: i32, %arg2: memref<2457600xi32, #tpu.memory_space<hbm>>, %arg3: memref<1000000x16xf32, #tpu.memory_space<hbm>>, %arg4: memref<1000000x16xf32, #tpu.memory_space<hbm>>, %arg5: memref<1000000x16xf32, #tpu.memory_space<hbm>>, %arg6: memref<262144xf32, #tpu.memory_space<hbm>>, %arg7: memref<1200xi32, #tpu.memory_space<vmem>>, %arg8: memref<1200xi32, #tpu.memory_space<vmem>>, %arg9: memref<1200x16xf32, #tpu.memory_space<vmem>>, %arg10: memref<1200x16xf32, #tpu.memory_space<vmem>>, %arg11: memref<8192xf32, #tpu.memory_space<vmem>>, %arg12: memref<!tpu.dma_semaphore, #tpu.memory_space<semaphore_mem>>, %arg13: memref<!tpu.dma_semaphore, #tpu.memory_space<semaphore_mem>>) attributes {dimension_semantics = [#tpu.dimension_semantics<core_parallel>, #tpu.dimension_semantics<subcore_parallel>], iteration_bounds = array<i64: 2, 16>, scalar_prefetch = 0 : i64, scratch_operands = 7 : i64, tpu.core_type = #tpu.core_type<sc_vector_subcore>, window_params = [{transform_indices = #map}, {transform_indices = #map1}, {transform_indices = #map1}, {transform_indices = #map1}, {transform_indices = #map}]} {
    %mul3A = arith.constant 2 : i32
    %mul3A_0 = arith.muli %arg1, %mul3A : i32
    %add3A = arith.addi %mul3A_0, %arg0 : i32
    %mul3A_1 = arith.constant 128 : i32
    %mul3A_2 = arith.muli %add3A, %mul3A_1 : i32
    %add3A_3 = arith.constant 0 : i32
    %add3A_4 = arith.addi %mul3A_2, %add3A_3 : i32
    %mul3A_5 = arith.constant 200 : i32
    %mul3A_6 = arith.muli %add3A_4, %mul3A_5 : i32
    %multiple_of3A = tpu.assume_multiple %mul3A_6, 400 : i32
    %add3A_7 = arith.constant 0 : i32
    %add3A_8 = arith.addi %add3A_7, %multiple_of3A : i32
    "tpu.region"() ({
      %run_scoped3A = tpu.sem_alloc : memref<!tpu.dma_semaphore, #tpu.memory_space<semaphore_mem>>
      %dma_start3A_144 = arith.constant 0 : i32
      %dma_start3A_145 = tpu.memref_slice %arg7[%dma_start3A_144] : memref<1200xi32, #tpu.memory_space<vmem>> -> memref<400xi32, #tpu.memory_space<vmem>>
      %dma_start3A_146 = tpu.memref_slice %arg2[%add3A_8] : memref<2457600xi32, #tpu.memory_space<hbm>> -> memref<400xi32, #tpu.memory_space<hbm>>
      %dma_start3A_147 = arith.constant 0 : i32
      %dma_start3A_148 = tpu.memref_slice %arg7[%dma_start3A_147] : memref<1200xi32, #tpu.memory_space<vmem>> -> memref<400xi32, #tpu.memory_space<vmem>>
      %dma_start3A_149 = tpu.memref_slice %arg2[%add3A_8] : memref<2457600xi32, #tpu.memory_space<hbm>> -> memref<400xi32, #tpu.memory_space<hbm>>
      tpu.enqueue_dma source(%dma_start3A_149 : memref<400xi32, #tpu.memory_space<hbm>>) target(%dma_start3A_148 : memref<400xi32, #tpu.memory_space<vmem>>) target_semaphore(%run_scoped3A : memref<!tpu.dma_semaphore, #tpu.memory_space<semaphore_mem>>)
      %dma_wait3A = arith.constant 0 : i32
      %dma_wait3A_150 = tpu.memref_slice %arg7[%dma_wait3A] : memref<1200xi32, #tpu.memory_space<vmem>> -> memref<400xi32, #tpu.memory_space<vmem>>
      %dma_wait3A_151 = tpu.memref_slice %arg2[%add3A_8] : memref<2457600xi32, #tpu.memory_space<hbm>> -> memref<400xi32, #tpu.memory_space<hbm>>
      %dma_wait3A_152 = arith.constant 0 : i32
      %dma_wait3A_153 = tpu.memref_slice %arg7[%dma_wait3A_152] : memref<1200xi32, #tpu.memory_space<vmem>> -> memref<400xi32, #tpu.memory_space<vmem>>
      %dma_wait3A_154 = tpu.memref_slice %arg2[%add3A_8] : memref<2457600xi32, #tpu.memory_space<hbm>> -> memref<400xi32, #tpu.memory_space<hbm>>
      tpu.wait_dma2 semaphore(%run_scoped3A : memref<!tpu.dma_semaphore, #tpu.memory_space<semaphore_mem>>) src(%dma_wait3A_154 : memref<400xi32, #tpu.memory_space<hbm>>) dst(%dma_wait3A_153 : memref<400xi32, #tpu.memory_space<vmem>>)
      tpu.yield
    }) : () -> ()
    %add3A_9 = arith.constant 819200 : i32
    %add3A_10 = arith.addi %add3A_9, %multiple_of3A : i32
    "tpu.region"() ({
      %run_scoped3A = tpu.sem_alloc : memref<!tpu.dma_semaphore, #tpu.memory_space<semaphore_mem>>
      %dma_start3A_144 = arith.constant 400 : i32
      %dma_start3A_145 = tpu.memref_slice %arg7[%dma_start3A_144] : memref<1200xi32, #tpu.memory_space<vmem>> -> memref<400xi32, #tpu.memory_space<vmem>>
      %dma_start3A_146 = tpu.memref_slice %arg2[%add3A_10] : memref<2457600xi32, #tpu.memory_space<hbm>> -> memref<400xi32, #tpu.memory_space<hbm>>
      %dma_start3A_147 = arith.constant 400 : i32
      %dma_start3A_148 = tpu.memref_slice %arg7[%dma_start3A_147] : memref<1200xi32, #tpu.memory_space<vmem>> -> memref<400xi32, #tpu.memory_space<vmem>>
      %dma_start3A_149 = tpu.memref_slice %arg2[%add3A_10] : memref<2457600xi32, #tpu.memory_space<hbm>> -> memref<400xi32, #tpu.memory_space<hbm>>
      tpu.enqueue_dma source(%dma_start3A_149 : memref<400xi32, #tpu.memory_space<hbm>>) target(%dma_start3A_148 : memref<400xi32, #tpu.memory_space<vmem>>) target_semaphore(%run_scoped3A : memref<!tpu.dma_semaphore, #tpu.memory_space<semaphore_mem>>)
      %dma_wait3A = arith.constant 400 : i32
      %dma_wait3A_150 = tpu.memref_slice %arg7[%dma_wait3A] : memref<1200xi32, #tpu.memory_space<vmem>> -> memref<400xi32, #tpu.memory_space<vmem>>
      %dma_wait3A_151 = tpu.memref_slice %arg2[%add3A_10] : memref<2457600xi32, #tpu.memory_space<hbm>> -> memref<400xi32, #tpu.memory_space<hbm>>
      %dma_wait3A_152 = arith.constant 400 : i32
      %dma_wait3A_153 = tpu.memref_slice %arg7[%dma_wait3A_152] : memref<1200xi32, #tpu.memory_space<vmem>> -> memref<400xi32, #tpu.memory_space<vmem>>
      %dma_wait3A_154 = tpu.memref_slice %arg2[%add3A_10] : memref<2457600xi32, #tpu.memory_space<hbm>> -> memref<400xi32, #tpu.memory_space<hbm>>
      tpu.wait_dma2 semaphore(%run_scoped3A : memref<!tpu.dma_semaphore, #tpu.memory_space<semaphore_mem>>) src(%dma_wait3A_154 : memref<400xi32, #tpu.memory_space<hbm>>) dst(%dma_wait3A_153 : memref<400xi32, #tpu.memory_space<vmem>>)
      tpu.yield
    }) : () -> ()
    %add3A_11 = arith.constant 1638400 : i32
    %add3A_12 = arith.addi %add3A_11, %multiple_of3A : i32
    "tpu.region"() ({
      %run_scoped3A = tpu.sem_alloc : memref<!tpu.dma_semaphore, #tpu.memory_space<semaphore_mem>>
      %dma_start3A_144 = arith.constant 800 : i32
      %dma_start3A_145 = tpu.memref_slice %arg7[%dma_start3A_144] : memref<1200xi32, #tpu.memory_space<vmem>> -> memref<400xi32, #tpu.memory_space<vmem>>
      %dma_start3A_146 = tpu.memref_slice %arg2[%add3A_12] : memref<2457600xi32, #tpu.memory_space<hbm>> -> memref<400xi32, #tpu.memory_space<hbm>>
      %dma_start3A_147 = arith.constant 800 : i32
      %dma_start3A_148 = tpu.memref_slice %arg7[%dma_start3A_147] : memref<1200xi32, #tpu.memory_space<vmem>> -> memref<400xi32, #tpu.memory_space<vmem>>
      %dma_start3A_149 = tpu.memref_slice %arg2[%add3A_12] : memref<2457600xi32, #tpu.memory_space<hbm>> -> memref<400xi32, #tpu.memory_space<hbm>>
      tpu.enqueue_dma source(%dma_start3A_149 : memref<400xi32, #tpu.memory_space<hbm>>) target(%dma_start3A_148 : memref<400xi32, #tpu.memory_space<vmem>>) target_semaphore(%run_scoped3A : memref<!tpu.dma_semaphore, #tpu.memory_space<semaphore_mem>>)
      %dma_wait3A = arith.constant 800 : i32
      %dma_wait3A_150 = tpu.memref_slice %arg7[%dma_wait3A] : memref<1200xi32, #tpu.memory_space<vmem>> -> memref<400xi32, #tpu.memory_space<vmem>>
      %dma_wait3A_151 = tpu.memref_slice %arg2[%add3A_12] : memref<2457600xi32, #tpu.memory_space<hbm>> -> memref<400xi32, #tpu.memory_space<hbm>>
      %dma_wait3A_152 = arith.constant 800 : i32
      %dma_wait3A_153 = tpu.memref_slice %arg7[%dma_wait3A_152] : memref<1200xi32, #tpu.memory_space<vmem>> -> memref<400xi32, #tpu.memory_space<vmem>>
      %dma_wait3A_154 = tpu.memref_slice %arg2[%add3A_12] : memref<2457600xi32, #tpu.memory_space<hbm>> -> memref<400xi32, #tpu.memory_space<hbm>>
      tpu.wait_dma2 semaphore(%run_scoped3A : memref<!tpu.dma_semaphore, #tpu.memory_space<semaphore_mem>>) src(%dma_wait3A_154 : memref<400xi32, #tpu.memory_space<hbm>>) dst(%dma_wait3A_153 : memref<400xi32, #tpu.memory_space<vmem>>)
      tpu.yield
    }) : () -> ()
    %dma_start3A = arith.constant 0 : i32
    %dma_start3A_13 = arith.constant 0 : i32
    %dma_start3A_14 = tpu.memref_slice %arg9[%dma_start3A, %dma_start3A_13] : memref<1200x16xf32, #tpu.memory_space<vmem>> -> memref<80x16xf32, #tpu.memory_space<vmem>>
    %dma_start3A_15 = arith.constant 0 : i32
    %dma_start3A_16 = tpu.memref_slice %arg7[%dma_start3A_15] : memref<1200xi32, #tpu.memory_space<vmem>> -> memref<80xi32, #tpu.memory_space<vmem>>
    %dma_start3A_17 = arith.constant 0 : i32
    %dma_start3A_18 = arith.constant 0 : i32
    %dma_start3A_19 = tpu.memref_slice %arg3[%dma_start3A_17, %dma_start3A_18] : memref<1000000x16xf32, #tpu.memory_space<hbm>> -> memref<1000000x16xf32, #tpu.memory_space<hbm>>
    tpu.enqueue_indirect_dma source(%dma_start3A_19 : memref<1000000x16xf32, #tpu.memory_space<hbm>>) target(%dma_start3A_14 : memref<80x16xf32, #tpu.memory_space<vmem>>) offsets(%dma_start3A_16 : memref<80xi32, #tpu.memory_space<vmem>>) semaphore(%arg12 : memref<!tpu.dma_semaphore, #tpu.memory_space<semaphore_mem>>)
    %dma_start3A_20 = arith.constant 80 : i32
    %dma_start3A_21 = arith.constant 0 : i32
    %dma_start3A_22 = tpu.memref_slice %arg9[%dma_start3A_20, %dma_start3A_21] : memref<1200x16xf32, #tpu.memory_space<vmem>> -> memref<80x16xf32, #tpu.memory_space<vmem>>
    %dma_start3A_23 = arith.constant 80 : i32
    %dma_start3A_24 = tpu.memref_slice %arg7[%dma_start3A_23] : memref<1200xi32, #tpu.memory_space<vmem>> -> memref<80xi32, #tpu.memory_space<vmem>>
    %dma_start3A_25 = arith.constant 0 : i32
    %dma_start3A_26 = arith.constant 0 : i32
    %dma_start3A_27 = tpu.memref_slice %arg3[%dma_start3A_25, %dma_start3A_26] : memref<1000000x16xf32, #tpu.memory_space<hbm>> -> memref<1000000x16xf32, #tpu.memory_space<hbm>>
    tpu.enqueue_indirect_dma source(%dma_start3A_27 : memref<1000000x16xf32, #tpu.memory_space<hbm>>) target(%dma_start3A_22 : memref<80x16xf32, #tpu.memory_space<vmem>>) offsets(%dma_start3A_24 : memref<80xi32, #tpu.memory_space<vmem>>) semaphore(%arg12 : memref<!tpu.dma_semaphore, #tpu.memory_space<semaphore_mem>>)
    %dma_start3A_28 = arith.constant 160 : i32
    %dma_start3A_29 = arith.constant 0 : i32
    %dma_start3A_30 = tpu.memref_slice %arg9[%dma_start3A_28, %dma_start3A_29] : memref<1200x16xf32, #tpu.memory_space<vmem>> -> memref<80x16xf32, #tpu.memory_space<vmem>>
    %dma_start3A_31 = arith.constant 160 : i32
    %dma_start3A_32 = tpu.memref_slice %arg7[%dma_start3A_31] : memref<1200xi32, #tpu.memory_space<vmem>> -> memref<80xi32, #tpu.memory_space<vmem>>
    %dma_start3A_33 = arith.constant 0 : i32
    %dma_start3A_34 = arith.constant 0 : i32
    %dma_start3A_35 = tpu.memref_slice %arg3[%dma_start3A_33, %dma_start3A_34] : memref<1000000x16xf32, #tpu.memory_space<hbm>> -> memref<1000000x16xf32, #tpu.memory_space<hbm>>
    tpu.enqueue_indirect_dma source(%dma_start3A_35 : memref<1000000x16xf32, #tpu.memory_space<hbm>>) target(%dma_start3A_30 : memref<80x16xf32, #tpu.memory_space<vmem>>) offsets(%dma_start3A_32 : memref<80xi32, #tpu.memory_space<vmem>>) semaphore(%arg12 : memref<!tpu.dma_semaphore, #tpu.memory_space<semaphore_mem>>)
    %dma_start3A_36 = arith.constant 240 : i32
    %dma_start3A_37 = arith.constant 0 : i32
    %dma_start3A_38 = tpu.memref_slice %arg9[%dma_start3A_36, %dma_start3A_37] : memref<1200x16xf32, #tpu.memory_space<vmem>> -> memref<80x16xf32, #tpu.memory_space<vmem>>
    %dma_start3A_39 = arith.constant 240 : i32
    %dma_start3A_40 = tpu.memref_slice %arg7[%dma_start3A_39] : memref<1200xi32, #tpu.memory_space<vmem>> -> memref<80xi32, #tpu.memory_space<vmem>>
    %dma_start3A_41 = arith.constant 0 : i32
    %dma_start3A_42 = arith.constant 0 : i32
    %dma_start3A_43 = tpu.memref_slice %arg3[%dma_start3A_41, %dma_start3A_42] : memref<1000000x16xf32, #tpu.memory_space<hbm>> -> memref<1000000x16xf32, #tpu.memory_space<hbm>>
    tpu.enqueue_indirect_dma source(%dma_start3A_43 : memref<1000000x16xf32, #tpu.memory_space<hbm>>) target(%dma_start3A_38 : memref<80x16xf32, #tpu.memory_space<vmem>>) offsets(%dma_start3A_40 : memref<80xi32, #tpu.memory_space<vmem>>) semaphore(%arg12 : memref<!tpu.dma_semaphore, #tpu.memory_space<semaphore_mem>>)
    %dma_start3A_44 = arith.constant 320 : i32
    %dma_start3A_45 = arith.constant 0 : i32
    %dma_start3A_46 = tpu.memref_slice %arg9[%dma_start3A_44, %dma_start3A_45] : memref<1200x16xf32, #tpu.memory_space<vmem>> -> memref<80x16xf32, #tpu.memory_space<vmem>>
    %dma_start3A_47 = arith.constant 320 : i32
    %dma_start3A_48 = tpu.memref_slice %arg7[%dma_start3A_47] : memref<1200xi32, #tpu.memory_space<vmem>> -> memref<80xi32, #tpu.memory_space<vmem>>
    %dma_start3A_49 = arith.constant 0 : i32
    %dma_start3A_50 = arith.constant 0 : i32
    %dma_start3A_51 = tpu.memref_slice %arg3[%dma_start3A_49, %dma_start3A_50] : memref<1000000x16xf32, #tpu.memory_space<hbm>> -> memref<1000000x16xf32, #tpu.memory_space<hbm>>
    tpu.enqueue_indirect_dma source(%dma_start3A_51 : memref<1000000x16xf32, #tpu.memory_space<hbm>>) target(%dma_start3A_46 : memref<80x16xf32, #tpu.memory_space<vmem>>) offsets(%dma_start3A_48 : memref<80xi32, #tpu.memory_space<vmem>>) semaphore(%arg12 : memref<!tpu.dma_semaphore, #tpu.memory_space<semaphore_mem>>)
    %dma_start3A_52 = arith.constant 400 : i32
    %dma_start3A_53 = arith.constant 0 : i32
    %dma_start3A_54 = tpu.memref_slice %arg9[%dma_start3A_52, %dma_start3A_53] : memref<1200x16xf32, #tpu.memory_space<vmem>> -> memref<80x16xf32, #tpu.memory_space<vmem>>
    %dma_start3A_55 = arith.constant 400 : i32
    %dma_start3A_56 = tpu.memref_slice %arg7[%dma_start3A_55] : memref<1200xi32, #tpu.memory_space<vmem>> -> memref<80xi32, #tpu.memory_space<vmem>>
    %dma_start3A_57 = arith.constant 0 : i32
    %dma_start3A_58 = arith.constant 0 : i32
    %dma_start3A_59 = tpu.memref_slice %arg4[%dma_start3A_57, %dma_start3A_58] : memref<1000000x16xf32, #tpu.memory_space<hbm>> -> memref<1000000x16xf32, #tpu.memory_space<hbm>>
    tpu.enqueue_indirect_dma source(%dma_start3A_59 : memref<1000000x16xf32, #tpu.memory_space<hbm>>) target(%dma_start3A_54 : memref<80x16xf32, #tpu.memory_space<vmem>>) offsets(%dma_start3A_56 : memref<80xi32, #tpu.memory_space<vmem>>) semaphore(%arg12 : memref<!tpu.dma_semaphore, #tpu.memory_space<semaphore_mem>>)
    %dma_start3A_60 = arith.constant 480 : i32
    %dma_start3A_61 = arith.constant 0 : i32
    %dma_start3A_62 = tpu.memref_slice %arg9[%dma_start3A_60, %dma_start3A_61] : memref<1200x16xf32, #tpu.memory_space<vmem>> -> memref<80x16xf32, #tpu.memory_space<vmem>>
    %dma_start3A_63 = arith.constant 480 : i32
    %dma_start3A_64 = tpu.memref_slice %arg7[%dma_start3A_63] : memref<1200xi32, #tpu.memory_space<vmem>> -> memref<80xi32, #tpu.memory_space<vmem>>
    %dma_start3A_65 = arith.constant 0 : i32
    %dma_start3A_66 = arith.constant 0 : i32
    %dma_start3A_67 = tpu.memref_slice %arg4[%dma_start3A_65, %dma_start3A_66] : memref<1000000x16xf32, #tpu.memory_space<hbm>> -> memref<1000000x16xf32, #tpu.memory_space<hbm>>
    tpu.enqueue_indirect_dma source(%dma_start3A_67 : memref<1000000x16xf32, #tpu.memory_space<hbm>>) target(%dma_start3A_62 : memref<80x16xf32, #tpu.memory_space<vmem>>) offsets(%dma_start3A_64 : memref<80xi32, #tpu.memory_space<vmem>>) semaphore(%arg12 : memref<!tpu.dma_semaphore, #tpu.memory_space<semaphore_mem>>)
    %dma_start3A_68 = arith.constant 560 : i32
    %dma_start3A_69 = arith.constant 0 : i32
    %dma_start3A_70 = tpu.memref_slice %arg9[%dma_start3A_68, %dma_start3A_69] : memref<1200x16xf32, #tpu.memory_space<vmem>> -> memref<80x16xf32, #tpu.memory_space<vmem>>
    %dma_start3A_71 = arith.constant 560 : i32
    %dma_start3A_72 = tpu.memref_slice %arg7[%dma_start3A_71] : memref<1200xi32, #tpu.memory_space<vmem>> -> memref<80xi32, #tpu.memory_space<vmem>>
    %dma_start3A_73 = arith.constant 0 : i32
    %dma_start3A_74 = arith.constant 0 : i32
    %dma_start3A_75 = tpu.memref_slice %arg4[%dma_start3A_73, %dma_start3A_74] : memref<1000000x16xf32, #tpu.memory_space<hbm>> -> memref<1000000x16xf32, #tpu.memory_space<hbm>>
    tpu.enqueue_indirect_dma source(%dma_start3A_75 : memref<1000000x16xf32, #tpu.memory_space<hbm>>) target(%dma_start3A_70 : memref<80x16xf32, #tpu.memory_space<vmem>>) offsets(%dma_start3A_72 : memref<80xi32, #tpu.memory_space<vmem>>) semaphore(%arg12 : memref<!tpu.dma_semaphore, #tpu.memory_space<semaphore_mem>>)
    %dma_start3A_76 = arith.constant 640 : i32
    %dma_start3A_77 = arith.constant 0 : i32
    %dma_start3A_78 = tpu.memref_slice %arg9[%dma_start3A_76, %dma_start3A_77] : memref<1200x16xf32, #tpu.memory_space<vmem>> -> memref<80x16xf32, #tpu.memory_space<vmem>>
    %dma_start3A_79 = arith.constant 640 : i32
    %dma_start3A_80 = tpu.memref_slice %arg7[%dma_start3A_79] : memref<1200xi32, #tpu.memory_space<vmem>> -> memref<80xi32, #tpu.memory_space<vmem>>
    %dma_start3A_81 = arith.constant 0 : i32
    %dma_start3A_82 = arith.constant 0 : i32
    %dma_start3A_83 = tpu.memref_slice %arg4[%dma_start3A_81, %dma_start3A_82] : memref<1000000x16xf32, #tpu.memory_space<hbm>> -> memref<1000000x16xf32, #tpu.memory_space<hbm>>
    tpu.enqueue_indirect_dma source(%dma_start3A_83 : memref<1000000x16xf32, #tpu.memory_space<hbm>>) target(%dma_start3A_78 : memref<80x16xf32, #tpu.memory_space<vmem>>) offsets(%dma_start3A_80 : memref<80xi32, #tpu.memory_space<vmem>>) semaphore(%arg12 : memref<!tpu.dma_semaphore, #tpu.memory_space<semaphore_mem>>)
    %dma_start3A_84 = arith.constant 720 : i32
    %dma_start3A_85 = arith.constant 0 : i32
    %dma_start3A_86 = tpu.memref_slice %arg9[%dma_start3A_84, %dma_start3A_85] : memref<1200x16xf32, #tpu.memory_space<vmem>> -> memref<80x16xf32, #tpu.memory_space<vmem>>
    %dma_start3A_87 = arith.constant 720 : i32
    %dma_start3A_88 = tpu.memref_slice %arg7[%dma_start3A_87] : memref<1200xi32, #tpu.memory_space<vmem>> -> memref<80xi32, #tpu.memory_space<vmem>>
    %dma_start3A_89 = arith.constant 0 : i32
    %dma_start3A_90 = arith.constant 0 : i32
    %dma_start3A_91 = tpu.memref_slice %arg4[%dma_start3A_89, %dma_start3A_90] : memref<1000000x16xf32, #tpu.memory_space<hbm>> -> memref<1000000x16xf32, #tpu.memory_space<hbm>>
    tpu.enqueue_indirect_dma source(%dma_start3A_91 : memref<1000000x16xf32, #tpu.memory_space<hbm>>) target(%dma_start3A_86 : memref<80x16xf32, #tpu.memory_space<vmem>>) offsets(%dma_start3A_88 : memref<80xi32, #tpu.memory_space<vmem>>) semaphore(%arg12 : memref<!tpu.dma_semaphore, #tpu.memory_space<semaphore_mem>>)
    %dma_start3A_92 = arith.constant 800 : i32
    %dma_start3A_93 = arith.constant 0 : i32
    %dma_start3A_94 = tpu.memref_slice %arg9[%dma_start3A_92, %dma_start3A_93] : memref<1200x16xf32, #tpu.memory_space<vmem>> -> memref<80x16xf32, #tpu.memory_space<vmem>>
    %dma_start3A_95 = arith.constant 800 : i32
    %dma_start3A_96 = tpu.memref_slice %arg7[%dma_start3A_95] : memref<1200xi32, #tpu.memory_space<vmem>> -> memref<80xi32, #tpu.memory_space<vmem>>
    %dma_start3A_97 = arith.constant 0 : i32
    %dma_start3A_98 = arith.constant 0 : i32
    %dma_start3A_99 = tpu.memref_slice %arg5[%dma_start3A_97, %dma_start3A_98] : memref<1000000x16xf32, #tpu.memory_space<hbm>> -> memref<1000000x16xf32, #tpu.memory_space<hbm>>
    tpu.enqueue_indirect_dma source(%dma_start3A_99 : memref<1000000x16xf32, #tpu.memory_space<hbm>>) target(%dma_start3A_94 : memref<80x16xf32, #tpu.memory_space<vmem>>) offsets(%dma_start3A_96 : memref<80xi32, #tpu.memory_space<vmem>>) semaphore(%arg12 : memref<!tpu.dma_semaphore, #tpu.memory_space<semaphore_mem>>)
    %dma_start3A_100 = arith.constant 880 : i32
    %dma_start3A_101 = arith.constant 0 : i32
    %dma_start3A_102 = tpu.memref_slice %arg9[%dma_start3A_100, %dma_start3A_101] : memref<1200x16xf32, #tpu.memory_space<vmem>> -> memref<80x16xf32, #tpu.memory_space<vmem>>
    %dma_start3A_103 = arith.constant 880 : i32
    %dma_start3A_104 = tpu.memref_slice %arg7[%dma_start3A_103] : memref<1200xi32, #tpu.memory_space<vmem>> -> memref<80xi32, #tpu.memory_space<vmem>>
    %dma_start3A_105 = arith.constant 0 : i32
    %dma_start3A_106 = arith.constant 0 : i32
    %dma_start3A_107 = tpu.memref_slice %arg5[%dma_start3A_105, %dma_start3A_106] : memref<1000000x16xf32, #tpu.memory_space<hbm>> -> memref<1000000x16xf32, #tpu.memory_space<hbm>>
    tpu.enqueue_indirect_dma source(%dma_start3A_107 : memref<1000000x16xf32, #tpu.memory_space<hbm>>) target(%dma_start3A_102 : memref<80x16xf32, #tpu.memory_space<vmem>>) offsets(%dma_start3A_104 : memref<80xi32, #tpu.memory_space<vmem>>) semaphore(%arg12 : memref<!tpu.dma_semaphore, #tpu.memory_space<semaphore_mem>>)
    %dma_start3A_108 = arith.constant 960 : i32
    %dma_start3A_109 = arith.constant 0 : i32
    %dma_start3A_110 = tpu.memref_slice %arg9[%dma_start3A_108, %dma_start3A_109] : memref<1200x16xf32, #tpu.memory_space<vmem>> -> memref<80x16xf32, #tpu.memory_space<vmem>>
    %dma_start3A_111 = arith.constant 960 : i32
    %dma_start3A_112 = tpu.memref_slice %arg7[%dma_start3A_111] : memref<1200xi32, #tpu.memory_space<vmem>> -> memref<80xi32, #tpu.memory_space<vmem>>
    %dma_start3A_113 = arith.constant 0 : i32
    %dma_start3A_114 = arith.constant 0 : i32
    %dma_start3A_115 = tpu.memref_slice %arg5[%dma_start3A_113, %dma_start3A_114] : memref<1000000x16xf32, #tpu.memory_space<hbm>> -> memref<1000000x16xf32, #tpu.memory_space<hbm>>
    tpu.enqueue_indirect_dma source(%dma_start3A_115 : memref<1000000x16xf32, #tpu.memory_space<hbm>>) target(%dma_start3A_110 : memref<80x16xf32, #tpu.memory_space<vmem>>) offsets(%dma_start3A_112 : memref<80xi32, #tpu.memory_space<vmem>>) semaphore(%arg12 : memref<!tpu.dma_semaphore, #tpu.memory_space<semaphore_mem>>)
    %dma_start3A_116 = arith.constant 1040 : i32
    %dma_start3A_117 = arith.constant 0 : i32
    %dma_start3A_118 = tpu.memref_slice %arg9[%dma_start3A_116, %dma_start3A_117] : memref<1200x16xf32, #tpu.memory_space<vmem>> -> memref<80x16xf32, #tpu.memory_space<vmem>>
    %dma_start3A_119 = arith.constant 1040 : i32
    %dma_start3A_120 = tpu.memref_slice %arg7[%dma_start3A_119] : memref<1200xi32, #tpu.memory_space<vmem>> -> memref<80xi32, #tpu.memory_space<vmem>>
    %dma_start3A_121 = arith.constant 0 : i32
    %dma_start3A_122 = arith.constant 0 : i32
    %dma_start3A_123 = tpu.memref_slice %arg5[%dma_start3A_121, %dma_start3A_122] : memref<1000000x16xf32, #tpu.memory_space<hbm>> -> memref<1000000x16xf32, #tpu.memory_space<hbm>>
    tpu.enqueue_indirect_dma source(%dma_start3A_123 : memref<1000000x16xf32, #tpu.memory_space<hbm>>) target(%dma_start3A_118 : memref<80x16xf32, #tpu.memory_space<vmem>>) offsets(%dma_start3A_120 : memref<80xi32, #tpu.memory_space<vmem>>) semaphore(%arg12 : memref<!tpu.dma_semaphore, #tpu.memory_space<semaphore_mem>>)
    %dma_start3A_124 = arith.constant 1120 : i32
    %dma_start3A_125 = arith.constant 0 : i32
    %dma_start3A_126 = tpu.memref_slice %arg9[%dma_start3A_124, %dma_start3A_125] : memref<1200x16xf32, #tpu.memory_space<vmem>> -> memref<80x16xf32, #tpu.memory_space<vmem>>
    %dma_start3A_127 = arith.constant 1120 : i32
    %dma_start3A_128 = tpu.memref_slice %arg7[%dma_start3A_127] : memref<1200xi32, #tpu.memory_space<vmem>> -> memref<80xi32, #tpu.memory_space<vmem>>
    %dma_start3A_129 = arith.constant 0 : i32
    %dma_start3A_130 = arith.constant 0 : i32
    %dma_start3A_131 = tpu.memref_slice %arg5[%dma_start3A_129, %dma_start3A_130] : memref<1000000x16xf32, #tpu.memory_space<hbm>> -> memref<1000000x16xf32, #tpu.memory_space<hbm>>
    tpu.enqueue_indirect_dma source(%dma_start3A_131 : memref<1000000x16xf32, #tpu.memory_space<hbm>>) target(%dma_start3A_126 : memref<80x16xf32, #tpu.memory_space<vmem>>) offsets(%dma_start3A_128 : memref<80xi32, #tpu.memory_space<vmem>>) semaphore(%arg12 : memref<!tpu.dma_semaphore, #tpu.memory_space<semaphore_mem>>)
    %scan3A = arith.constant 0 : i32
    %scan3A_132 = arith.constant 0 : i32
    %scan3A_133 = arith.constant 32 : i32
    %scan3A_134 = arith.addi %scan3A_132, %scan3A_133 : i32
    %scan3A_135 = arith.constant 1 : i32
    %scan3A_136 = scf.for %scan3A_144 = %scan3A_132 to %scan3A_134 step %scan3A_135 iter_args(%scan3A_145 = %scan3A) -> (i32)  : i32 {
      %mul3A_146 = arith.constant 2 : i32
      %mul3A_147 = arith.muli %scan3A_144, %mul3A_146 : i32
      %add3A_148 = arith.constant 1 : i32
      %add3A_149 = arith.addi %mul3A_147, %add3A_148 : i32
      %mul3A_150 = arith.constant 128 : i32
      %mul3A_151 = arith.muli %add3A, %mul3A_150 : i32
      %mul3A_152 = arith.constant 2 : i32
      %mul3A_153 = arith.muli %add3A_149, %mul3A_152 : i32
      %add3A_154 = arith.addi %mul3A_151, %mul3A_153 : i32
      %mul3A_155 = arith.constant 200 : i32
      %mul3A_156 = arith.muli %add3A_154, %mul3A_155 : i32
      %multiple_of3A_157 = tpu.assume_multiple %mul3A_156, 400 : i32
      %add3A_158 = arith.constant 0 : i32
      %add3A_159 = arith.addi %add3A_158, %multiple_of3A_157 : i32
      "tpu.region"() ({
        %run_scoped3A = tpu.sem_alloc : memref<!tpu.dma_semaphore, #tpu.memory_space<semaphore_mem>>
        %dma_start3A_500 = arith.constant 0 : i32
        %dma_start3A_501 = tpu.memref_slice %arg8[%dma_start3A_500] : memref<1200xi32, #tpu.memory_space<vmem>> -> memref<400xi32, #tpu.memory_space<vmem>>
        %dma_start3A_502 = tpu.memref_slice %arg2[%add3A_159] : memref<2457600xi32, #tpu.memory_space<hbm>> -> memref<400xi32, #tpu.memory_space<hbm>>
        %dma_start3A_503 = arith.constant 0 : i32
        %dma_start3A_504 = tpu.memref_slice %arg8[%dma_start3A_503] : memref<1200xi32, #tpu.memory_space<vmem>> -> memref<400xi32, #tpu.memory_space<vmem>>
        %dma_start3A_505 = tpu.memref_slice %arg2[%add3A_159] : memref<2457600xi32, #tpu.memory_space<hbm>> -> memref<400xi32, #tpu.memory_space<hbm>>
        tpu.enqueue_dma source(%dma_start3A_505 : memref<400xi32, #tpu.memory_space<hbm>>) target(%dma_start3A_504 : memref<400xi32, #tpu.memory_space<vmem>>) target_semaphore(%run_scoped3A : memref<!tpu.dma_semaphore, #tpu.memory_space<semaphore_mem>>)
        %dma_wait3A_506 = arith.constant 0 : i32
        %dma_wait3A_507 = tpu.memref_slice %arg8[%dma_wait3A_506] : memref<1200xi32, #tpu.memory_space<vmem>> -> memref<400xi32, #tpu.memory_space<vmem>>
        %dma_wait3A_508 = tpu.memref_slice %arg2[%add3A_159] : memref<2457600xi32, #tpu.memory_space<hbm>> -> memref<400xi32, #tpu.memory_space<hbm>>
        %dma_wait3A_509 = arith.constant 0 : i32
        %dma_wait3A_510 = tpu.memref_slice %arg8[%dma_wait3A_509] : memref<1200xi32, #tpu.memory_space<vmem>> -> memref<400xi32, #tpu.memory_space<vmem>>
        %dma_wait3A_511 = tpu.memref_slice %arg2[%add3A_159] : memref<2457600xi32, #tpu.memory_space<hbm>> -> memref<400xi32, #tpu.memory_space<hbm>>
        tpu.wait_dma2 semaphore(%run_scoped3A : memref<!tpu.dma_semaphore, #tpu.memory_space<semaphore_mem>>) src(%dma_wait3A_511 : memref<400xi32, #tpu.memory_space<hbm>>) dst(%dma_wait3A_510 : memref<400xi32, #tpu.memory_space<vmem>>)
        tpu.yield
      }) : () -> ()
      %add3A_160 = arith.constant 819200 : i32
      %add3A_161 = arith.addi %add3A_160, %multiple_of3A_157 : i32
      "tpu.region"() ({
        %run_scoped3A = tpu.sem_alloc : memref<!tpu.dma_semaphore, #tpu.memory_space<semaphore_mem>>
        %dma_start3A_500 = arith.constant 400 : i32
        %dma_start3A_501 = tpu.memref_slice %arg8[%dma_start3A_500] : memref<1200xi32, #tpu.memory_space<vmem>> -> memref<400xi32, #tpu.memory_space<vmem>>
        %dma_start3A_502 = tpu.memref_slice %arg2[%add3A_161] : memref<2457600xi32, #tpu.memory_space<hbm>> -> memref<400xi32, #tpu.memory_space<hbm>>
        %dma_start3A_503 = arith.constant 400 : i32
        %dma_start3A_504 = tpu.memref_slice %arg8[%dma_start3A_503] : memref<1200xi32, #tpu.memory_space<vmem>> -> memref<400xi32, #tpu.memory_space<vmem>>
        %dma_start3A_505 = tpu.memref_slice %arg2[%add3A_161] : memref<2457600xi32, #tpu.memory_space<hbm>> -> memref<400xi32, #tpu.memory_space<hbm>>
        tpu.enqueue_dma source(%dma_start3A_505 : memref<400xi32, #tpu.memory_space<hbm>>) target(%dma_start3A_504 : memref<400xi32, #tpu.memory_space<vmem>>) target_semaphore(%run_scoped3A : memref<!tpu.dma_semaphore, #tpu.memory_space<semaphore_mem>>)
        %dma_wait3A_506 = arith.constant 400 : i32
        %dma_wait3A_507 = tpu.memref_slice %arg8[%dma_wait3A_506] : memref<1200xi32, #tpu.memory_space<vmem>> -> memref<400xi32, #tpu.memory_space<vmem>>
        %dma_wait3A_508 = tpu.memref_slice %arg2[%add3A_161] : memref<2457600xi32, #tpu.memory_space<hbm>> -> memref<400xi32, #tpu.memory_space<hbm>>
        %dma_wait3A_509 = arith.constant 400 : i32
        %dma_wait3A_510 = tpu.memref_slice %arg8[%dma_wait3A_509] : memref<1200xi32, #tpu.memory_space<vmem>> -> memref<400xi32, #tpu.memory_space<vmem>>
        %dma_wait3A_511 = tpu.memref_slice %arg2[%add3A_161] : memref<2457600xi32, #tpu.memory_space<hbm>> -> memref<400xi32, #tpu.memory_space<hbm>>
        tpu.wait_dma2 semaphore(%run_scoped3A : memref<!tpu.dma_semaphore, #tpu.memory_space<semaphore_mem>>) src(%dma_wait3A_511 : memref<400xi32, #tpu.memory_space<hbm>>) dst(%dma_wait3A_510 : memref<400xi32, #tpu.memory_space<vmem>>)
        tpu.yield
      }) : () -> ()
      %add3A_162 = arith.constant 1638400 : i32
      %add3A_163 = arith.addi %add3A_162, %multiple_of3A_157 : i32
      "tpu.region"() ({
        %run_scoped3A = tpu.sem_alloc : memref<!tpu.dma_semaphore, #tpu.memory_space<semaphore_mem>>
        %dma_start3A_500 = arith.constant 800 : i32
        %dma_start3A_501 = tpu.memref_slice %arg8[%dma_start3A_500] : memref<1200xi32, #tpu.memory_space<vmem>> -> memref<400xi32, #tpu.memory_space<vmem>>
        %dma_start3A_502 = tpu.memref_slice %arg2[%add3A_163] : memref<2457600xi32, #tpu.memory_space<hbm>> -> memref<400xi32, #tpu.memory_space<hbm>>
        %dma_start3A_503 = arith.constant 800 : i32
        %dma_start3A_504 = tpu.memref_slice %arg8[%dma_start3A_503] : memref<1200xi32, #tpu.memory_space<vmem>> -> memref<400xi32, #tpu.memory_space<vmem>>
        %dma_start3A_505 = tpu.memref_slice %arg2[%add3A_163] : memref<2457600xi32, #tpu.memory_space<hbm>> -> memref<400xi32, #tpu.memory_space<hbm>>
        tpu.enqueue_dma source(%dma_start3A_505 : memref<400xi32, #tpu.memory_space<hbm>>) target(%dma_start3A_504 : memref<400xi32, #tpu.memory_space<vmem>>) target_semaphore(%run_scoped3A : memref<!tpu.dma_semaphore, #tpu.memory_space<semaphore_mem>>)
        %dma_wait3A_506 = arith.constant 800 : i32
        %dma_wait3A_507 = tpu.memref_slice %arg8[%dma_wait3A_506] : memref<1200xi32, #tpu.memory_space<vmem>> -> memref<400xi32, #tpu.memory_space<vmem>>
        %dma_wait3A_508 = tpu.memref_slice %arg2[%add3A_163] : memref<2457600xi32, #tpu.memory_space<hbm>> -> memref<400xi32, #tpu.memory_space<hbm>>
        %dma_wait3A_509 = arith.constant 800 : i32
        %dma_wait3A_510 = tpu.memref_slice %arg8[%dma_wait3A_509] : memref<1200xi32, #tpu.memory_space<vmem>> -> memref<400xi32, #tpu.memory_space<vmem>>
        %dma_wait3A_511 = tpu.memref_slice %arg2[%add3A_163] : memref<2457600xi32, #tpu.memory_space<hbm>> -> memref<400xi32, #tpu.memory_space<hbm>>
        tpu.wait_dma2 semaphore(%run_scoped3A : memref<!tpu.dma_semaphore, #tpu.memory_space<semaphore_mem>>) src(%dma_wait3A_511 : memref<400xi32, #tpu.memory_space<hbm>>) dst(%dma_wait3A_510 : memref<400xi32, #tpu.memory_space<vmem>>)
        tpu.yield
      }) : () -> ()
      %dma_start3A_164 = arith.constant 0 : i32
      %dma_start3A_165 = arith.constant 0 : i32
      %dma_start3A_166 = tpu.memref_slice %arg10[%dma_start3A_164, %dma_start3A_165] : memref<1200x16xf32, #tpu.memory_space<vmem>> -> memref<80x16xf32, #tpu.memory_space<vmem>>
      %dma_start3A_167 = arith.constant 0 : i32
      %dma_start3A_168 = tpu.memref_slice %arg8[%dma_start3A_167] : memref<1200xi32, #tpu.memory_space<vmem>> -> memref<80xi32, #tpu.memory_space<vmem>>
      %dma_start3A_169 = arith.constant 0 : i32
      %dma_start3A_170 = arith.constant 0 : i32
      %dma_start3A_171 = tpu.memref_slice %arg3[%dma_start3A_169, %dma_start3A_170] : memref<1000000x16xf32, #tpu.memory_space<hbm>> -> memref<1000000x16xf32, #tpu.memory_space<hbm>>
      tpu.enqueue_indirect_dma source(%dma_start3A_171 : memref<1000000x16xf32, #tpu.memory_space<hbm>>) target(%dma_start3A_166 : memref<80x16xf32, #tpu.memory_space<vmem>>) offsets(%dma_start3A_168 : memref<80xi32, #tpu.memory_space<vmem>>) semaphore(%arg13 : memref<!tpu.dma_semaphore, #tpu.memory_space<semaphore_mem>>)
      %dma_start3A_172 = arith.constant 80 : i32
      %dma_start3A_173 = arith.constant 0 : i32
      %dma_start3A_174 = tpu.memref_slice %arg10[%dma_start3A_172, %dma_start3A_173] : memref<1200x16xf32, #tpu.memory_space<vmem>> -> memref<80x16xf32, #tpu.memory_space<vmem>>
      %dma_start3A_175 = arith.constant 80 : i32
      %dma_start3A_176 = tpu.memref_slice %arg8[%dma_start3A_175] : memref<1200xi32, #tpu.memory_space<vmem>> -> memref<80xi32, #tpu.memory_space<vmem>>
      %dma_start3A_177 = arith.constant 0 : i32
      %dma_start3A_178 = arith.constant 0 : i32
      %dma_start3A_179 = tpu.memref_slice %arg3[%dma_start3A_177, %dma_start3A_178] : memref<1000000x16xf32, #tpu.memory_space<hbm>> -> memref<1000000x16xf32, #tpu.memory_space<hbm>>
      tpu.enqueue_indirect_dma source(%dma_start3A_179 : memref<1000000x16xf32, #tpu.memory_space<hbm>>) target(%dma_start3A_174 : memref<80x16xf32, #tpu.memory_space<vmem>>) offsets(%dma_start3A_176 : memref<80xi32, #tpu.memory_space<vmem>>) semaphore(%arg13 : memref<!tpu.dma_semaphore, #tpu.memory_space<semaphore_mem>>)
      %dma_start3A_180 = arith.constant 160 : i32
      %dma_start3A_181 = arith.constant 0 : i32
      %dma_start3A_182 = tpu.memref_slice %arg10[%dma_start3A_180, %dma_start3A_181] : memref<1200x16xf32, #tpu.memory_space<vmem>> -> memref<80x16xf32, #tpu.memory_space<vmem>>
      %dma_start3A_183 = arith.constant 160 : i32
      %dma_start3A_184 = tpu.memref_slice %arg8[%dma_start3A_183] : memref<1200xi32, #tpu.memory_space<vmem>> -> memref<80xi32, #tpu.memory_space<vmem>>
      %dma_start3A_185 = arith.constant 0 : i32
      %dma_start3A_186 = arith.constant 0 : i32
      %dma_start3A_187 = tpu.memref_slice %arg3[%dma_start3A_185, %dma_start3A_186] : memref<1000000x16xf32, #tpu.memory_space<hbm>> -> memref<1000000x16xf32, #tpu.memory_space<hbm>>
      tpu.enqueue_indirect_dma source(%dma_start3A_187 : memref<1000000x16xf32, #tpu.memory_space<hbm>>) target(%dma_start3A_182 : memref<80x16xf32, #tpu.memory_space<vmem>>) offsets(%dma_start3A_184 : memref<80xi32, #tpu.memory_space<vmem>>) semaphore(%arg13 : memref<!tpu.dma_semaphore, #tpu.memory_space<semaphore_mem>>)
      %dma_start3A_188 = arith.constant 240 : i32
      %dma_start3A_189 = arith.constant 0 : i32
      %dma_start3A_190 = tpu.memref_slice %arg10[%dma_start3A_188, %dma_start3A_189] : memref<1200x16xf32, #tpu.memory_space<vmem>> -> memref<80x16xf32, #tpu.memory_space<vmem>>
      %dma_start3A_191 = arith.constant 240 : i32
      %dma_start3A_192 = tpu.memref_slice %arg8[%dma_start3A_191] : memref<1200xi32, #tpu.memory_space<vmem>> -> memref<80xi32, #tpu.memory_space<vmem>>
      %dma_start3A_193 = arith.constant 0 : i32
      %dma_start3A_194 = arith.constant 0 : i32
      %dma_start3A_195 = tpu.memref_slice %arg3[%dma_start3A_193, %dma_start3A_194] : memref<1000000x16xf32, #tpu.memory_space<hbm>> -> memref<1000000x16xf32, #tpu.memory_space<hbm>>
      tpu.enqueue_indirect_dma source(%dma_start3A_195 : memref<1000000x16xf32, #tpu.memory_space<hbm>>) target(%dma_start3A_190 : memref<80x16xf32, #tpu.memory_space<vmem>>) offsets(%dma_start3A_192 : memref<80xi32, #tpu.memory_space<vmem>>) semaphore(%arg13 : memref<!tpu.dma_semaphore, #tpu.memory_space<semaphore_mem>>)
      %dma_start3A_196 = arith.constant 320 : i32
      %dma_start3A_197 = arith.constant 0 : i32
      %dma_start3A_198 = tpu.memref_slice %arg10[%dma_start3A_196, %dma_start3A_197] : memref<1200x16xf32, #tpu.memory_space<vmem>> -> memref<80x16xf32, #tpu.memory_space<vmem>>
      %dma_start3A_199 = arith.constant 320 : i32
      %dma_start3A_200 = tpu.memref_slice %arg8[%dma_start3A_199] : memref<1200xi32, #tpu.memory_space<vmem>> -> memref<80xi32, #tpu.memory_space<vmem>>
      %dma_start3A_201 = arith.constant 0 : i32
      %dma_start3A_202 = arith.constant 0 : i32
      %dma_start3A_203 = tpu.memref_slice %arg3[%dma_start3A_201, %dma_start3A_202] : memref<1000000x16xf32, #tpu.memory_space<hbm>> -> memref<1000000x16xf32, #tpu.memory_space<hbm>>
      tpu.enqueue_indirect_dma source(%dma_start3A_203 : memref<1000000x16xf32, #tpu.memory_space<hbm>>) target(%dma_start3A_198 : memref<80x16xf32, #tpu.memory_space<vmem>>) offsets(%dma_start3A_200 : memref<80xi32, #tpu.memory_space<vmem>>) semaphore(%arg13 : memref<!tpu.dma_semaphore, #tpu.memory_space<semaphore_mem>>)
      %dma_start3A_204 = arith.constant 400 : i32
      %dma_start3A_205 = arith.constant 0 : i32
      %dma_start3A_206 = tpu.memref_slice %arg10[%dma_start3A_204, %dma_start3A_205] : memref<1200x16xf32, #tpu.memory_space<vmem>> -> memref<80x16xf32, #tpu.memory_space<vmem>>
      %dma_start3A_207 = arith.constant 400 : i32
      %dma_start3A_208 = tpu.memref_slice %arg8[%dma_start3A_207] : memref<1200xi32, #tpu.memory_space<vmem>> -> memref<80xi32, #tpu.memory_space<vmem>>
      %dma_start3A_209 = arith.constant 0 : i32
      %dma_start3A_210 = arith.constant 0 : i32
      %dma_start3A_211 = tpu.memref_slice %arg4[%dma_start3A_209, %dma_start3A_210] : memref<1000000x16xf32, #tpu.memory_space<hbm>> -> memref<1000000x16xf32, #tpu.memory_space<hbm>>
      tpu.enqueue_indirect_dma source(%dma_start3A_211 : memref<1000000x16xf32, #tpu.memory_space<hbm>>) target(%dma_start3A_206 : memref<80x16xf32, #tpu.memory_space<vmem>>) offsets(%dma_start3A_208 : memref<80xi32, #tpu.memory_space<vmem>>) semaphore(%arg13 : memref<!tpu.dma_semaphore, #tpu.memory_space<semaphore_mem>>)
      %dma_start3A_212 = arith.constant 480 : i32
      %dma_start3A_213 = arith.constant 0 : i32
      %dma_start3A_214 = tpu.memref_slice %arg10[%dma_start3A_212, %dma_start3A_213] : memref<1200x16xf32, #tpu.memory_space<vmem>> -> memref<80x16xf32, #tpu.memory_space<vmem>>
      %dma_start3A_215 = arith.constant 480 : i32
      %dma_start3A_216 = tpu.memref_slice %arg8[%dma_start3A_215] : memref<1200xi32, #tpu.memory_space<vmem>> -> memref<80xi32, #tpu.memory_space<vmem>>
      %dma_start3A_217 = arith.constant 0 : i32
      %dma_start3A_218 = arith.constant 0 : i32
      %dma_start3A_219 = tpu.memref_slice %arg4[%dma_start3A_217, %dma_start3A_218] : memref<1000000x16xf32, #tpu.memory_space<hbm>> -> memref<1000000x16xf32, #tpu.memory_space<hbm>>
      tpu.enqueue_indirect_dma source(%dma_start3A_219 : memref<1000000x16xf32, #tpu.memory_space<hbm>>) target(%dma_start3A_214 : memref<80x16xf32, #tpu.memory_space<vmem>>) offsets(%dma_start3A_216 : memref<80xi32, #tpu.memory_space<vmem>>) semaphore(%arg13 : memref<!tpu.dma_semaphore, #tpu.memory_space<semaphore_mem>>)
      %dma_start3A_220 = arith.constant 560 : i32
      %dma_start3A_221 = arith.constant 0 : i32
      %dma_start3A_222 = tpu.memref_slice %arg10[%dma_start3A_220, %dma_start3A_221] : memref<1200x16xf32, #tpu.memory_space<vmem>> -> memref<80x16xf32, #tpu.memory_space<vmem>>
      %dma_start3A_223 = arith.constant 560 : i32
      %dma_start3A_224 = tpu.memref_slice %arg8[%dma_start3A_223] : memref<1200xi32, #tpu.memory_space<vmem>> -> memref<80xi32, #tpu.memory_space<vmem>>
      %dma_start3A_225 = arith.constant 0 : i32
      %dma_start3A_226 = arith.constant 0 : i32
      %dma_start3A_227 = tpu.memref_slice %arg4[%dma_start3A_225, %dma_start3A_226] : memref<1000000x16xf32, #tpu.memory_space<hbm>> -> memref<1000000x16xf32, #tpu.memory_space<hbm>>
      tpu.enqueue_indirect_dma source(%dma_start3A_227 : memref<1000000x16xf32, #tpu.memory_space<hbm>>) target(%dma_start3A_222 : memref<80x16xf32, #tpu.memory_space<vmem>>) offsets(%dma_start3A_224 : memref<80xi32, #tpu.memory_space<vmem>>) semaphore(%arg13 : memref<!tpu.dma_semaphore, #tpu.memory_space<semaphore_mem>>)
      %dma_start3A_228 = arith.constant 640 : i32
      %dma_start3A_229 = arith.constant 0 : i32
      %dma_start3A_230 = tpu.memref_slice %arg10[%dma_start3A_228, %dma_start3A_229] : memref<1200x16xf32, #tpu.memory_space<vmem>> -> memref<80x16xf32, #tpu.memory_space<vmem>>
      %dma_start3A_231 = arith.constant 640 : i32
      %dma_start3A_232 = tpu.memref_slice %arg8[%dma_start3A_231] : memref<1200xi32, #tpu.memory_space<vmem>> -> memref<80xi32, #tpu.memory_space<vmem>>
      %dma_start3A_233 = arith.constant 0 : i32
      %dma_start3A_234 = arith.constant 0 : i32
      %dma_start3A_235 = tpu.memref_slice %arg4[%dma_start3A_233, %dma_start3A_234] : memref<1000000x16xf32, #tpu.memory_space<hbm>> -> memref<1000000x16xf32, #tpu.memory_space<hbm>>
      tpu.enqueue_indirect_dma source(%dma_start3A_235 : memref<1000000x16xf32, #tpu.memory_space<hbm>>) target(%dma_start3A_230 : memref<80x16xf32, #tpu.memory_space<vmem>>) offsets(%dma_start3A_232 : memref<80xi32, #tpu.memory_space<vmem>>) semaphore(%arg13 : memref<!tpu.dma_semaphore, #tpu.memory_space<semaphore_mem>>)
      %dma_start3A_236 = arith.constant 720 : i32
      %dma_start3A_237 = arith.constant 0 : i32
      %dma_start3A_238 = tpu.memref_slice %arg10[%dma_start3A_236, %dma_start3A_237] : memref<1200x16xf32, #tpu.memory_space<vmem>> -> memref<80x16xf32, #tpu.memory_space<vmem>>
      %dma_start3A_239 = arith.constant 720 : i32
      %dma_start3A_240 = tpu.memref_slice %arg8[%dma_start3A_239] : memref<1200xi32, #tpu.memory_space<vmem>> -> memref<80xi32, #tpu.memory_space<vmem>>
      %dma_start3A_241 = arith.constant 0 : i32
      %dma_start3A_242 = arith.constant 0 : i32
      %dma_start3A_243 = tpu.memref_slice %arg4[%dma_start3A_241, %dma_start3A_242] : memref<1000000x16xf32, #tpu.memory_space<hbm>> -> memref<1000000x16xf32, #tpu.memory_space<hbm>>
      tpu.enqueue_indirect_dma source(%dma_start3A_243 : memref<1000000x16xf32, #tpu.memory_space<hbm>>) target(%dma_start3A_238 : memref<80x16xf32, #tpu.memory_space<vmem>>) offsets(%dma_start3A_240 : memref<80xi32, #tpu.memory_space<vmem>>) semaphore(%arg13 : memref<!tpu.dma_semaphore, #tpu.memory_space<semaphore_mem>>)
      %dma_start3A_244 = arith.constant 800 : i32
      %dma_start3A_245 = arith.constant 0 : i32
      %dma_start3A_246 = tpu.memref_slice %arg10[%dma_start3A_244, %dma_start3A_245] : memref<1200x16xf32, #tpu.memory_space<vmem>> -> memref<80x16xf32, #tpu.memory_space<vmem>>
      %dma_start3A_247 = arith.constant 800 : i32
      %dma_start3A_248 = tpu.memref_slice %arg8[%dma_start3A_247] : memref<1200xi32, #tpu.memory_space<vmem>> -> memref<80xi32, #tpu.memory_space<vmem>>
      %dma_start3A_249 = arith.constant 0 : i32
      %dma_start3A_250 = arith.constant 0 : i32
      %dma_start3A_251 = tpu.memref_slice %arg5[%dma_start3A_249, %dma_start3A_250] : memref<1000000x16xf32, #tpu.memory_space<hbm>> -> memref<1000000x16xf32, #tpu.memory_space<hbm>>
      tpu.enqueue_indirect_dma source(%dma_start3A_251 : memref<1000000x16xf32, #tpu.memory_space<hbm>>) target(%dma_start3A_246 : memref<80x16xf32, #tpu.memory_space<vmem>>) offsets(%dma_start3A_248 : memref<80xi32, #tpu.memory_space<vmem>>) semaphore(%arg13 : memref<!tpu.dma_semaphore, #tpu.memory_space<semaphore_mem>>)
      %dma_start3A_252 = arith.constant 880 : i32
      %dma_start3A_253 = arith.constant 0 : i32
      %dma_start3A_254 = tpu.memref_slice %arg10[%dma_start3A_252, %dma_start3A_253] : memref<1200x16xf32, #tpu.memory_space<vmem>> -> memref<80x16xf32, #tpu.memory_space<vmem>>
      %dma_start3A_255 = arith.constant 880 : i32
      %dma_start3A_256 = tpu.memref_slice %arg8[%dma_start3A_255] : memref<1200xi32, #tpu.memory_space<vmem>> -> memref<80xi32, #tpu.memory_space<vmem>>
      %dma_start3A_257 = arith.constant 0 : i32
      %dma_start3A_258 = arith.constant 0 : i32
      %dma_start3A_259 = tpu.memref_slice %arg5[%dma_start3A_257, %dma_start3A_258] : memref<1000000x16xf32, #tpu.memory_space<hbm>> -> memref<1000000x16xf32, #tpu.memory_space<hbm>>
      tpu.enqueue_indirect_dma source(%dma_start3A_259 : memref<1000000x16xf32, #tpu.memory_space<hbm>>) target(%dma_start3A_254 : memref<80x16xf32, #tpu.memory_space<vmem>>) offsets(%dma_start3A_256 : memref<80xi32, #tpu.memory_space<vmem>>) semaphore(%arg13 : memref<!tpu.dma_semaphore, #tpu.memory_space<semaphore_mem>>)
      %dma_start3A_260 = arith.constant 960 : i32
      %dma_start3A_261 = arith.constant 0 : i32
      %dma_start3A_262 = tpu.memref_slice %arg10[%dma_start3A_260, %dma_start3A_261] : memref<1200x16xf32, #tpu.memory_space<vmem>> -> memref<80x16xf32, #tpu.memory_space<vmem>>
      %dma_start3A_263 = arith.constant 960 : i32
      %dma_start3A_264 = tpu.memref_slice %arg8[%dma_start3A_263] : memref<1200xi32, #tpu.memory_space<vmem>> -> memref<80xi32, #tpu.memory_space<vmem>>
      %dma_start3A_265 = arith.constant 0 : i32
      %dma_start3A_266 = arith.constant 0 : i32
      %dma_start3A_267 = tpu.memref_slice %arg5[%dma_start3A_265, %dma_start3A_266] : memref<1000000x16xf32, #tpu.memory_space<hbm>> -> memref<1000000x16xf32, #tpu.memory_space<hbm>>
      tpu.enqueue_indirect_dma source(%dma_start3A_267 : memref<1000000x16xf32, #tpu.memory_space<hbm>>) target(%dma_start3A_262 : memref<80x16xf32, #tpu.memory_space<vmem>>) offsets(%dma_start3A_264 : memref<80xi32, #tpu.memory_space<vmem>>) semaphore(%arg13 : memref<!tpu.dma_semaphore, #tpu.memory_space<semaphore_mem>>)
      %dma_start3A_268 = arith.constant 1040 : i32
      %dma_start3A_269 = arith.constant 0 : i32
      %dma_start3A_270 = tpu.memref_slice %arg10[%dma_start3A_268, %dma_start3A_269] : memref<1200x16xf32, #tpu.memory_space<vmem>> -> memref<80x16xf32, #tpu.memory_space<vmem>>
      %dma_start3A_271 = arith.constant 1040 : i32
      %dma_start3A_272 = tpu.memref_slice %arg8[%dma_start3A_271] : memref<1200xi32, #tpu.memory_space<vmem>> -> memref<80xi32, #tpu.memory_space<vmem>>
      %dma_start3A_273 = arith.constant 0 : i32
      %dma_start3A_274 = arith.constant 0 : i32
      %dma_start3A_275 = tpu.memref_slice %arg5[%dma_start3A_273, %dma_start3A_274] : memref<1000000x16xf32, #tpu.memory_space<hbm>> -> memref<1000000x16xf32, #tpu.memory_space<hbm>>
      tpu.enqueue_indirect_dma source(%dma_start3A_275 : memref<1000000x16xf32, #tpu.memory_space<hbm>>) target(%dma_start3A_270 : memref<80x16xf32, #tpu.memory_space<vmem>>) offsets(%dma_start3A_272 : memref<80xi32, #tpu.memory_space<vmem>>) semaphore(%arg13 : memref<!tpu.dma_semaphore, #tpu.memory_space<semaphore_mem>>)
      %dma_start3A_276 = arith.constant 1120 : i32
      %dma_start3A_277 = arith.constant 0 : i32
      %dma_start3A_278 = tpu.memref_slice %arg10[%dma_start3A_276, %dma_start3A_277] : memref<1200x16xf32, #tpu.memory_space<vmem>> -> memref<80x16xf32, #tpu.memory_space<vmem>>
      %dma_start3A_279 = arith.constant 1120 : i32
      %dma_start3A_280 = tpu.memref_slice %arg8[%dma_start3A_279] : memref<1200xi32, #tpu.memory_space<vmem>> -> memref<80xi32, #tpu.memory_space<vmem>>
      %dma_start3A_281 = arith.constant 0 : i32
      %dma_start3A_282 = arith.constant 0 : i32
      %dma_start3A_283 = tpu.memref_slice %arg5[%dma_start3A_281, %dma_start3A_282] : memref<1000000x16xf32, #tpu.memory_space<hbm>> -> memref<1000000x16xf32, #tpu.memory_space<hbm>>
      tpu.enqueue_indirect_dma source(%dma_start3A_283 : memref<1000000x16xf32, #tpu.memory_space<hbm>>) target(%dma_start3A_278 : memref<80x16xf32, #tpu.memory_space<vmem>>) offsets(%dma_start3A_280 : memref<80xi32, #tpu.memory_space<vmem>>) semaphore(%arg13 : memref<!tpu.dma_semaphore, #tpu.memory_space<semaphore_mem>>)
      %dma_wait3A = arith.constant 0 : i32
      %dma_wait3A_284 = arith.constant 0 : i32
      %dma_wait3A_285 = tpu.memref_slice %arg3[%dma_wait3A, %dma_wait3A_284] : memref<1000000x16xf32, #tpu.memory_space<hbm>> -> memref<1200x16xf32, #tpu.memory_space<hbm>>
      %dma_wait3A_286 = arith.constant 0 : i32
      %dma_wait3A_287 = arith.constant 0 : i32
      %dma_wait3A_288 = tpu.memref_slice %arg3[%dma_wait3A_286, %dma_wait3A_287] : memref<1000000x16xf32, #tpu.memory_space<hbm>> -> memref<1200x16xf32, #tpu.memory_space<hbm>>
      tpu.wait_dma2 semaphore(%arg12 : memref<!tpu.dma_semaphore, #tpu.memory_space<semaphore_mem>>) src(%dma_wait3A_288 : memref<1200x16xf32, #tpu.memory_space<hbm>>) dst(%arg9 : memref<1200x16xf32, #tpu.memory_space<vmem>>)
      %broadcast_in_dim3A = arith.constant 0.000000e+00 : f32
      %broadcast_in_dim3A_289 = vector.broadcast %broadcast_in_dim3A : f32 to vector<16xf32>
      %scan3A_290 = arith.constant 0 : i32
      %scan3A_291 = arith.constant 200 : i32
      %scan3A_292 = arith.addi %scan3A_290, %scan3A_291 : i32
      %scan3A_293 = arith.constant 1 : i32
      %scan3A_294:6 = scf.for %scan3A_500 = %scan3A_290 to %scan3A_292 step %scan3A_293 iter_args(%scan3A_501 = %broadcast_in_dim3A_289, %scan3A_502 = %broadcast_in_dim3A_289, %scan3A_503 = %broadcast_in_dim3A_289, %scan3A_504 = %broadcast_in_dim3A_289, %scan3A_505 = %broadcast_in_dim3A_289, %scan3A_506 = %broadcast_in_dim3A_289) -> (vector<16xf32>, vector<16xf32>, vector<16xf32>, vector<16xf32>, vector<16xf32>, vector<16xf32>)  : i32 {
        %add3A_507 = arith.constant 0 : i32
        %add3A_508 = arith.addi %add3A_507, %scan3A_500 : i32
        %get3A = arith.index_cast %add3A_508 : i32 to index
        %get3A_509 = arith.constant 0 : index
        %get3A_510 = tpu.vector_load %arg9[%get3A, %get3A_509] {strides = array<i32>} : memref<1200x16xf32, #tpu.memory_space<vmem>>, vector<16xf32>,
        %bitcast3A = vector.bitcast %get3A_510 : vector<16xf32> to vector<32xbf16>
        %unpack3A = tpu.unpack_subelements %bitcast3A, 0 {pack_format = #tpu.pack_format<interleaved>} : vector<32xbf16> -> vector<16xf32>
        %unpack3A_511 = tpu.unpack_subelements %bitcast3A, 1 {pack_format = #tpu.pack_format<interleaved>} : vector<32xbf16> -> vector<16xf32>
        %add3A_512 = arith.constant 400 : i32
        %add3A_513 = arith.addi %add3A_512, %add3A_508 : i32
        %get3A_514 = arith.index_cast %add3A_513 : i32 to index
        %get3A_515 = arith.constant 0 : index
        %get3A_516 = tpu.vector_load %arg9[%get3A_514, %get3A_515] {strides = array<i32>} : memref<1200x16xf32, #tpu.memory_space<vmem>>, vector<16xf32>,
        %bitcast3A_517 = vector.bitcast %get3A_516 : vector<16xf32> to vector<32xbf16>
        %unpack3A_518 = tpu.unpack_subelements %bitcast3A_517, 0 {pack_format = #tpu.pack_format<interleaved>} : vector<32xbf16> -> vector<16xf32>
        %unpack3A_519 = tpu.unpack_subelements %bitcast3A_517, 1 {pack_format = #tpu.pack_format<interleaved>} : vector<32xbf16> -> vector<16xf32>
        %add3A_520 = arith.constant 800 : i32
        %add3A_521 = arith.addi %add3A_520, %add3A_508 : i32
        %get3A_522 = arith.index_cast %add3A_521 : i32 to index
        %get3A_523 = arith.constant 0 : index
        %get3A_524 = tpu.vector_load %arg9[%get3A_522, %get3A_523] {strides = array<i32>} : memref<1200x16xf32, #tpu.memory_space<vmem>>, vector<16xf32>,
        %bitcast3A_525 = vector.bitcast %get3A_524 : vector<16xf32> to vector<32xbf16>
        %unpack3A_526 = tpu.unpack_subelements %bitcast3A_525, 0 {pack_format = #tpu.pack_format<interleaved>} : vector<32xbf16> -> vector<16xf32>
        %unpack3A_527 = tpu.unpack_subelements %bitcast3A_525, 1 {pack_format = #tpu.pack_format<interleaved>} : vector<32xbf16> -> vector<16xf32>
        %add3A_528 = arith.addf %scan3A_501, %unpack3A : vector<16xf32>
        %add3A_529 = arith.addf %scan3A_502, %unpack3A_511 : vector<16xf32>
        %add3A_530 = arith.addf %scan3A_503, %unpack3A_518 : vector<16xf32>
        %add3A_531 = arith.addf %scan3A_504, %unpack3A_519 : vector<16xf32>
        %add3A_532 = arith.addf %scan3A_505, %unpack3A_526 : vector<16xf32>
        %add3A_533 = arith.addf %scan3A_506, %unpack3A_527 : vector<16xf32>
        scf.yield %add3A_528, %add3A_529, %add3A_530, %add3A_531, %add3A_532, %add3A_533 : vector<16xf32>, vector<16xf32>, vector<16xf32>, vector<16xf32>, vector<16xf32>, vector<16xf32>
      }
      %scan3A_295 = arith.constant 200 : i32
      %mul3A_296 = arith.constant 2 : i32
      %mul3A_297 = arith.muli %mul3A_147, %mul3A_296 : i32
      %add3A_298 = arith.constant 0 : i32
      %add3A_299 = arith.addi %mul3A_297, %add3A_298 : i32
      %mul3A_300 = arith.constant 2 : i32
      %mul3A_301 = arith.muli %add3A_299, %mul3A_300 : i32
      %mul3A_302 = arith.constant 32 : i32
      %mul3A_303 = arith.muli %mul3A_301, %mul3A_302 : i32
      %mul3A_304 = arith.constant 5.000000e+00 : f32
      %mul3A_305 = vector.broadcast %mul3A_304 : f32 to vector<16xf32>
      %mul3A_306 = arith.mulf %mul3A_305, %scan3A_294#4 : vector<16xf32>
      %add3A_307 = arith.addf %scan3A_294#0, %mul3A_306 : vector<16xf32>
      %mul3A_308 = arith.constant 5.000000e-03 : f32
      %mul3A_309 = vector.broadcast %mul3A_308 : f32 to vector<16xf32>
      %mul3A_310 = arith.mulf %add3A_307, %mul3A_309 : vector<16xf32>
      %swap3A = arith.index_cast %mul3A_303 : i32 to index
      %swap3A_311 = tpu.vector_load %arg11[%swap3A] {strides = array<i32>} : memref<8192xf32, #tpu.memory_space<vmem>>, vector<16xf32>,
      tpu.vector_store %arg11[%swap3A], %mul3A_310 {strides = array<i32>} : memref<8192xf32, #tpu.memory_space<vmem>>, vector<16xf32>,
      %mul3A_312 = arith.constant 5.000000e+00 : f32
      %mul3A_313 = vector.broadcast %mul3A_312 : f32 to vector<16xf32>
      %mul3A_314 = arith.mulf %mul3A_313, %scan3A_294#5 : vector<16xf32>
      %add3A_315 = arith.addf %scan3A_294#1, %mul3A_314 : vector<16xf32>
      %mul3A_316 = arith.constant 5.000000e-03 : f32
      %mul3A_317 = vector.broadcast %mul3A_316 : f32 to vector<16xf32>
      %mul3A_318 = arith.mulf %add3A_315, %mul3A_317 : vector<16xf32>
      %add3A_319 = arith.constant 16 : i32
      %add3A_320 = arith.addi %mul3A_303, %add3A_319 : i32
      %swap3A_321 = arith.index_cast %add3A_320 : i32 to index
      %swap3A_322 = tpu.vector_load %arg11[%swap3A_321] {strides = array<i32>} : memref<8192xf32, #tpu.memory_space<vmem>>, vector<16xf32>,
      tpu.vector_store %arg11[%swap3A_321], %mul3A_318 {strides = array<i32>} : memref<8192xf32, #tpu.memory_space<vmem>>, vector<16xf32>,
      %mul3A_323 = arith.constant 5.000000e-03 : f32
      %mul3A_324 = vector.broadcast %mul3A_323 : f32 to vector<16xf32>
      %mul3A_325 = arith.mulf %scan3A_294#2, %mul3A_324 : vector<16xf32>
      %add3A_326 = arith.constant 32 : i32
      %add3A_327 = arith.addi %mul3A_303, %add3A_326 : i32
      %swap3A_328 = arith.index_cast %add3A_327 : i32 to index
      %swap3A_329 = tpu.vector_load %arg11[%swap3A_328] {strides = array<i32>} : memref<8192xf32, #tpu.memory_space<vmem>>, vector<16xf32>,
      tpu.vector_store %arg11[%swap3A_328], %mul3A_325 {strides = array<i32>} : memref<8192xf32, #tpu.memory_space<vmem>>, vector<16xf32>,
      %mul3A_330 = arith.constant 5.000000e-03 : f32
      %mul3A_331 = vector.broadcast %mul3A_330 : f32 to vector<16xf32>
      %mul3A_332 = arith.mulf %scan3A_294#3, %mul3A_331 : vector<16xf32>
      %add3A_333 = arith.constant 48 : i32
      %add3A_334 = arith.addi %mul3A_303, %add3A_333 : i32
      %swap3A_335 = arith.index_cast %add3A_334 : i32 to index
      %swap3A_336 = tpu.vector_load %arg11[%swap3A_335] {strides = array<i32>} : memref<8192xf32, #tpu.memory_space<vmem>>, vector<16xf32>,
      tpu.vector_store %arg11[%swap3A_335], %mul3A_332 {strides = array<i32>} : memref<8192xf32, #tpu.memory_space<vmem>>, vector<16xf32>,
      %broadcast_in_dim3A_337 = arith.constant 0.000000e+00 : f32
      %broadcast_in_dim3A_338 = vector.broadcast %broadcast_in_dim3A_337 : f32 to vector<16xf32>
      %scan3A_339 = arith.constant 0 : i32
      %scan3A_340 = arith.constant 200 : i32
      %scan3A_341 = arith.addi %scan3A_339, %scan3A_340 : i32
      %scan3A_342 = arith.constant 1 : i32
      %scan3A_343:6 = scf.for %scan3A_500 = %scan3A_339 to %scan3A_341 step %scan3A_342 iter_args(%scan3A_501 = %broadcast_in_dim3A_338, %scan3A_502 = %broadcast_in_dim3A_338, %scan3A_503 = %broadcast_in_dim3A_338, %scan3A_504 = %broadcast_in_dim3A_338, %scan3A_505 = %broadcast_in_dim3A_338, %scan3A_506 = %broadcast_in_dim3A_338) -> (vector<16xf32>, vector<16xf32>, vector<16xf32>, vector<16xf32>, vector<16xf32>, vector<16xf32>)  : i32 {
        %add3A_507 = arith.constant 200 : i32
        %add3A_508 = arith.addi %add3A_507, %scan3A_500 : i32
        %get3A = arith.index_cast %add3A_508 : i32 to index
        %get3A_509 = arith.constant 0 : index
        %get3A_510 = tpu.vector_load %arg9[%get3A, %get3A_509] {strides = array<i32>} : memref<1200x16xf32, #tpu.memory_space<vmem>>, vector<16xf32>,
        %bitcast3A = vector.bitcast %get3A_510 : vector<16xf32> to vector<32xbf16>
        %unpack3A = tpu.unpack_subelements %bitcast3A, 0 {pack_format = #tpu.pack_format<interleaved>} : vector<32xbf16> -> vector<16xf32>
        %unpack3A_511 = tpu.unpack_subelements %bitcast3A, 1 {pack_format = #tpu.pack_format<interleaved>} : vector<32xbf16> -> vector<16xf32>
        %add3A_512 = arith.constant 400 : i32
        %add3A_513 = arith.addi %add3A_512, %add3A_508 : i32
        %get3A_514 = arith.index_cast %add3A_513 : i32 to index
        %get3A_515 = arith.constant 0 : index
        %get3A_516 = tpu.vector_load %arg9[%get3A_514, %get3A_515] {strides = array<i32>} : memref<1200x16xf32, #tpu.memory_space<vmem>>, vector<16xf32>,
        %bitcast3A_517 = vector.bitcast %get3A_516 : vector<16xf32> to vector<32xbf16>
        %unpack3A_518 = tpu.unpack_subelements %bitcast3A_517, 0 {pack_format = #tpu.pack_format<interleaved>} : vector<32xbf16> -> vector<16xf32>
        %unpack3A_519 = tpu.unpack_subelements %bitcast3A_517, 1 {pack_format = #tpu.pack_format<interleaved>} : vector<32xbf16> -> vector<16xf32>
        %add3A_520 = arith.constant 800 : i32
        %add3A_521 = arith.addi %add3A_520, %add3A_508 : i32
        %get3A_522 = arith.index_cast %add3A_521 : i32 to index
        %get3A_523 = arith.constant 0 : index
        %get3A_524 = tpu.vector_load %arg9[%get3A_522, %get3A_523] {strides = array<i32>} : memref<1200x16xf32, #tpu.memory_space<vmem>>, vector<16xf32>,
        %bitcast3A_525 = vector.bitcast %get3A_524 : vector<16xf32> to vector<32xbf16>
        %unpack3A_526 = tpu.unpack_subelements %bitcast3A_525, 0 {pack_format = #tpu.pack_format<interleaved>} : vector<32xbf16> -> vector<16xf32>
        %unpack3A_527 = tpu.unpack_subelements %bitcast3A_525, 1 {pack_format = #tpu.pack_format<interleaved>} : vector<32xbf16> -> vector<16xf32>
        %add3A_528 = arith.addf %scan3A_501, %unpack3A : vector<16xf32>
        %add3A_529 = arith.addf %scan3A_502, %unpack3A_511 : vector<16xf32>
        %add3A_530 = arith.addf %scan3A_503, %unpack3A_518 : vector<16xf32>
        %add3A_531 = arith.addf %scan3A_504, %unpack3A_519 : vector<16xf32>
        %add3A_532 = arith.addf %scan3A_505, %unpack3A_526 : vector<16xf32>
        %add3A_533 = arith.addf %scan3A_506, %unpack3A_527 : vector<16xf32>
        scf.yield %add3A_528, %add3A_529, %add3A_530, %add3A_531, %add3A_532, %add3A_533 : vector<16xf32>, vector<16xf32>, vector<16xf32>, vector<16xf32>, vector<16xf32>, vector<16xf32>
      }
      %scan3A_344 = arith.constant 200 : i32
      %mul3A_345 = arith.constant 2 : i32
      %mul3A_346 = arith.muli %mul3A_147, %mul3A_345 : i32
      %add3A_347 = arith.constant 1 : i32
      %add3A_348 = arith.addi %mul3A_346, %add3A_347 : i32
      %mul3A_349 = arith.constant 2 : i32
      %mul3A_350 = arith.muli %add3A_348, %mul3A_349 : i32
      %mul3A_351 = arith.constant 32 : i32
      %mul3A_352 = arith.muli %mul3A_350, %mul3A_351 : i32
      %mul3A_353 = arith.constant 5.000000e+00 : f32
      %mul3A_354 = vector.broadcast %mul3A_353 : f32 to vector<16xf32>
      %mul3A_355 = arith.mulf %mul3A_354, %scan3A_343#4 : vector<16xf32>
      %add3A_356 = arith.addf %scan3A_343#0, %mul3A_355 : vector<16xf32>
      %mul3A_357 = arith.constant 5.000000e-03 : f32
      %mul3A_358 = vector.broadcast %mul3A_357 : f32 to vector<16xf32>
      %mul3A_359 = arith.mulf %add3A_356, %mul3A_358 : vector<16xf32>
      %swap3A_360 = arith.index_cast %mul3A_352 : i32 to index
      %swap3A_361 = tpu.vector_load %arg11[%swap3A_360] {strides = array<i32>} : memref<8192xf32, #tpu.memory_space<vmem>>, vector<16xf32>,
      tpu.vector_store %arg11[%swap3A_360], %mul3A_359 {strides = array<i32>} : memref<8192xf32, #tpu.memory_space<vmem>>, vector<16xf32>,
      %mul3A_362 = arith.constant 5.000000e+00 : f32
      %mul3A_363 = vector.broadcast %mul3A_362 : f32 to vector<16xf32>
      %mul3A_364 = arith.mulf %mul3A_363, %scan3A_343#5 : vector<16xf32>
      %add3A_365 = arith.addf %scan3A_343#1, %mul3A_364 : vector<16xf32>
      %mul3A_366 = arith.constant 5.000000e-03 : f32
      %mul3A_367 = vector.broadcast %mul3A_366 : f32 to vector<16xf32>
      %mul3A_368 = arith.mulf %add3A_365, %mul3A_367 : vector<16xf32>
      %add3A_369 = arith.constant 16 : i32
      %add3A_370 = arith.addi %mul3A_352, %add3A_369 : i32
      %swap3A_371 = arith.index_cast %add3A_370 : i32 to index
      %swap3A_372 = tpu.vector_load %arg11[%swap3A_371] {strides = array<i32>} : memref<8192xf32, #tpu.memory_space<vmem>>, vector<16xf32>,
      tpu.vector_store %arg11[%swap3A_371], %mul3A_368 {strides = array<i32>} : memref<8192xf32, #tpu.memory_space<vmem>>, vector<16xf32>,
      %mul3A_373 = arith.constant 5.000000e-03 : f32
      %mul3A_374 = vector.broadcast %mul3A_373 : f32 to vector<16xf32>
      %mul3A_375 = arith.mulf %scan3A_343#2, %mul3A_374 : vector<16xf32>
      %add3A_376 = arith.constant 32 : i32
      %add3A_377 = arith.addi %mul3A_352, %add3A_376 : i32
      %swap3A_378 = arith.index_cast %add3A_377 : i32 to index
      %swap3A_379 = tpu.vector_load %arg11[%swap3A_378] {strides = array<i32>} : memref<8192xf32, #tpu.memory_space<vmem>>, vector<16xf32>,
      tpu.vector_store %arg11[%swap3A_378], %mul3A_375 {strides = array<i32>} : memref<8192xf32, #tpu.memory_space<vmem>>, vector<16xf32>,
      %mul3A_380 = arith.constant 5.000000e-03 : f32
      %mul3A_381 = vector.broadcast %mul3A_380 : f32 to vector<16xf32>
      %mul3A_382 = arith.mulf %scan3A_343#3, %mul3A_381 : vector<16xf32>
      %add3A_383 = arith.constant 48 : i32
      %add3A_384 = arith.addi %mul3A_352, %add3A_383 : i32
      %swap3A_385 = arith.index_cast %add3A_384 : i32 to index
      %swap3A_386 = tpu.vector_load %arg11[%swap3A_385] {strides = array<i32>} : memref<8192xf32, #tpu.memory_space<vmem>>, vector<16xf32>,
      tpu.vector_store %arg11[%swap3A_385], %mul3A_382 {strides = array<i32>} : memref<8192xf32, #tpu.memory_space<vmem>>, vector<16xf32>,
      %add3A_387 = arith.constant 2 : i32
      %add3A_388 = arith.addi %mul3A_147, %add3A_387 : i32
      %lt3A = arith.constant 64 : i32
      %lt3A_389 = arith.cmpi slt, %add3A_388, %lt3A : i32
      %convert_element_type3A = arith.extui %lt3A_389 : i1 to i32
      %cond3A = arith.constant 0 : i32
      %cond3A_390 = arith.cmpi ne, %convert_element_type3A, %cond3A : i32
      scf.if %cond3A_390 {
        %add3A_500 = arith.constant 2 : i32
        %add3A_501 = arith.addi %mul3A_147, %add3A_500 : i32
        %mul3A_502 = arith.constant 128 : i32
        %mul3A_503 = arith.muli %add3A, %mul3A_502 : i32
        %mul3A_504 = arith.constant 2 : i32
        %mul3A_505 = arith.muli %add3A_501, %mul3A_504 : i32
        %add3A_506 = arith.addi %mul3A_503, %mul3A_505 : i32
        %mul3A_507 = arith.constant 200 : i32
        %mul3A_508 = arith.muli %add3A_506, %mul3A_507 : i32
        %multiple_of3A_509 = tpu.assume_multiple %mul3A_508, 400 : i32
        %add3A_510 = arith.constant 0 : i32
        %add3A_511 = arith.addi %add3A_510, %multiple_of3A_509 : i32
        "tpu.region"() ({
          %run_scoped3A = tpu.sem_alloc : memref<!tpu.dma_semaphore, #tpu.memory_space<semaphore_mem>>
          %dma_start3A_636 = arith.constant 0 : i32
          %dma_start3A_637 = tpu.memref_slice %arg7[%dma_start3A_636] : memref<1200xi32, #tpu.memory_space<vmem>> -> memref<400xi32, #tpu.memory_space<vmem>>
          %dma_start3A_638 = tpu.memref_slice %arg2[%add3A_511] : memref<2457600xi32, #tpu.memory_space<hbm>> -> memref<400xi32, #tpu.memory_space<hbm>>
          %dma_start3A_639 = arith.constant 0 : i32
          %dma_start3A_640 = tpu.memref_slice %arg7[%dma_start3A_639] : memref<1200xi32, #tpu.memory_space<vmem>> -> memref<400xi32, #tpu.memory_space<vmem>>
          %dma_start3A_641 = tpu.memref_slice %arg2[%add3A_511] : memref<2457600xi32, #tpu.memory_space<hbm>> -> memref<400xi32, #tpu.memory_space<hbm>>
          tpu.enqueue_dma source(%dma_start3A_641 : memref<400xi32, #tpu.memory_space<hbm>>) target(%dma_start3A_640 : memref<400xi32, #tpu.memory_space<vmem>>) target_semaphore(%run_scoped3A : memref<!tpu.dma_semaphore, #tpu.memory_space<semaphore_mem>>)
          %dma_wait3A_642 = arith.constant 0 : i32
          %dma_wait3A_643 = tpu.memref_slice %arg7[%dma_wait3A_642] : memref<1200xi32, #tpu.memory_space<vmem>> -> memref<400xi32, #tpu.memory_space<vmem>>
          %dma_wait3A_644 = tpu.memref_slice %arg2[%add3A_511] : memref<2457600xi32, #tpu.memory_space<hbm>> -> memref<400xi32, #tpu.memory_space<hbm>>
          %dma_wait3A_645 = arith.constant 0 : i32
          %dma_wait3A_646 = tpu.memref_slice %arg7[%dma_wait3A_645] : memref<1200xi32, #tpu.memory_space<vmem>> -> memref<400xi32, #tpu.memory_space<vmem>>
          %dma_wait3A_647 = tpu.memref_slice %arg2[%add3A_511] : memref<2457600xi32, #tpu.memory_space<hbm>> -> memref<400xi32, #tpu.memory_space<hbm>>
          tpu.wait_dma2 semaphore(%run_scoped3A : memref<!tpu.dma_semaphore, #tpu.memory_space<semaphore_mem>>) src(%dma_wait3A_647 : memref<400xi32, #tpu.memory_space<hbm>>) dst(%dma_wait3A_646 : memref<400xi32, #tpu.memory_space<vmem>>)
          tpu.yield
        }) : () -> ()
        %add3A_512 = arith.constant 819200 : i32
        %add3A_513 = arith.addi %add3A_512, %multiple_of3A_509 : i32
        "tpu.region"() ({
          %run_scoped3A = tpu.sem_alloc : memref<!tpu.dma_semaphore, #tpu.memory_space<semaphore_mem>>
          %dma_start3A_636 = arith.constant 400 : i32
          %dma_start3A_637 = tpu.memref_slice %arg7[%dma_start3A_636] : memref<1200xi32, #tpu.memory_space<vmem>> -> memref<400xi32, #tpu.memory_space<vmem>>
          %dma_start3A_638 = tpu.memref_slice %arg2[%add3A_513] : memref<2457600xi32, #tpu.memory_space<hbm>> -> memref<400xi32, #tpu.memory_space<hbm>>
          %dma_start3A_639 = arith.constant 400 : i32
          %dma_start3A_640 = tpu.memref_slice %arg7[%dma_start3A_639] : memref<1200xi32, #tpu.memory_space<vmem>> -> memref<400xi32, #tpu.memory_space<vmem>>
          %dma_start3A_641 = tpu.memref_slice %arg2[%add3A_513] : memref<2457600xi32, #tpu.memory_space<hbm>> -> memref<400xi32, #tpu.memory_space<hbm>>
          tpu.enqueue_dma source(%dma_start3A_641 : memref<400xi32, #tpu.memory_space<hbm>>) target(%dma_start3A_640 : memref<400xi32, #tpu.memory_space<vmem>>) target_semaphore(%run_scoped3A : memref<!tpu.dma_semaphore, #tpu.memory_space<semaphore_mem>>)
          %dma_wait3A_642 = arith.constant 400 : i32
          %dma_wait3A_643 = tpu.memref_slice %arg7[%dma_wait3A_642] : memref<1200xi32, #tpu.memory_space<vmem>> -> memref<400xi32, #tpu.memory_space<vmem>>
          %dma_wait3A_644 = tpu.memref_slice %arg2[%add3A_513] : memref<2457600xi32, #tpu.memory_space<hbm>> -> memref<400xi32, #tpu.memory_space<hbm>>
          %dma_wait3A_645 = arith.constant 400 : i32
          %dma_wait3A_646 = tpu.memref_slice %arg7[%dma_wait3A_645] : memref<1200xi32, #tpu.memory_space<vmem>> -> memref<400xi32, #tpu.memory_space<vmem>>
          %dma_wait3A_647 = tpu.memref_slice %arg2[%add3A_513] : memref<2457600xi32, #tpu.memory_space<hbm>> -> memref<400xi32, #tpu.memory_space<hbm>>
          tpu.wait_dma2 semaphore(%run_scoped3A : memref<!tpu.dma_semaphore, #tpu.memory_space<semaphore_mem>>) src(%dma_wait3A_647 : memref<400xi32, #tpu.memory_space<hbm>>) dst(%dma_wait3A_646 : memref<400xi32, #tpu.memory_space<vmem>>)
          tpu.yield
        }) : () -> ()
        %add3A_514 = arith.constant 1638400 : i32
        %add3A_515 = arith.addi %add3A_514, %multiple_of3A_509 : i32
        "tpu.region"() ({
          %run_scoped3A = tpu.sem_alloc : memref<!tpu.dma_semaphore, #tpu.memory_space<semaphore_mem>>
          %dma_start3A_636 = arith.constant 800 : i32
          %dma_start3A_637 = tpu.memref_slice %arg7[%dma_start3A_636] : memref<1200xi32, #tpu.memory_space<vmem>> -> memref<400xi32, #tpu.memory_space<vmem>>
          %dma_start3A_638 = tpu.memref_slice %arg2[%add3A_515] : memref<2457600xi32, #tpu.memory_space<hbm>> -> memref<400xi32, #tpu.memory_space<hbm>>
          %dma_start3A_639 = arith.constant 800 : i32
          %dma_start3A_640 = tpu.memref_slice %arg7[%dma_start3A_639] : memref<1200xi32, #tpu.memory_space<vmem>> -> memref<400xi32, #tpu.memory_space<vmem>>
          %dma_start3A_641 = tpu.memref_slice %arg2[%add3A_515] : memref<2457600xi32, #tpu.memory_space<hbm>> -> memref<400xi32, #tpu.memory_space<hbm>>
          tpu.enqueue_dma source(%dma_start3A_641 : memref<400xi32, #tpu.memory_space<hbm>>) target(%dma_start3A_640 : memref<400xi32, #tpu.memory_space<vmem>>) target_semaphore(%run_scoped3A : memref<!tpu.dma_semaphore, #tpu.memory_space<semaphore_mem>>)
          %dma_wait3A_642 = arith.constant 800 : i32
          %dma_wait3A_643 = tpu.memref_slice %arg7[%dma_wait3A_642] : memref<1200xi32, #tpu.memory_space<vmem>> -> memref<400xi32, #tpu.memory_space<vmem>>
          %dma_wait3A_644 = tpu.memref_slice %arg2[%add3A_515] : memref<2457600xi32, #tpu.memory_space<hbm>> -> memref<400xi32, #tpu.memory_space<hbm>>
          %dma_wait3A_645 = arith.constant 800 : i32
          %dma_wait3A_646 = tpu.memref_slice %arg7[%dma_wait3A_645] : memref<1200xi32, #tpu.memory_space<vmem>> -> memref<400xi32, #tpu.memory_space<vmem>>
          %dma_wait3A_647 = tpu.memref_slice %arg2[%add3A_515] : memref<2457600xi32, #tpu.memory_space<hbm>> -> memref<400xi32, #tpu.memory_space<hbm>>
          tpu.wait_dma2 semaphore(%run_scoped3A : memref<!tpu.dma_semaphore, #tpu.memory_space<semaphore_mem>>) src(%dma_wait3A_647 : memref<400xi32, #tpu.memory_space<hbm>>) dst(%dma_wait3A_646 : memref<400xi32, #tpu.memory_space<vmem>>)
          tpu.yield
        }) : () -> ()
        %dma_start3A_516 = arith.constant 0 : i32
        %dma_start3A_517 = arith.constant 0 : i32
        %dma_start3A_518 = tpu.memref_slice %arg9[%dma_start3A_516, %dma_start3A_517] : memref<1200x16xf32, #tpu.memory_space<vmem>> -> memref<80x16xf32, #tpu.memory_space<vmem>>
        %dma_start3A_519 = arith.constant 0 : i32
        %dma_start3A_520 = tpu.memref_slice %arg7[%dma_start3A_519] : memref<1200xi32, #tpu.memory_space<vmem>> -> memref<80xi32, #tpu.memory_space<vmem>>
        %dma_start3A_521 = arith.constant 0 : i32
        %dma_start3A_522 = arith.constant 0 : i32
        %dma_start3A_523 = tpu.memref_slice %arg3[%dma_start3A_521, %dma_start3A_522] : memref<1000000x16xf32, #tpu.memory_space<hbm>> -> memref<1000000x16xf32, #tpu.memory_space<hbm>>
        tpu.enqueue_indirect_dma source(%dma_start3A_523 : memref<1000000x16xf32, #tpu.memory_space<hbm>>) target(%dma_start3A_518 : memref<80x16xf32, #tpu.memory_space<vmem>>) offsets(%dma_start3A_520 : memref<80xi32, #tpu.memory_space<vmem>>) semaphore(%arg12 : memref<!tpu.dma_semaphore, #tpu.memory_space<semaphore_mem>>)
        %dma_start3A_524 = arith.constant 80 : i32
        %dma_start3A_525 = arith.constant 0 : i32
        %dma_start3A_526 = tpu.memref_slice %arg9[%dma_start3A_524, %dma_start3A_525] : memref<1200x16xf32, #tpu.memory_space<vmem>> -> memref<80x16xf32, #tpu.memory_space<vmem>>
        %dma_start3A_527 = arith.constant 80 : i32
        %dma_start3A_528 = tpu.memref_slice %arg7[%dma_start3A_527] : memref<1200xi32, #tpu.memory_space<vmem>> -> memref<80xi32, #tpu.memory_space<vmem>>
        %dma_start3A_529 = arith.constant 0 : i32
        %dma_start3A_530 = arith.constant 0 : i32
        %dma_start3A_531 = tpu.memref_slice %arg3[%dma_start3A_529, %dma_start3A_530] : memref<1000000x16xf32, #tpu.memory_space<hbm>> -> memref<1000000x16xf32, #tpu.memory_space<hbm>>
        tpu.enqueue_indirect_dma source(%dma_start3A_531 : memref<1000000x16xf32, #tpu.memory_space<hbm>>) target(%dma_start3A_526 : memref<80x16xf32, #tpu.memory_space<vmem>>) offsets(%dma_start3A_528 : memref<80xi32, #tpu.memory_space<vmem>>) semaphore(%arg12 : memref<!tpu.dma_semaphore, #tpu.memory_space<semaphore_mem>>)
        %dma_start3A_532 = arith.constant 160 : i32
        %dma_start3A_533 = arith.constant 0 : i32
        %dma_start3A_534 = tpu.memref_slice %arg9[%dma_start3A_532, %dma_start3A_533] : memref<1200x16xf32, #tpu.memory_space<vmem>> -> memref<80x16xf32, #tpu.memory_space<vmem>>
        %dma_start3A_535 = arith.constant 160 : i32
        %dma_start3A_536 = tpu.memref_slice %arg7[%dma_start3A_535] : memref<1200xi32, #tpu.memory_space<vmem>> -> memref<80xi32, #tpu.memory_space<vmem>>
        %dma_start3A_537 = arith.constant 0 : i32
        %dma_start3A_538 = arith.constant 0 : i32
        %dma_start3A_539 = tpu.memref_slice %arg3[%dma_start3A_537, %dma_start3A_538] : memref<1000000x16xf32, #tpu.memory_space<hbm>> -> memref<1000000x16xf32, #tpu.memory_space<hbm>>
        tpu.enqueue_indirect_dma source(%dma_start3A_539 : memref<1000000x16xf32, #tpu.memory_space<hbm>>) target(%dma_start3A_534 : memref<80x16xf32, #tpu.memory_space<vmem>>) offsets(%dma_start3A_536 : memref<80xi32, #tpu.memory_space<vmem>>) semaphore(%arg12 : memref<!tpu.dma_semaphore, #tpu.memory_space<semaphore_mem>>)
        %dma_start3A_540 = arith.constant 240 : i32
        %dma_start3A_541 = arith.constant 0 : i32
        %dma_start3A_542 = tpu.memref_slice %arg9[%dma_start3A_540, %dma_start3A_541] : memref<1200x16xf32, #tpu.memory_space<vmem>> -> memref<80x16xf32, #tpu.memory_space<vmem>>
        %dma_start3A_543 = arith.constant 240 : i32
        %dma_start3A_544 = tpu.memref_slice %arg7[%dma_start3A_543] : memref<1200xi32, #tpu.memory_space<vmem>> -> memref<80xi32, #tpu.memory_space<vmem>>
        %dma_start3A_545 = arith.constant 0 : i32
        %dma_start3A_546 = arith.constant 0 : i32
        %dma_start3A_547 = tpu.memref_slice %arg3[%dma_start3A_545, %dma_start3A_546] : memref<1000000x16xf32, #tpu.memory_space<hbm>> -> memref<1000000x16xf32, #tpu.memory_space<hbm>>
        tpu.enqueue_indirect_dma source(%dma_start3A_547 : memref<1000000x16xf32, #tpu.memory_space<hbm>>) target(%dma_start3A_542 : memref<80x16xf32, #tpu.memory_space<vmem>>) offsets(%dma_start3A_544 : memref<80xi32, #tpu.memory_space<vmem>>) semaphore(%arg12 : memref<!tpu.dma_semaphore, #tpu.memory_space<semaphore_mem>>)
        %dma_start3A_548 = arith.constant 320 : i32
        %dma_start3A_549 = arith.constant 0 : i32
        %dma_start3A_550 = tpu.memref_slice %arg9[%dma_start3A_548, %dma_start3A_549] : memref<1200x16xf32, #tpu.memory_space<vmem>> -> memref<80x16xf32, #tpu.memory_space<vmem>>
        %dma_start3A_551 = arith.constant 320 : i32
        %dma_start3A_552 = tpu.memref_slice %arg7[%dma_start3A_551] : memref<1200xi32, #tpu.memory_space<vmem>> -> memref<80xi32, #tpu.memory_space<vmem>>
        %dma_start3A_553 = arith.constant 0 : i32
        %dma_start3A_554 = arith.constant 0 : i32
        %dma_start3A_555 = tpu.memref_slice %arg3[%dma_start3A_553, %dma_start3A_554] : memref<1000000x16xf32, #tpu.memory_space<hbm>> -> memref<1000000x16xf32, #tpu.memory_space<hbm>>
        tpu.enqueue_indirect_dma source(%dma_start3A_555 : memref<1000000x16xf32, #tpu.memory_space<hbm>>) target(%dma_start3A_550 : memref<80x16xf32, #tpu.memory_space<vmem>>) offsets(%dma_start3A_552 : memref<80xi32, #tpu.memory_space<vmem>>) semaphore(%arg12 : memref<!tpu.dma_semaphore, #tpu.memory_space<semaphore_mem>>)
        %dma_start3A_556 = arith.constant 400 : i32
        %dma_start3A_557 = arith.constant 0 : i32
        %dma_start3A_558 = tpu.memref_slice %arg9[%dma_start3A_556, %dma_start3A_557] : memref<1200x16xf32, #tpu.memory_space<vmem>> -> memref<80x16xf32, #tpu.memory_space<vmem>>
        %dma_start3A_559 = arith.constant 400 : i32
        %dma_start3A_560 = tpu.memref_slice %arg7[%dma_start3A_559] : memref<1200xi32, #tpu.memory_space<vmem>> -> memref<80xi32, #tpu.memory_space<vmem>>
        %dma_start3A_561 = arith.constant 0 : i32
        %dma_start3A_562 = arith.constant 0 : i32
        %dma_start3A_563 = tpu.memref_slice %arg4[%dma_start3A_561, %dma_start3A_562] : memref<1000000x16xf32, #tpu.memory_space<hbm>> -> memref<1000000x16xf32, #tpu.memory_space<hbm>>
        tpu.enqueue_indirect_dma source(%dma_start3A_563 : memref<1000000x16xf32, #tpu.memory_space<hbm>>) target(%dma_start3A_558 : memref<80x16xf32, #tpu.memory_space<vmem>>) offsets(%dma_start3A_560 : memref<80xi32, #tpu.memory_space<vmem>>) semaphore(%arg12 : memref<!tpu.dma_semaphore, #tpu.memory_space<semaphore_mem>>)
        %dma_start3A_564 = arith.constant 480 : i32
        %dma_start3A_565 = arith.constant 0 : i32
        %dma_start3A_566 = tpu.memref_slice %arg9[%dma_start3A_564, %dma_start3A_565] : memref<1200x16xf32, #tpu.memory_space<vmem>> -> memref<80x16xf32, #tpu.memory_space<vmem>>
        %dma_start3A_567 = arith.constant 480 : i32
        %dma_start3A_568 = tpu.memref_slice %arg7[%dma_start3A_567] : memref<1200xi32, #tpu.memory_space<vmem>> -> memref<80xi32, #tpu.memory_space<vmem>>
        %dma_start3A_569 = arith.constant 0 : i32
        %dma_start3A_570 = arith.constant 0 : i32
        %dma_start3A_571 = tpu.memref_slice %arg4[%dma_start3A_569, %dma_start3A_570] : memref<1000000x16xf32, #tpu.memory_space<hbm>> -> memref<1000000x16xf32, #tpu.memory_space<hbm>>
        tpu.enqueue_indirect_dma source(%dma_start3A_571 : memref<1000000x16xf32, #tpu.memory_space<hbm>>) target(%dma_start3A_566 : memref<80x16xf32, #tpu.memory_space<vmem>>) offsets(%dma_start3A_568 : memref<80xi32, #tpu.memory_space<vmem>>) semaphore(%arg12 : memref<!tpu.dma_semaphore, #tpu.memory_space<semaphore_mem>>)
        %dma_start3A_572 = arith.constant 560 : i32
        %dma_start3A_573 = arith.constant 0 : i32
        %dma_start3A_574 = tpu.memref_slice %arg9[%dma_start3A_572, %dma_start3A_573] : memref<1200x16xf32, #tpu.memory_space<vmem>> -> memref<80x16xf32, #tpu.memory_space<vmem>>
        %dma_start3A_575 = arith.constant 560 : i32
        %dma_start3A_576 = tpu.memref_slice %arg7[%dma_start3A_575] : memref<1200xi32, #tpu.memory_space<vmem>> -> memref<80xi32, #tpu.memory_space<vmem>>
        %dma_start3A_577 = arith.constant 0 : i32
        %dma_start3A_578 = arith.constant 0 : i32
        %dma_start3A_579 = tpu.memref_slice %arg4[%dma_start3A_577, %dma_start3A_578] : memref<1000000x16xf32, #tpu.memory_space<hbm>> -> memref<1000000x16xf32, #tpu.memory_space<hbm>>
        tpu.enqueue_indirect_dma source(%dma_start3A_579 : memref<1000000x16xf32, #tpu.memory_space<hbm>>) target(%dma_start3A_574 : memref<80x16xf32, #tpu.memory_space<vmem>>) offsets(%dma_start3A_576 : memref<80xi32, #tpu.memory_space<vmem>>) semaphore(%arg12 : memref<!tpu.dma_semaphore, #tpu.memory_space<semaphore_mem>>)
        %dma_start3A_580 = arith.constant 640 : i32
        %dma_start3A_581 = arith.constant 0 : i32
        %dma_start3A_582 = tpu.memref_slice %arg9[%dma_start3A_580, %dma_start3A_581] : memref<1200x16xf32, #tpu.memory_space<vmem>> -> memref<80x16xf32, #tpu.memory_space<vmem>>
        %dma_start3A_583 = arith.constant 640 : i32
        %dma_start3A_584 = tpu.memref_slice %arg7[%dma_start3A_583] : memref<1200xi32, #tpu.memory_space<vmem>> -> memref<80xi32, #tpu.memory_space<vmem>>
        %dma_start3A_585 = arith.constant 0 : i32
        %dma_start3A_586 = arith.constant 0 : i32
        %dma_start3A_587 = tpu.memref_slice %arg4[%dma_start3A_585, %dma_start3A_586] : memref<1000000x16xf32, #tpu.memory_space<hbm>> -> memref<1000000x16xf32, #tpu.memory_space<hbm>>
        tpu.enqueue_indirect_dma source(%dma_start3A_587 : memref<1000000x16xf32, #tpu.memory_space<hbm>>) target(%dma_start3A_582 : memref<80x16xf32, #tpu.memory_space<vmem>>) offsets(%dma_start3A_584 : memref<80xi32, #tpu.memory_space<vmem>>) semaphore(%arg12 : memref<!tpu.dma_semaphore, #tpu.memory_space<semaphore_mem>>)
        %dma_start3A_588 = arith.constant 720 : i32
        %dma_start3A_589 = arith.constant 0 : i32
        %dma_start3A_590 = tpu.memref_slice %arg9[%dma_start3A_588, %dma_start3A_589] : memref<1200x16xf32, #tpu.memory_space<vmem>> -> memref<80x16xf32, #tpu.memory_space<vmem>>
        %dma_start3A_591 = arith.constant 720 : i32
        %dma_start3A_592 = tpu.memref_slice %arg7[%dma_start3A_591] : memref<1200xi32, #tpu.memory_space<vmem>> -> memref<80xi32, #tpu.memory_space<vmem>>
        %dma_start3A_593 = arith.constant 0 : i32
        %dma_start3A_594 = arith.constant 0 : i32
        %dma_start3A_595 = tpu.memref_slice %arg4[%dma_start3A_593, %dma_start3A_594] : memref<1000000x16xf32, #tpu.memory_space<hbm>> -> memref<1000000x16xf32, #tpu.memory_space<hbm>>
        tpu.enqueue_indirect_dma source(%dma_start3A_595 : memref<1000000x16xf32, #tpu.memory_space<hbm>>) target(%dma_start3A_590 : memref<80x16xf32, #tpu.memory_space<vmem>>) offsets(%dma_start3A_592 : memref<80xi32, #tpu.memory_space<vmem>>) semaphore(%arg12 : memref<!tpu.dma_semaphore, #tpu.memory_space<semaphore_mem>>)
        %dma_start3A_596 = arith.constant 800 : i32
        %dma_start3A_597 = arith.constant 0 : i32
        %dma_start3A_598 = tpu.memref_slice %arg9[%dma_start3A_596, %dma_start3A_597] : memref<1200x16xf32, #tpu.memory_space<vmem>> -> memref<80x16xf32, #tpu.memory_space<vmem>>
        %dma_start3A_599 = arith.constant 800 : i32
        %dma_start3A_600 = tpu.memref_slice %arg7[%dma_start3A_599] : memref<1200xi32, #tpu.memory_space<vmem>> -> memref<80xi32, #tpu.memory_space<vmem>>
        %dma_start3A_601 = arith.constant 0 : i32
        %dma_start3A_602 = arith.constant 0 : i32
        %dma_start3A_603 = tpu.memref_slice %arg5[%dma_start3A_601, %dma_start3A_602] : memref<1000000x16xf32, #tpu.memory_space<hbm>> -> memref<1000000x16xf32, #tpu.memory_space<hbm>>
        tpu.enqueue_indirect_dma source(%dma_start3A_603 : memref<1000000x16xf32, #tpu.memory_space<hbm>>) target(%dma_start3A_598 : memref<80x16xf32, #tpu.memory_space<vmem>>) offsets(%dma_start3A_600 : memref<80xi32, #tpu.memory_space<vmem>>) semaphore(%arg12 : memref<!tpu.dma_semaphore, #tpu.memory_space<semaphore_mem>>)
        %dma_start3A_604 = arith.constant 880 : i32
        %dma_start3A_605 = arith.constant 0 : i32
        %dma_start3A_606 = tpu.memref_slice %arg9[%dma_start3A_604, %dma_start3A_605] : memref<1200x16xf32, #tpu.memory_space<vmem>> -> memref<80x16xf32, #tpu.memory_space<vmem>>
        %dma_start3A_607 = arith.constant 880 : i32
        %dma_start3A_608 = tpu.memref_slice %arg7[%dma_start3A_607] : memref<1200xi32, #tpu.memory_space<vmem>> -> memref<80xi32, #tpu.memory_space<vmem>>
        %dma_start3A_609 = arith.constant 0 : i32
        %dma_start3A_610 = arith.constant 0 : i32
        %dma_start3A_611 = tpu.memref_slice %arg5[%dma_start3A_609, %dma_start3A_610] : memref<1000000x16xf32, #tpu.memory_space<hbm>> -> memref<1000000x16xf32, #tpu.memory_space<hbm>>
        tpu.enqueue_indirect_dma source(%dma_start3A_611 : memref<1000000x16xf32, #tpu.memory_space<hbm>>) target(%dma_start3A_606 : memref<80x16xf32, #tpu.memory_space<vmem>>) offsets(%dma_start3A_608 : memref<80xi32, #tpu.memory_space<vmem>>) semaphore(%arg12 : memref<!tpu.dma_semaphore, #tpu.memory_space<semaphore_mem>>)
        %dma_start3A_612 = arith.constant 960 : i32
        %dma_start3A_613 = arith.constant 0 : i32
        %dma_start3A_614 = tpu.memref_slice %arg9[%dma_start3A_612, %dma_start3A_613] : memref<1200x16xf32, #tpu.memory_space<vmem>> -> memref<80x16xf32, #tpu.memory_space<vmem>>
        %dma_start3A_615 = arith.constant 960 : i32
        %dma_start3A_616 = tpu.memref_slice %arg7[%dma_start3A_615] : memref<1200xi32, #tpu.memory_space<vmem>> -> memref<80xi32, #tpu.memory_space<vmem>>
        %dma_start3A_617 = arith.constant 0 : i32
        %dma_start3A_618 = arith.constant 0 : i32
        %dma_start3A_619 = tpu.memref_slice %arg5[%dma_start3A_617, %dma_start3A_618] : memref<1000000x16xf32, #tpu.memory_space<hbm>> -> memref<1000000x16xf32, #tpu.memory_space<hbm>>
        tpu.enqueue_indirect_dma source(%dma_start3A_619 : memref<1000000x16xf32, #tpu.memory_space<hbm>>) target(%dma_start3A_614 : memref<80x16xf32, #tpu.memory_space<vmem>>) offsets(%dma_start3A_616 : memref<80xi32, #tpu.memory_space<vmem>>) semaphore(%arg12 : memref<!tpu.dma_semaphore, #tpu.memory_space<semaphore_mem>>)
        %dma_start3A_620 = arith.constant 1040 : i32
        %dma_start3A_621 = arith.constant 0 : i32
        %dma_start3A_622 = tpu.memref_slice %arg9[%dma_start3A_620, %dma_start3A_621] : memref<1200x16xf32, #tpu.memory_space<vmem>> -> memref<80x16xf32, #tpu.memory_space<vmem>>
        %dma_start3A_623 = arith.constant 1040 : i32
        %dma_start3A_624 = tpu.memref_slice %arg7[%dma_start3A_623] : memref<1200xi32, #tpu.memory_space<vmem>> -> memref<80xi32, #tpu.memory_space<vmem>>
        %dma_start3A_625 = arith.constant 0 : i32
        %dma_start3A_626 = arith.constant 0 : i32
        %dma_start3A_627 = tpu.memref_slice %arg5[%dma_start3A_625, %dma_start3A_626] : memref<1000000x16xf32, #tpu.memory_space<hbm>> -> memref<1000000x16xf32, #tpu.memory_space<hbm>>
        tpu.enqueue_indirect_dma source(%dma_start3A_627 : memref<1000000x16xf32, #tpu.memory_space<hbm>>) target(%dma_start3A_622 : memref<80x16xf32, #tpu.memory_space<vmem>>) offsets(%dma_start3A_624 : memref<80xi32, #tpu.memory_space<vmem>>) semaphore(%arg12 : memref<!tpu.dma_semaphore, #tpu.memory_space<semaphore_mem>>)
        %dma_start3A_628 = arith.constant 1120 : i32
        %dma_start3A_629 = arith.constant 0 : i32
        %dma_start3A_630 = tpu.memref_slice %arg9[%dma_start3A_628, %dma_start3A_629] : memref<1200x16xf32, #tpu.memory_space<vmem>> -> memref<80x16xf32, #tpu.memory_space<vmem>>
        %dma_start3A_631 = arith.constant 1120 : i32
        %dma_start3A_632 = tpu.memref_slice %arg7[%dma_start3A_631] : memref<1200xi32, #tpu.memory_space<vmem>> -> memref<80xi32, #tpu.memory_space<vmem>>
        %dma_start3A_633 = arith.constant 0 : i32
        %dma_start3A_634 = arith.constant 0 : i32
        %dma_start3A_635 = tpu.memref_slice %arg5[%dma_start3A_633, %dma_start3A_634] : memref<1000000x16xf32, #tpu.memory_space<hbm>> -> memref<1000000x16xf32, #tpu.memory_space<hbm>>
        tpu.enqueue_indirect_dma source(%dma_start3A_635 : memref<1000000x16xf32, #tpu.memory_space<hbm>>) target(%dma_start3A_630 : memref<80x16xf32, #tpu.memory_space<vmem>>) offsets(%dma_start3A_632 : memref<80xi32, #tpu.memory_space<vmem>>) semaphore(%arg12 : memref<!tpu.dma_semaphore, #tpu.memory_space<semaphore_mem>>)
      } else {
      }
      %dma_wait3A_391 = arith.constant 0 : i32
      %dma_wait3A_392 = arith.constant 0 : i32
      %dma_wait3A_393 = tpu.memref_slice %arg3[%dma_wait3A_391, %dma_wait3A_392] : memref<1000000x16xf32, #tpu.memory_space<hbm>> -> memref<1200x16xf32, #tpu.memory_space<hbm>>
      %dma_wait3A_394 = arith.constant 0 : i32
      %dma_wait3A_395 = arith.constant 0 : i32
      %dma_wait3A_396 = tpu.memref_slice %arg3[%dma_wait3A_394, %dma_wait3A_395] : memref<1000000x16xf32, #tpu.memory_space<hbm>> -> memref<1200x16xf32, #tpu.memory_space<hbm>>
      tpu.wait_dma2 semaphore(%arg13 : memref<!tpu.dma_semaphore, #tpu.memory_space<semaphore_mem>>) src(%dma_wait3A_396 : memref<1200x16xf32, #tpu.memory_space<hbm>>) dst(%arg10 : memref<1200x16xf32, #tpu.memory_space<vmem>>)
      %add3A_397 = arith.constant 1 : i32
      %add3A_398 = arith.addi %mul3A_147, %add3A_397 : i32
      %broadcast_in_dim3A_399 = arith.constant 0.000000e+00 : f32
      %broadcast_in_dim3A_400 = vector.broadcast %broadcast_in_dim3A_399 : f32 to vector<16xf32>
      %scan3A_401 = arith.constant 0 : i32
      %scan3A_402 = arith.constant 200 : i32
      %scan3A_403 = arith.addi %scan3A_401, %scan3A_402 : i32
      %scan3A_404 = arith.constant 1 : i32
      %scan3A_405:6 = scf.for %scan3A_500 = %scan3A_401 to %scan3A_403 step %scan3A_404 iter_args(%scan3A_501 = %broadcast_in_dim3A_400, %scan3A_502 = %broadcast_in_dim3A_400, %scan3A_503 = %broadcast_in_dim3A_400, %scan3A_504 = %broadcast_in_dim3A_400, %scan3A_505 = %broadcast_in_dim3A_400, %scan3A_506 = %broadcast_in_dim3A_400) -> (vector<16xf32>, vector<16xf32>, vector<16xf32>, vector<16xf32>, vector<16xf32>, vector<16xf32>)  : i32 {
        %add3A_507 = arith.constant 0 : i32
        %add3A_508 = arith.addi %add3A_507, %scan3A_500 : i32
        %get3A = arith.index_cast %add3A_508 : i32 to index
        %get3A_509 = arith.constant 0 : index
        %get3A_510 = tpu.vector_load %arg10[%get3A, %get3A_509] {strides = array<i32>} : memref<1200x16xf32, #tpu.memory_space<vmem>>, vector<16xf32>,
        %bitcast3A = vector.bitcast %get3A_510 : vector<16xf32> to vector<32xbf16>
        %unpack3A = tpu.unpack_subelements %bitcast3A, 0 {pack_format = #tpu.pack_format<interleaved>} : vector<32xbf16> -> vector<16xf32>
        %unpack3A_511 = tpu.unpack_subelements %bitcast3A, 1 {pack_format = #tpu.pack_format<interleaved>} : vector<32xbf16> -> vector<16xf32>
        %add3A_512 = arith.constant 400 : i32
        %add3A_513 = arith.addi %add3A_512, %add3A_508 : i32
        %get3A_514 = arith.index_cast %add3A_513 : i32 to index
        %get3A_515 = arith.constant 0 : index
        %get3A_516 = tpu.vector_load %arg10[%get3A_514, %get3A_515] {strides = array<i32>} : memref<1200x16xf32, #tpu.memory_space<vmem>>, vector<16xf32>,
        %bitcast3A_517 = vector.bitcast %get3A_516 : vector<16xf32> to vector<32xbf16>
        %unpack3A_518 = tpu.unpack_subelements %bitcast3A_517, 0 {pack_format = #tpu.pack_format<interleaved>} : vector<32xbf16> -> vector<16xf32>
        %unpack3A_519 = tpu.unpack_subelements %bitcast3A_517, 1 {pack_format = #tpu.pack_format<interleaved>} : vector<32xbf16> -> vector<16xf32>
        %add3A_520 = arith.constant 800 : i32
        %add3A_521 = arith.addi %add3A_520, %add3A_508 : i32
        %get3A_522 = arith.index_cast %add3A_521 : i32 to index
        %get3A_523 = arith.constant 0 : index
        %get3A_524 = tpu.vector_load %arg10[%get3A_522, %get3A_523] {strides = array<i32>} : memref<1200x16xf32, #tpu.memory_space<vmem>>, vector<16xf32>,
        %bitcast3A_525 = vector.bitcast %get3A_524 : vector<16xf32> to vector<32xbf16>
        %unpack3A_526 = tpu.unpack_subelements %bitcast3A_525, 0 {pack_format = #tpu.pack_format<interleaved>} : vector<32xbf16> -> vector<16xf32>
        %unpack3A_527 = tpu.unpack_subelements %bitcast3A_525, 1 {pack_format = #tpu.pack_format<interleaved>} : vector<32xbf16> -> vector<16xf32>
        %add3A_528 = arith.addf %scan3A_501, %unpack3A : vector<16xf32>
        %add3A_529 = arith.addf %scan3A_502, %unpack3A_511 : vector<16xf32>
        %add3A_530 = arith.addf %scan3A_503, %unpack3A_518 : vector<16xf32>
        %add3A_531 = arith.addf %scan3A_504, %unpack3A_519 : vector<16xf32>
        %add3A_532 = arith.addf %scan3A_505, %unpack3A_526 : vector<16xf32>
        %add3A_533 = arith.addf %scan3A_506, %unpack3A_527 : vector<16xf32>
        scf.yield %add3A_528, %add3A_529, %add3A_530, %add3A_531, %add3A_532, %add3A_533 : vector<16xf32>, vector<16xf32>, vector<16xf32>, vector<16xf32>, vector<16xf32>, vector<16xf32>
      }
      %scan3A_406 = arith.constant 200 : i32
      %mul3A_407 = arith.constant 2 : i32
      %mul3A_408 = arith.muli %add3A_398, %mul3A_407 : i32
      %add3A_409 = arith.constant 0 : i32
      %add3A_410 = arith.addi %mul3A_408, %add3A_409 : i32
      %mul3A_411 = arith.constant 2 : i32
      %mul3A_412 = arith.muli %add3A_410, %mul3A_411 : i32
      %mul3A_413 = arith.constant 32 : i32
      %mul3A_414 = arith.muli %mul3A_412, %mul3A_413 : i32
      %mul3A_415 = arith.constant 5.000000e+00 : f32
      %mul3A_416 = vector.broadcast %mul3A_415 : f32 to vector<16xf32>
      %mul3A_417 = arith.mulf %mul3A_416, %scan3A_405#4 : vector<16xf32>
      %add3A_418 = arith.addf %scan3A_405#0, %mul3A_417 : vector<16xf32>
      %mul3A_419 = arith.constant 5.000000e-03 : f32
      %mul3A_420 = vector.broadcast %mul3A_419 : f32 to vector<16xf32>
      %mul3A_421 = arith.mulf %add3A_418, %mul3A_420 : vector<16xf32>
      %swap3A_422 = arith.index_cast %mul3A_414 : i32 to index
      %swap3A_423 = tpu.vector_load %arg11[%swap3A_422] {strides = array<i32>} : memref<8192xf32, #tpu.memory_space<vmem>>, vector<16xf32>,
      tpu.vector_store %arg11[%swap3A_422], %mul3A_421 {strides = array<i32>} : memref<8192xf32, #tpu.memory_space<vmem>>, vector<16xf32>,
      %mul3A_424 = arith.constant 5.000000e+00 : f32
      %mul3A_425 = vector.broadcast %mul3A_424 : f32 to vector<16xf32>
      %mul3A_426 = arith.mulf %mul3A_425, %scan3A_405#5 : vector<16xf32>
      %add3A_427 = arith.addf %scan3A_405#1, %mul3A_426 : vector<16xf32>
      %mul3A_428 = arith.constant 5.000000e-03 : f32
      %mul3A_429 = vector.broadcast %mul3A_428 : f32 to vector<16xf32>
      %mul3A_430 = arith.mulf %add3A_427, %mul3A_429 : vector<16xf32>
      %add3A_431 = arith.constant 16 : i32
      %add3A_432 = arith.addi %mul3A_414, %add3A_431 : i32
      %swap3A_433 = arith.index_cast %add3A_432 : i32 to index
      %swap3A_434 = tpu.vector_load %arg11[%swap3A_433] {strides = array<i32>} : memref<8192xf32, #tpu.memory_space<vmem>>, vector<16xf32>,
      tpu.vector_store %arg11[%swap3A_433], %mul3A_430 {strides = array<i32>} : memref<8192xf32, #tpu.memory_space<vmem>>, vector<16xf32>,
      %mul3A_435 = arith.constant 5.000000e-03 : f32
      %mul3A_436 = vector.broadcast %mul3A_435 : f32 to vector<16xf32>
      %mul3A_437 = arith.mulf %scan3A_405#2, %mul3A_436 : vector<16xf32>
      %add3A_438 = arith.constant 32 : i32
      %add3A_439 = arith.addi %mul3A_414, %add3A_438 : i32
      %swap3A_440 = arith.index_cast %add3A_439 : i32 to index
      %swap3A_441 = tpu.vector_load %arg11[%swap3A_440] {strides = array<i32>} : memref<8192xf32, #tpu.memory_space<vmem>>, vector<16xf32>,
      tpu.vector_store %arg11[%swap3A_440], %mul3A_437 {strides = array<i32>} : memref<8192xf32, #tpu.memory_space<vmem>>, vector<16xf32>,
      %mul3A_442 = arith.constant 5.000000e-03 : f32
      %mul3A_443 = vector.broadcast %mul3A_442 : f32 to vector<16xf32>
      %mul3A_444 = arith.mulf %scan3A_405#3, %mul3A_443 : vector<16xf32>
      %add3A_445 = arith.constant 48 : i32
      %add3A_446 = arith.addi %mul3A_414, %add3A_445 : i32
      %swap3A_447 = arith.index_cast %add3A_446 : i32 to index
      %swap3A_448 = tpu.vector_load %arg11[%swap3A_447] {strides = array<i32>} : memref<8192xf32, #tpu.memory_space<vmem>>, vector<16xf32>,
      tpu.vector_store %arg11[%swap3A_447], %mul3A_444 {strides = array<i32>} : memref<8192xf32, #tpu.memory_space<vmem>>, vector<16xf32>,
      %broadcast_in_dim3A_449 = arith.constant 0.000000e+00 : f32
      %broadcast_in_dim3A_450 = vector.broadcast %broadcast_in_dim3A_449 : f32 to vector<16xf32>
      %scan3A_451 = arith.constant 0 : i32
      %scan3A_452 = arith.constant 200 : i32
      %scan3A_453 = arith.addi %scan3A_451, %scan3A_452 : i32
      %scan3A_454 = arith.constant 1 : i32
      %scan3A_455:6 = scf.for %scan3A_500 = %scan3A_451 to %scan3A_453 step %scan3A_454 iter_args(%scan3A_501 = %broadcast_in_dim3A_450, %scan3A_502 = %broadcast_in_dim3A_450, %scan3A_503 = %broadcast_in_dim3A_450, %scan3A_504 = %broadcast_in_dim3A_450, %scan3A_505 = %broadcast_in_dim3A_450, %scan3A_506 = %broadcast_in_dim3A_450) -> (vector<16xf32>, vector<16xf32>, vector<16xf32>, vector<16xf32>, vector<16xf32>, vector<16xf32>)  : i32 {
        %add3A_507 = arith.constant 200 : i32
        %add3A_508 = arith.addi %add3A_507, %scan3A_500 : i32
        %get3A = arith.index_cast %add3A_508 : i32 to index
        %get3A_509 = arith.constant 0 : index
        %get3A_510 = tpu.vector_load %arg10[%get3A, %get3A_509] {strides = array<i32>} : memref<1200x16xf32, #tpu.memory_space<vmem>>, vector<16xf32>,
        %bitcast3A = vector.bitcast %get3A_510 : vector<16xf32> to vector<32xbf16>
        %unpack3A = tpu.unpack_subelements %bitcast3A, 0 {pack_format = #tpu.pack_format<interleaved>} : vector<32xbf16> -> vector<16xf32>
        %unpack3A_511 = tpu.unpack_subelements %bitcast3A, 1 {pack_format = #tpu.pack_format<interleaved>} : vector<32xbf16> -> vector<16xf32>
        %add3A_512 = arith.constant 400 : i32
        %add3A_513 = arith.addi %add3A_512, %add3A_508 : i32
        %get3A_514 = arith.index_cast %add3A_513 : i32 to index
        %get3A_515 = arith.constant 0 : index
        %get3A_516 = tpu.vector_load %arg10[%get3A_514, %get3A_515] {strides = array<i32>} : memref<1200x16xf32, #tpu.memory_space<vmem>>, vector<16xf32>,
        %bitcast3A_517 = vector.bitcast %get3A_516 : vector<16xf32> to vector<32xbf16>
        %unpack3A_518 = tpu.unpack_subelements %bitcast3A_517, 0 {pack_format = #tpu.pack_format<interleaved>} : vector<32xbf16> -> vector<16xf32>
        %unpack3A_519 = tpu.unpack_subelements %bitcast3A_517, 1 {pack_format = #tpu.pack_format<interleaved>} : vector<32xbf16> -> vector<16xf32>
        %add3A_520 = arith.constant 800 : i32
        %add3A_521 = arith.addi %add3A_520, %add3A_508 : i32
        %get3A_522 = arith.index_cast %add3A_521 : i32 to index
        %get3A_523 = arith.constant 0 : index
        %get3A_524 = tpu.vector_load %arg10[%get3A_522, %get3A_523] {strides = array<i32>} : memref<1200x16xf32, #tpu.memory_space<vmem>>, vector<16xf32>,
        %bitcast3A_525 = vector.bitcast %get3A_524 : vector<16xf32> to vector<32xbf16>
        %unpack3A_526 = tpu.unpack_subelements %bitcast3A_525, 0 {pack_format = #tpu.pack_format<interleaved>} : vector<32xbf16> -> vector<16xf32>
        %unpack3A_527 = tpu.unpack_subelements %bitcast3A_525, 1 {pack_format = #tpu.pack_format<interleaved>} : vector<32xbf16> -> vector<16xf32>
        %add3A_528 = arith.addf %scan3A_501, %unpack3A : vector<16xf32>
        %add3A_529 = arith.addf %scan3A_502, %unpack3A_511 : vector<16xf32>
        %add3A_530 = arith.addf %scan3A_503, %unpack3A_518 : vector<16xf32>
        %add3A_531 = arith.addf %scan3A_504, %unpack3A_519 : vector<16xf32>
        %add3A_532 = arith.addf %scan3A_505, %unpack3A_526 : vector<16xf32>
        %add3A_533 = arith.addf %scan3A_506, %unpack3A_527 : vector<16xf32>
        scf.yield %add3A_528, %add3A_529, %add3A_530, %add3A_531, %add3A_532, %add3A_533 : vector<16xf32>, vector<16xf32>, vector<16xf32>, vector<16xf32>, vector<16xf32>, vector<16xf32>
      }
      %scan3A_456 = arith.constant 200 : i32
      %mul3A_457 = arith.constant 2 : i32
      %mul3A_458 = arith.muli %add3A_398, %mul3A_457 : i32
      %add3A_459 = arith.constant 1 : i32
      %add3A_460 = arith.addi %mul3A_458, %add3A_459 : i32
      %mul3A_461 = arith.constant 2 : i32
      %mul3A_462 = arith.muli %add3A_460, %mul3A_461 : i32
      %mul3A_463 = arith.constant 32 : i32
      %mul3A_464 = arith.muli %mul3A_462, %mul3A_463 : i32
      %mul3A_465 = arith.constant 5.000000e+00 : f32
      %mul3A_466 = vector.broadcast %mul3A_465 : f32 to vector<16xf32>
      %mul3A_467 = arith.mulf %mul3A_466, %scan3A_455#4 : vector<16xf32>
      %add3A_468 = arith.addf %scan3A_455#0, %mul3A_467 : vector<16xf32>
      %mul3A_469 = arith.constant 5.000000e-03 : f32
      %mul3A_470 = vector.broadcast %mul3A_469 : f32 to vector<16xf32>
      %mul3A_471 = arith.mulf %add3A_468, %mul3A_470 : vector<16xf32>
      %swap3A_472 = arith.index_cast %mul3A_464 : i32 to index
      %swap3A_473 = tpu.vector_load %arg11[%swap3A_472] {strides = array<i32>} : memref<8192xf32, #tpu.memory_space<vmem>>, vector<16xf32>,
      tpu.vector_store %arg11[%swap3A_472], %mul3A_471 {strides = array<i32>} : memref<8192xf32, #tpu.memory_space<vmem>>, vector<16xf32>,
      %mul3A_474 = arith.constant 5.000000e+00 : f32
      %mul3A_475 = vector.broadcast %mul3A_474 : f32 to vector<16xf32>
      %mul3A_476 = arith.mulf %mul3A_475, %scan3A_455#5 : vector<16xf32>
      %add3A_477 = arith.addf %scan3A_455#1, %mul3A_476 : vector<16xf32>
      %mul3A_478 = arith.constant 5.000000e-03 : f32
      %mul3A_479 = vector.broadcast %mul3A_478 : f32 to vector<16xf32>
      %mul3A_480 = arith.mulf %add3A_477, %mul3A_479 : vector<16xf32>
      %add3A_481 = arith.constant 16 : i32
      %add3A_482 = arith.addi %mul3A_464, %add3A_481 : i32
      %swap3A_483 = arith.index_cast %add3A_482 : i32 to index
      %swap3A_484 = tpu.vector_load %arg11[%swap3A_483] {strides = array<i32>} : memref<8192xf32, #tpu.memory_space<vmem>>, vector<16xf32>,
      tpu.vector_store %arg11[%swap3A_483], %mul3A_480 {strides = array<i32>} : memref<8192xf32, #tpu.memory_space<vmem>>, vector<16xf32>,
      %mul3A_485 = arith.constant 5.000000e-03 : f32
      %mul3A_486 = vector.broadcast %mul3A_485 : f32 to vector<16xf32>
      %mul3A_487 = arith.mulf %scan3A_455#2, %mul3A_486 : vector<16xf32>
      %add3A_488 = arith.constant 32 : i32
      %add3A_489 = arith.addi %mul3A_464, %add3A_488 : i32
      %swap3A_490 = arith.index_cast %add3A_489 : i32 to index
      %swap3A_491 = tpu.vector_load %arg11[%swap3A_490] {strides = array<i32>} : memref<8192xf32, #tpu.memory_space<vmem>>, vector<16xf32>,
      tpu.vector_store %arg11[%swap3A_490], %mul3A_487 {strides = array<i32>} : memref<8192xf32, #tpu.memory_space<vmem>>, vector<16xf32>,
      %mul3A_492 = arith.constant 5.000000e-03 : f32
      %mul3A_493 = vector.broadcast %mul3A_492 : f32 to vector<16xf32>
      %mul3A_494 = arith.mulf %scan3A_455#3, %mul3A_493 : vector<16xf32>
      %add3A_495 = arith.constant 48 : i32
      %add3A_496 = arith.addi %mul3A_464, %add3A_495 : i32
      %swap3A_497 = arith.index_cast %add3A_496 : i32 to index
      %swap3A_498 = tpu.vector_load %arg11[%swap3A_497] {strides = array<i32>} : memref<8192xf32, #tpu.memory_space<vmem>>, vector<16xf32>,
      tpu.vector_store %arg11[%swap3A_497], %mul3A_494 {strides = array<i32>} : memref<8192xf32, #tpu.memory_space<vmem>>, vector<16xf32>,
      %scan3A_499 = arith.constant 0 : i32
      scf.yield %scan3A_499 : i32
    }
    %scan3A_137 = arith.constant 32 : i32
    %mul3A_138 = arith.constant 128 : i32
    %mul3A_139 = arith.muli %add3A, %mul3A_138 : i32
    %mul3A_140 = arith.constant 2 : i32
    %mul3A_141 = arith.muli %mul3A_139, %mul3A_140 : i32
    %mul3A_142 = arith.constant 32 : i32
    %mul3A_143 = arith.muli %mul3A_141, %mul3A_142 : i32
    "tpu.region"() ({
      %run_scoped3A = tpu.sem_alloc : memref<!tpu.dma_semaphore, #tpu.memory_space<semaphore_mem>>
      %dma_start3A_144 = tpu.memref_slice %arg6[%mul3A_143] : memref<262144xf32, #tpu.memory_space<hbm>> -> memref<8192xf32, #tpu.memory_space<hbm>>
      %dma_start3A_145 = tpu.memref_slice %arg6[%mul3A_143] : memref<262144xf32, #tpu.memory_space<hbm>> -> memref<8192xf32, #tpu.memory_space<hbm>>
      tpu.enqueue_dma source(%arg11 : memref<8192xf32, #tpu.memory_space<vmem>>) target(%dma_start3A_145 : memref<8192xf32, #tpu.memory_space<hbm>>) target_semaphore(%run_scoped3A : memref<!tpu.dma_semaphore, #tpu.memory_space<semaphore_mem>>)
      %dma_wait3A = tpu.memref_slice %arg6[%mul3A_143] : memref<262144xf32, #tpu.memory_space<hbm>> -> memref<8192xf32, #tpu.memory_space<hbm>>
      %dma_wait3A_146 = tpu.memref_slice %arg6[%mul3A_143] : memref<262144xf32, #tpu.memory_space<hbm>> -> memref<8192xf32, #tpu.memory_space<hbm>>
      tpu.wait_dma2 semaphore(%run_scoped3A : memref<!tpu.dma_semaphore, #tpu.memory_space<semaphore_mem>>) src(%arg11 : memref<8192xf32, #tpu.memory_space<vmem>>) dst(%dma_wait3A_146 : memref<8192xf32, #tpu.memory_space<hbm>>)
      tpu.yield
    }) : () -> ()
    return
  }
}

module attributes {stable_mosaic.version = 14 : i64} {
  func.func @_repack_tail_body(%arg0: memref<32x16xf32, #tpu.memory_space<vmem>>, %arg1: memref<32x16xf32, #tpu.memory_space<vmem>>, %arg2: memref<32x8x72xf32, #tpu.memory_space<vmem>>, %arg3: memref<72x128xf32, #tpu.memory_space<vmem>>) attributes {dimension_semantics = [], scalar_prefetch = 0 : i64, scratch_operands = 0 : i64, tpu.core_type = #tpu.core_type<tc>} {
    %get3A = arith.constant 0 : index
    %get3A_0 = arith.constant 0 : index
    %get3A_1 = vector.load %arg0[%get3A, %get3A_0] : memref<32x16xf32, #tpu.memory_space<vmem>>, vector<32x16xf32>
    %get3A_2 = arith.constant 0 : index
    %get3A_3 = arith.constant 0 : index
    %get3A_4 = vector.load %arg1[%get3A_2, %get3A_3] : memref<32x16xf32, #tpu.memory_space<vmem>>, vector<32x16xf32>
    %get3A_5 = arith.constant 0 : index
    %get3A_6 = arith.constant 0 : index
    %get3A_7 = arith.constant 0 : index
    %get3A_8 = vector.load %arg2[%get3A_5, %get3A_6, %get3A_7] : memref<32x8x72xf32, #tpu.memory_space<vmem>>, vector<32x8x72xf32>
    %slice3A = vector.extract_strided_slice %get3A_8 {offsets = [0, 0, 0], sizes = [32, 1, 72], strides = [1, 1, 1]} : vector<32x8x72xf32> to vector<32x1x72xf32>
    %squeeze3A = vector.shape_cast %slice3A : vector<32x1x72xf32> to vector<32x72xf32>
    %dot_general3A = arith.constant dense<0.000000e+00> : vector<72x16xf32>
    %dot_general3A_9 = tpu.matmul %squeeze3A, %get3A_1, %dot_general3A {dimension_numbers = #tpu.dot_dimension_numbers<[0], [0], [1], [1], [0, 1, 1, 1], [], []>, transpose_lhs_hint = false} : vector<32x72xf32>, vector<32x16xf32>, vector<72x16xf32> -> vector<72x16xf32>
    %dot_general3A_10 = arith.constant dense<0.000000e+00> : vector<72x16xf32>
    %dot_general3A_11 = tpu.matmul %squeeze3A, %get3A_4, %dot_general3A_10 {dimension_numbers = #tpu.dot_dimension_numbers<[0], [0], [1], [1], [0, 1, 1, 1], [], []>, transpose_lhs_hint = false} : vector<32x72xf32>, vector<32x16xf32>, vector<72x16xf32> -> vector<72x16xf32>
    %bitcast_convert_type3A = tpu.bitcast %dot_general3A_9 : vector<72x16xf32> -> vector<72x16xi32>
    %shift_right_logical3A = arith.constant 16 : i32
    %shift_right_logical3A_12 = vector.broadcast %shift_right_logical3A : i32 to vector<72x16xi32>
    %shift_right_logical3A_13 = arith.shrui %bitcast_convert_type3A, %shift_right_logical3A_12 : vector<72x16xi32>
    %bitcast_convert_type3A_14 = tpu.bitcast %dot_general3A_11 : vector<72x16xf32> -> vector<72x16xi32>
    %and3A = arith.constant -65536 : i32
    %and3A_15 = vector.broadcast %and3A : i32 to vector<72x16xi32>
    %and3A_16 = arith.andi %bitcast_convert_type3A_14, %and3A_15 : vector<72x16xi32>
    %or3A = arith.ori %and3A_16, %shift_right_logical3A_13 : vector<72x16xi32>
    %bitcast_convert_type3A_17 = tpu.bitcast %or3A : vector<72x16xi32> -> vector<72x16xf32>
    %swap3A = arith.constant 0 : index
    %swap3A_18 = arith.constant 0 : index
    %swap3A_19 = vector.load %arg3[%swap3A, %swap3A_18] : memref<72x128xf32, #tpu.memory_space<vmem>>, vector<72x16xf32>
    tpu.vector_store %arg3[%swap3A, %swap3A_18], %bitcast_convert_type3A_17 {strides = array<i32>} : memref<72x128xf32, #tpu.memory_space<vmem>>, vector<72x16xf32>,
    %slice3A_20 = vector.extract_strided_slice %get3A_8 {offsets = [0, 1, 0], sizes = [32, 1, 72], strides = [1, 1, 1]} : vector<32x8x72xf32> to vector<32x1x72xf32>
    %squeeze3A_21 = vector.shape_cast %slice3A_20 : vector<32x1x72xf32> to vector<32x72xf32>
    %dot_general3A_22 = arith.constant dense<0.000000e+00> : vector<72x16xf32>
    %dot_general3A_23 = tpu.matmul %squeeze3A_21, %get3A_1, %dot_general3A_22 {dimension_numbers = #tpu.dot_dimension_numbers<[0], [0], [1], [1], [0, 1, 1, 1], [], []>, transpose_lhs_hint = false} : vector<32x72xf32>, vector<32x16xf32>, vector<72x16xf32> -> vector<72x16xf32>
    %dot_general3A_24 = arith.constant dense<0.000000e+00> : vector<72x16xf32>
    %dot_general3A_25 = tpu.matmul %squeeze3A_21, %get3A_4, %dot_general3A_24 {dimension_numbers = #tpu.dot_dimension_numbers<[0], [0], [1], [1], [0, 1, 1, 1], [], []>, transpose_lhs_hint = false} : vector<32x72xf32>, vector<32x16xf32>, vector<72x16xf32> -> vector<72x16xf32>
    %bitcast_convert_type3A_26 = tpu.bitcast %dot_general3A_23 : vector<72x16xf32> -> vector<72x16xi32>
    %shift_right_logical3A_27 = arith.constant 16 : i32
    %shift_right_logical3A_28 = vector.broadcast %shift_right_logical3A_27 : i32 to vector<72x16xi32>
    %shift_right_logical3A_29 = arith.shrui %bitcast_convert_type3A_26, %shift_right_logical3A_28 : vector<72x16xi32>
    %bitcast_convert_type3A_30 = tpu.bitcast %dot_general3A_25 : vector<72x16xf32> -> vector<72x16xi32>
    %and3A_31 = arith.constant -65536 : i32
    %and3A_32 = vector.broadcast %and3A_31 : i32 to vector<72x16xi32>
    %and3A_33 = arith.andi %bitcast_convert_type3A_30, %and3A_32 : vector<72x16xi32>
    %or3A_34 = arith.ori %and3A_33, %shift_right_logical3A_29 : vector<72x16xi32>
    %bitcast_convert_type3A_35 = tpu.bitcast %or3A_34 : vector<72x16xi32> -> vector<72x16xf32>
    %swap3A_36 = arith.constant 0 : index
    %swap3A_37 = arith.constant 16 : index
    %swap3A_38 = vector.load %arg3[%swap3A_36, %swap3A_37] : memref<72x128xf32, #tpu.memory_space<vmem>>, vector<72x16xf32>
    tpu.vector_store %arg3[%swap3A_36, %swap3A_37], %bitcast_convert_type3A_35 {strides = array<i32>} : memref<72x128xf32, #tpu.memory_space<vmem>>, vector<72x16xf32>,
    %slice3A_39 = vector.extract_strided_slice %get3A_8 {offsets = [0, 2, 0], sizes = [32, 1, 72], strides = [1, 1, 1]} : vector<32x8x72xf32> to vector<32x1x72xf32>
    %squeeze3A_40 = vector.shape_cast %slice3A_39 : vector<32x1x72xf32> to vector<32x72xf32>
    %dot_general3A_41 = arith.constant dense<0.000000e+00> : vector<72x16xf32>
    %dot_general3A_42 = tpu.matmul %squeeze3A_40, %get3A_1, %dot_general3A_41 {dimension_numbers = #tpu.dot_dimension_numbers<[0], [0], [1], [1], [0, 1, 1, 1], [], []>, transpose_lhs_hint = false} : vector<32x72xf32>, vector<32x16xf32>, vector<72x16xf32> -> vector<72x16xf32>
    %dot_general3A_43 = arith.constant dense<0.000000e+00> : vector<72x16xf32>
    %dot_general3A_44 = tpu.matmul %squeeze3A_40, %get3A_4, %dot_general3A_43 {dimension_numbers = #tpu.dot_dimension_numbers<[0], [0], [1], [1], [0, 1, 1, 1], [], []>, transpose_lhs_hint = false} : vector<32x72xf32>, vector<32x16xf32>, vector<72x16xf32> -> vector<72x16xf32>
    %bitcast_convert_type3A_45 = tpu.bitcast %dot_general3A_42 : vector<72x16xf32> -> vector<72x16xi32>
    %shift_right_logical3A_46 = arith.constant 16 : i32
    %shift_right_logical3A_47 = vector.broadcast %shift_right_logical3A_46 : i32 to vector<72x16xi32>
    %shift_right_logical3A_48 = arith.shrui %bitcast_convert_type3A_45, %shift_right_logical3A_47 : vector<72x16xi32>
    %bitcast_convert_type3A_49 = tpu.bitcast %dot_general3A_44 : vector<72x16xf32> -> vector<72x16xi32>
    %and3A_50 = arith.constant -65536 : i32
    %and3A_51 = vector.broadcast %and3A_50 : i32 to vector<72x16xi32>
    %and3A_52 = arith.andi %bitcast_convert_type3A_49, %and3A_51 : vector<72x16xi32>
    %or3A_53 = arith.ori %and3A_52, %shift_right_logical3A_48 : vector<72x16xi32>
    %bitcast_convert_type3A_54 = tpu.bitcast %or3A_53 : vector<72x16xi32> -> vector<72x16xf32>
    %swap3A_55 = arith.constant 0 : index
    %swap3A_56 = arith.constant 32 : index
    %swap3A_57 = vector.load %arg3[%swap3A_55, %swap3A_56] : memref<72x128xf32, #tpu.memory_space<vmem>>, vector<72x16xf32>
    tpu.vector_store %arg3[%swap3A_55, %swap3A_56], %bitcast_convert_type3A_54 {strides = array<i32>} : memref<72x128xf32, #tpu.memory_space<vmem>>, vector<72x16xf32>,
    %slice3A_58 = vector.extract_strided_slice %get3A_8 {offsets = [0, 3, 0], sizes = [32, 1, 72], strides = [1, 1, 1]} : vector<32x8x72xf32> to vector<32x1x72xf32>
    %squeeze3A_59 = vector.shape_cast %slice3A_58 : vector<32x1x72xf32> to vector<32x72xf32>
    %dot_general3A_60 = arith.constant dense<0.000000e+00> : vector<72x16xf32>
    %dot_general3A_61 = tpu.matmul %squeeze3A_59, %get3A_1, %dot_general3A_60 {dimension_numbers = #tpu.dot_dimension_numbers<[0], [0], [1], [1], [0, 1, 1, 1], [], []>, transpose_lhs_hint = false} : vector<32x72xf32>, vector<32x16xf32>, vector<72x16xf32> -> vector<72x16xf32>
    %dot_general3A_62 = arith.constant dense<0.000000e+00> : vector<72x16xf32>
    %dot_general3A_63 = tpu.matmul %squeeze3A_59, %get3A_4, %dot_general3A_62 {dimension_numbers = #tpu.dot_dimension_numbers<[0], [0], [1], [1], [0, 1, 1, 1], [], []>, transpose_lhs_hint = false} : vector<32x72xf32>, vector<32x16xf32>, vector<72x16xf32> -> vector<72x16xf32>
    %bitcast_convert_type3A_64 = tpu.bitcast %dot_general3A_61 : vector<72x16xf32> -> vector<72x16xi32>
    %shift_right_logical3A_65 = arith.constant 16 : i32
    %shift_right_logical3A_66 = vector.broadcast %shift_right_logical3A_65 : i32 to vector<72x16xi32>
    %shift_right_logical3A_67 = arith.shrui %bitcast_convert_type3A_64, %shift_right_logical3A_66 : vector<72x16xi32>
    %bitcast_convert_type3A_68 = tpu.bitcast %dot_general3A_63 : vector<72x16xf32> -> vector<72x16xi32>
    %and3A_69 = arith.constant -65536 : i32
    %and3A_70 = vector.broadcast %and3A_69 : i32 to vector<72x16xi32>
    %and3A_71 = arith.andi %bitcast_convert_type3A_68, %and3A_70 : vector<72x16xi32>
    %or3A_72 = arith.ori %and3A_71, %shift_right_logical3A_67 : vector<72x16xi32>
    %bitcast_convert_type3A_73 = tpu.bitcast %or3A_72 : vector<72x16xi32> -> vector<72x16xf32>
    %swap3A_74 = arith.constant 0 : index
    %swap3A_75 = arith.constant 48 : index
    %swap3A_76 = vector.load %arg3[%swap3A_74, %swap3A_75] : memref<72x128xf32, #tpu.memory_space<vmem>>, vector<72x16xf32>
    tpu.vector_store %arg3[%swap3A_74, %swap3A_75], %bitcast_convert_type3A_73 {strides = array<i32>} : memref<72x128xf32, #tpu.memory_space<vmem>>, vector<72x16xf32>,
    %slice3A_77 = vector.extract_strided_slice %get3A_8 {offsets = [0, 4, 0], sizes = [32, 1, 72], strides = [1, 1, 1]} : vector<32x8x72xf32> to vector<32x1x72xf32>
    %squeeze3A_78 = vector.shape_cast %slice3A_77 : vector<32x1x72xf32> to vector<32x72xf32>
    %dot_general3A_79 = arith.constant dense<0.000000e+00> : vector<72x16xf32>
    %dot_general3A_80 = tpu.matmul %squeeze3A_78, %get3A_1, %dot_general3A_79 {dimension_numbers = #tpu.dot_dimension_numbers<[0], [0], [1], [1], [0, 1, 1, 1], [], []>, transpose_lhs_hint = false} : vector<32x72xf32>, vector<32x16xf32>, vector<72x16xf32> -> vector<72x16xf32>
    %dot_general3A_81 = arith.constant dense<0.000000e+00> : vector<72x16xf32>
    %dot_general3A_82 = tpu.matmul %squeeze3A_78, %get3A_4, %dot_general3A_81 {dimension_numbers = #tpu.dot_dimension_numbers<[0], [0], [1], [1], [0, 1, 1, 1], [], []>, transpose_lhs_hint = false} : vector<32x72xf32>, vector<32x16xf32>, vector<72x16xf32> -> vector<72x16xf32>
    %bitcast_convert_type3A_83 = tpu.bitcast %dot_general3A_80 : vector<72x16xf32> -> vector<72x16xi32>
    %shift_right_logical3A_84 = arith.constant 16 : i32
    %shift_right_logical3A_85 = vector.broadcast %shift_right_logical3A_84 : i32 to vector<72x16xi32>
    %shift_right_logical3A_86 = arith.shrui %bitcast_convert_type3A_83, %shift_right_logical3A_85 : vector<72x16xi32>
    %bitcast_convert_type3A_87 = tpu.bitcast %dot_general3A_82 : vector<72x16xf32> -> vector<72x16xi32>
    %and3A_88 = arith.constant -65536 : i32
    %and3A_89 = vector.broadcast %and3A_88 : i32 to vector<72x16xi32>
    %and3A_90 = arith.andi %bitcast_convert_type3A_87, %and3A_89 : vector<72x16xi32>
    %or3A_91 = arith.ori %and3A_90, %shift_right_logical3A_86 : vector<72x16xi32>
    %bitcast_convert_type3A_92 = tpu.bitcast %or3A_91 : vector<72x16xi32> -> vector<72x16xf32>
    %swap3A_93 = arith.constant 0 : index
    %swap3A_94 = arith.constant 64 : index
    %swap3A_95 = vector.load %arg3[%swap3A_93, %swap3A_94] : memref<72x128xf32, #tpu.memory_space<vmem>>, vector<72x16xf32>
    tpu.vector_store %arg3[%swap3A_93, %swap3A_94], %bitcast_convert_type3A_92 {strides = array<i32>} : memref<72x128xf32, #tpu.memory_space<vmem>>, vector<72x16xf32>,
    %slice3A_96 = vector.extract_strided_slice %get3A_8 {offsets = [0, 5, 0], sizes = [32, 1, 72], strides = [1, 1, 1]} : vector<32x8x72xf32> to vector<32x1x72xf32>
    %squeeze3A_97 = vector.shape_cast %slice3A_96 : vector<32x1x72xf32> to vector<32x72xf32>
    %dot_general3A_98 = arith.constant dense<0.000000e+00> : vector<72x16xf32>
    %dot_general3A_99 = tpu.matmul %squeeze3A_97, %get3A_1, %dot_general3A_98 {dimension_numbers = #tpu.dot_dimension_numbers<[0], [0], [1], [1], [0, 1, 1, 1], [], []>, transpose_lhs_hint = false} : vector<32x72xf32>, vector<32x16xf32>, vector<72x16xf32> -> vector<72x16xf32>
    %dot_general3A_100 = arith.constant dense<0.000000e+00> : vector<72x16xf32>
    %dot_general3A_101 = tpu.matmul %squeeze3A_97, %get3A_4, %dot_general3A_100 {dimension_numbers = #tpu.dot_dimension_numbers<[0], [0], [1], [1], [0, 1, 1, 1], [], []>, transpose_lhs_hint = false} : vector<32x72xf32>, vector<32x16xf32>, vector<72x16xf32> -> vector<72x16xf32>
    %bitcast_convert_type3A_102 = tpu.bitcast %dot_general3A_99 : vector<72x16xf32> -> vector<72x16xi32>
    %shift_right_logical3A_103 = arith.constant 16 : i32
    %shift_right_logical3A_104 = vector.broadcast %shift_right_logical3A_103 : i32 to vector<72x16xi32>
    %shift_right_logical3A_105 = arith.shrui %bitcast_convert_type3A_102, %shift_right_logical3A_104 : vector<72x16xi32>
    %bitcast_convert_type3A_106 = tpu.bitcast %dot_general3A_101 : vector<72x16xf32> -> vector<72x16xi32>
    %and3A_107 = arith.constant -65536 : i32
    %and3A_108 = vector.broadcast %and3A_107 : i32 to vector<72x16xi32>
    %and3A_109 = arith.andi %bitcast_convert_type3A_106, %and3A_108 : vector<72x16xi32>
    %or3A_110 = arith.ori %and3A_109, %shift_right_logical3A_105 : vector<72x16xi32>
    %bitcast_convert_type3A_111 = tpu.bitcast %or3A_110 : vector<72x16xi32> -> vector<72x16xf32>
    %swap3A_112 = arith.constant 0 : index
    %swap3A_113 = arith.constant 80 : index
    %swap3A_114 = vector.load %arg3[%swap3A_112, %swap3A_113] : memref<72x128xf32, #tpu.memory_space<vmem>>, vector<72x16xf32>
    tpu.vector_store %arg3[%swap3A_112, %swap3A_113], %bitcast_convert_type3A_111 {strides = array<i32>} : memref<72x128xf32, #tpu.memory_space<vmem>>, vector<72x16xf32>,
    %slice3A_115 = vector.extract_strided_slice %get3A_8 {offsets = [0, 6, 0], sizes = [32, 1, 72], strides = [1, 1, 1]} : vector<32x8x72xf32> to vector<32x1x72xf32>
    %squeeze3A_116 = vector.shape_cast %slice3A_115 : vector<32x1x72xf32> to vector<32x72xf32>
    %dot_general3A_117 = arith.constant dense<0.000000e+00> : vector<72x16xf32>
    %dot_general3A_118 = tpu.matmul %squeeze3A_116, %get3A_1, %dot_general3A_117 {dimension_numbers = #tpu.dot_dimension_numbers<[0], [0], [1], [1], [0, 1, 1, 1], [], []>, transpose_lhs_hint = false} : vector<32x72xf32>, vector<32x16xf32>, vector<72x16xf32> -> vector<72x16xf32>
    %dot_general3A_119 = arith.constant dense<0.000000e+00> : vector<72x16xf32>
    %dot_general3A_120 = tpu.matmul %squeeze3A_116, %get3A_4, %dot_general3A_119 {dimension_numbers = #tpu.dot_dimension_numbers<[0], [0], [1], [1], [0, 1, 1, 1], [], []>, transpose_lhs_hint = false} : vector<32x72xf32>, vector<32x16xf32>, vector<72x16xf32> -> vector<72x16xf32>
    %bitcast_convert_type3A_121 = tpu.bitcast %dot_general3A_118 : vector<72x16xf32> -> vector<72x16xi32>
    %shift_right_logical3A_122 = arith.constant 16 : i32
    %shift_right_logical3A_123 = vector.broadcast %shift_right_logical3A_122 : i32 to vector<72x16xi32>
    %shift_right_logical3A_124 = arith.shrui %bitcast_convert_type3A_121, %shift_right_logical3A_123 : vector<72x16xi32>
    %bitcast_convert_type3A_125 = tpu.bitcast %dot_general3A_120 : vector<72x16xf32> -> vector<72x16xi32>
    %and3A_126 = arith.constant -65536 : i32
    %and3A_127 = vector.broadcast %and3A_126 : i32 to vector<72x16xi32>
    %and3A_128 = arith.andi %bitcast_convert_type3A_125, %and3A_127 : vector<72x16xi32>
    %or3A_129 = arith.ori %and3A_128, %shift_right_logical3A_124 : vector<72x16xi32>
    %bitcast_convert_type3A_130 = tpu.bitcast %or3A_129 : vector<72x16xi32> -> vector<72x16xf32>
    %swap3A_131 = arith.constant 0 : index
    %swap3A_132 = arith.constant 96 : index
    %swap3A_133 = vector.load %arg3[%swap3A_131, %swap3A_132] : memref<72x128xf32, #tpu.memory_space<vmem>>, vector<72x16xf32>
    tpu.vector_store %arg3[%swap3A_131, %swap3A_132], %bitcast_convert_type3A_130 {strides = array<i32>} : memref<72x128xf32, #tpu.memory_space<vmem>>, vector<72x16xf32>,
    %slice3A_134 = vector.extract_strided_slice %get3A_8 {offsets = [0, 7, 0], sizes = [32, 1, 72], strides = [1, 1, 1]} : vector<32x8x72xf32> to vector<32x1x72xf32>
    %squeeze3A_135 = vector.shape_cast %slice3A_134 : vector<32x1x72xf32> to vector<32x72xf32>
    %dot_general3A_136 = arith.constant dense<0.000000e+00> : vector<72x16xf32>
    %dot_general3A_137 = tpu.matmul %squeeze3A_135, %get3A_1, %dot_general3A_136 {dimension_numbers = #tpu.dot_dimension_numbers<[0], [0], [1], [1], [0, 1, 1, 1], [], []>, transpose_lhs_hint = false} : vector<32x72xf32>, vector<32x16xf32>, vector<72x16xf32> -> vector<72x16xf32>
    %dot_general3A_138 = arith.constant dense<0.000000e+00> : vector<72x16xf32>
    %dot_general3A_139 = tpu.matmul %squeeze3A_135, %get3A_4, %dot_general3A_138 {dimension_numbers = #tpu.dot_dimension_numbers<[0], [0], [1], [1], [0, 1, 1, 1], [], []>, transpose_lhs_hint = false} : vector<32x72xf32>, vector<32x16xf32>, vector<72x16xf32> -> vector<72x16xf32>
    %bitcast_convert_type3A_140 = tpu.bitcast %dot_general3A_137 : vector<72x16xf32> -> vector<72x16xi32>
    %shift_right_logical3A_141 = arith.constant 16 : i32
    %shift_right_logical3A_142 = vector.broadcast %shift_right_logical3A_141 : i32 to vector<72x16xi32>
    %shift_right_logical3A_143 = arith.shrui %bitcast_convert_type3A_140, %shift_right_logical3A_142 : vector<72x16xi32>
    %bitcast_convert_type3A_144 = tpu.bitcast %dot_general3A_139 : vector<72x16xf32> -> vector<72x16xi32>
    %and3A_145 = arith.constant -65536 : i32
    %and3A_146 = vector.broadcast %and3A_145 : i32 to vector<72x16xi32>
    %and3A_147 = arith.andi %bitcast_convert_type3A_144, %and3A_146 : vector<72x16xi32>
    %or3A_148 = arith.ori %and3A_147, %shift_right_logical3A_143 : vector<72x16xi32>
    %bitcast_convert_type3A_149 = tpu.bitcast %or3A_148 : vector<72x16xi32> -> vector<72x16xf32>
    %swap3A_150 = arith.constant 0 : index
    %swap3A_151 = arith.constant 112 : index
    %swap3A_152 = vector.load %arg3[%swap3A_150, %swap3A_151] : memref<72x128xf32, #tpu.memory_space<vmem>>, vector<72x16xf32>
    tpu.vector_store %arg3[%swap3A_150, %swap3A_151], %bitcast_convert_type3A_149 {strides = array<i32>} : memref<72x128xf32, #tpu.memory_space<vmem>>, vector<72x16xf32>,
    return
  }
}

module attributes {stable_mosaic.version = 14 : i64} {
  func.func @_repack_body(%arg0: i32, %arg1: memref<32x16xf32, #tpu.memory_space<vmem>>, %arg2: memref<32x16xf32, #tpu.memory_space<vmem>>, %arg3: memref<32x1024xf32, #tpu.memory_space<vmem>>, %arg4: memref<32x1024xf32, #tpu.memory_space<vmem>>, %arg5: memref<32x1024xf32, #tpu.memory_space<vmem>>, %arg6: memref<32x1024xf32, #tpu.memory_space<vmem>>, %arg7: memref<32x1024xf32, #tpu.memory_space<vmem>>, %arg8: memref<32x1024xf32, #tpu.memory_space<vmem>>, %arg9: memref<32x1024xf32, #tpu.memory_space<vmem>>, %arg10: memref<32x1024xf32, #tpu.memory_space<vmem>>, %arg11: memref<1024x128xf32, #tpu.memory_space<vmem>>) attributes {dimension_semantics = [#tpu.dimension_semantics<arbitrary>], iteration_bounds = array<i64: 122>, scalar_prefetch = 0 : i64, scratch_operands = 0 : i64, tpu.core_type = #tpu.core_type<tc>, window_params = [{pipeline_mode = #tpu.pipeline_mode<synchronous>, transform_indices = @transform_0, window_bounds = array<i64: 32, 16>}, {pipeline_mode = #tpu.pipeline_mode<synchronous>, transform_indices = @transform_1, window_bounds = array<i64: 32, 16>}, {transform_indices = @transform_2, window_bounds = array<i64: 32, 1024>}, {transform_indices = @transform_3, window_bounds = array<i64: 32, 1024>}, {transform_indices = @transform_4, window_bounds = array<i64: 32, 1024>}, {transform_indices = @transform_5, window_bounds = array<i64: 32, 1024>}, {transform_indices = @transform_6, window_bounds = array<i64: 32, 1024>}, {transform_indices = @transform_7, window_bounds = array<i64: 32, 1024>}, {transform_indices = @transform_8, window_bounds = array<i64: 32, 1024>}, {transform_indices = @transform_9, window_bounds = array<i64: 32, 1024>}, {transform_indices = @transform_10, window_bounds = array<i64: 1024, 128>}]} {
    %get3A = arith.constant 0 : index
    %get3A_0 = arith.constant 0 : index
    %get3A_1 = vector.load %arg1[%get3A, %get3A_0] : memref<32x16xf32, #tpu.memory_space<vmem>>, vector<32x16xf32>
    %get3A_2 = arith.constant 0 : index
    %get3A_3 = arith.constant 0 : index
    %get3A_4 = vector.load %arg2[%get3A_2, %get3A_3] : memref<32x16xf32, #tpu.memory_space<vmem>>, vector<32x16xf32>
    %get3A_5 = arith.constant 0 : index
    %get3A_6 = arith.constant 0 : index
    %get3A_7 = vector.load %arg3[%get3A_5, %get3A_6] : memref<32x1024xf32, #tpu.memory_space<vmem>>, vector<32x1024xf32>
    %dot_general3A = arith.constant dense<0.000000e+00> : vector<1024x16xf32>
    %dot_general3A_8 = tpu.matmul %get3A_7, %get3A_1, %dot_general3A {dimension_numbers = #tpu.dot_dimension_numbers<[0], [0], [1], [1], [0, 1, 1, 1], [], []>, transpose_lhs_hint = true} : vector<32x1024xf32>, vector<32x16xf32>, vector<1024x16xf32> -> vector<1024x16xf32>
    %dot_general3A_9 = arith.constant dense<0.000000e+00> : vector<1024x16xf32>
    %dot_general3A_10 = tpu.matmul %get3A_7, %get3A_4, %dot_general3A_9 {dimension_numbers = #tpu.dot_dimension_numbers<[0], [0], [1], [1], [0, 1, 1, 1], [], []>, transpose_lhs_hint = true} : vector<32x1024xf32>, vector<32x16xf32>, vector<1024x16xf32> -> vector<1024x16xf32>
    %bitcast_convert_type3A = tpu.bitcast %dot_general3A_8 : vector<1024x16xf32> -> vector<1024x16xi32>
    %shift_right_logical3A = arith.constant 16 : i32
    %shift_right_logical3A_11 = vector.broadcast %shift_right_logical3A : i32 to vector<1024x16xi32>
    %shift_right_logical3A_12 = arith.shrui %bitcast_convert_type3A, %shift_right_logical3A_11 : vector<1024x16xi32>
    %bitcast_convert_type3A_13 = tpu.bitcast %dot_general3A_10 : vector<1024x16xf32> -> vector<1024x16xi32>
    %and3A = arith.constant -65536 : i32
    %and3A_14 = vector.broadcast %and3A : i32 to vector<1024x16xi32>
    %and3A_15 = arith.andi %bitcast_convert_type3A_13, %and3A_14 : vector<1024x16xi32>
    %or3A = arith.ori %and3A_15, %shift_right_logical3A_12 : vector<1024x16xi32>
    %bitcast_convert_type3A_16 = tpu.bitcast %or3A : vector<1024x16xi32> -> vector<1024x16xf32>
    %swap3A = arith.constant 0 : index
    %swap3A_17 = arith.constant 0 : index
    %swap3A_18 = vector.load %arg11[%swap3A, %swap3A_17] : memref<1024x128xf32, #tpu.memory_space<vmem>>, vector<1024x16xf32>
    tpu.vector_store %arg11[%swap3A, %swap3A_17], %bitcast_convert_type3A_16 {strides = array<i32>} : memref<1024x128xf32, #tpu.memory_space<vmem>>, vector<1024x16xf32>,
    %get3A_19 = arith.constant 0 : index
    %get3A_20 = arith.constant 0 : index
    %get3A_21 = vector.load %arg4[%get3A_19, %get3A_20] : memref<32x1024xf32, #tpu.memory_space<vmem>>, vector<32x1024xf32>
    %dot_general3A_22 = arith.constant dense<0.000000e+00> : vector<1024x16xf32>
    %dot_general3A_23 = tpu.matmul %get3A_21, %get3A_1, %dot_general3A_22 {dimension_numbers = #tpu.dot_dimension_numbers<[0], [0], [1], [1], [0, 1, 1, 1], [], []>, transpose_lhs_hint = true} : vector<32x1024xf32>, vector<32x16xf32>, vector<1024x16xf32> -> vector<1024x16xf32>
    %dot_general3A_24 = arith.constant dense<0.000000e+00> : vector<1024x16xf32>
    %dot_general3A_25 = tpu.matmul %get3A_21, %get3A_4, %dot_general3A_24 {dimension_numbers = #tpu.dot_dimension_numbers<[0], [0], [1], [1], [0, 1, 1, 1], [], []>, transpose_lhs_hint = true} : vector<32x1024xf32>, vector<32x16xf32>, vector<1024x16xf32> -> vector<1024x16xf32>
    %bitcast_convert_type3A_26 = tpu.bitcast %dot_general3A_23 : vector<1024x16xf32> -> vector<1024x16xi32>
    %shift_right_logical3A_27 = arith.constant 16 : i32
    %shift_right_logical3A_28 = vector.broadcast %shift_right_logical3A_27 : i32 to vector<1024x16xi32>
    %shift_right_logical3A_29 = arith.shrui %bitcast_convert_type3A_26, %shift_right_logical3A_28 : vector<1024x16xi32>
    %bitcast_convert_type3A_30 = tpu.bitcast %dot_general3A_25 : vector<1024x16xf32> -> vector<1024x16xi32>
    %and3A_31 = arith.constant -65536 : i32
    %and3A_32 = vector.broadcast %and3A_31 : i32 to vector<1024x16xi32>
    %and3A_33 = arith.andi %bitcast_convert_type3A_30, %and3A_32 : vector<1024x16xi32>
    %or3A_34 = arith.ori %and3A_33, %shift_right_logical3A_29 : vector<1024x16xi32>
    %bitcast_convert_type3A_35 = tpu.bitcast %or3A_34 : vector<1024x16xi32> -> vector<1024x16xf32>
    %swap3A_36 = arith.constant 0 : index
    %swap3A_37 = arith.constant 16 : index
    %swap3A_38 = vector.load %arg11[%swap3A_36, %swap3A_37] : memref<1024x128xf32, #tpu.memory_space<vmem>>, vector<1024x16xf32>
    tpu.vector_store %arg11[%swap3A_36, %swap3A_37], %bitcast_convert_type3A_35 {strides = array<i32>} : memref<1024x128xf32, #tpu.memory_space<vmem>>, vector<1024x16xf32>,
    %get3A_39 = arith.constant 0 : index
    %get3A_40 = arith.constant 0 : index
    %get3A_41 = vector.load %arg5[%get3A_39, %get3A_40] : memref<32x1024xf32, #tpu.memory_space<vmem>>, vector<32x1024xf32>
    %dot_general3A_42 = arith.constant dense<0.000000e+00> : vector<1024x16xf32>
    %dot_general3A_43 = tpu.matmul %get3A_41, %get3A_1, %dot_general3A_42 {dimension_numbers = #tpu.dot_dimension_numbers<[0], [0], [1], [1], [0, 1, 1, 1], [], []>, transpose_lhs_hint = true} : vector<32x1024xf32>, vector<32x16xf32>, vector<1024x16xf32> -> vector<1024x16xf32>
    %dot_general3A_44 = arith.constant dense<0.000000e+00> : vector<1024x16xf32>
    %dot_general3A_45 = tpu.matmul %get3A_41, %get3A_4, %dot_general3A_44 {dimension_numbers = #tpu.dot_dimension_numbers<[0], [0], [1], [1], [0, 1, 1, 1], [], []>, transpose_lhs_hint = true} : vector<32x1024xf32>, vector<32x16xf32>, vector<1024x16xf32> -> vector<1024x16xf32>
    %bitcast_convert_type3A_46 = tpu.bitcast %dot_general3A_43 : vector<1024x16xf32> -> vector<1024x16xi32>
    %shift_right_logical3A_47 = arith.constant 16 : i32
    %shift_right_logical3A_48 = vector.broadcast %shift_right_logical3A_47 : i32 to vector<1024x16xi32>
    %shift_right_logical3A_49 = arith.shrui %bitcast_convert_type3A_46, %shift_right_logical3A_48 : vector<1024x16xi32>
    %bitcast_convert_type3A_50 = tpu.bitcast %dot_general3A_45 : vector<1024x16xf32> -> vector<1024x16xi32>
    %and3A_51 = arith.constant -65536 : i32
    %and3A_52 = vector.broadcast %and3A_51 : i32 to vector<1024x16xi32>
    %and3A_53 = arith.andi %bitcast_convert_type3A_50, %and3A_52 : vector<1024x16xi32>
    %or3A_54 = arith.ori %and3A_53, %shift_right_logical3A_49 : vector<1024x16xi32>
    %bitcast_convert_type3A_55 = tpu.bitcast %or3A_54 : vector<1024x16xi32> -> vector<1024x16xf32>
    %swap3A_56 = arith.constant 0 : index
    %swap3A_57 = arith.constant 32 : index
    %swap3A_58 = vector.load %arg11[%swap3A_56, %swap3A_57] : memref<1024x128xf32, #tpu.memory_space<vmem>>, vector<1024x16xf32>
    tpu.vector_store %arg11[%swap3A_56, %swap3A_57], %bitcast_convert_type3A_55 {strides = array<i32>} : memref<1024x128xf32, #tpu.memory_space<vmem>>, vector<1024x16xf32>,
    %get3A_59 = arith.constant 0 : index
    %get3A_60 = arith.constant 0 : index
    %get3A_61 = vector.load %arg6[%get3A_59, %get3A_60] : memref<32x1024xf32, #tpu.memory_space<vmem>>, vector<32x1024xf32>
    %dot_general3A_62 = arith.constant dense<0.000000e+00> : vector<1024x16xf32>
    %dot_general3A_63 = tpu.matmul %get3A_61, %get3A_1, %dot_general3A_62 {dimension_numbers = #tpu.dot_dimension_numbers<[0], [0], [1], [1], [0, 1, 1, 1], [], []>, transpose_lhs_hint = true} : vector<32x1024xf32>, vector<32x16xf32>, vector<1024x16xf32> -> vector<1024x16xf32>
    %dot_general3A_64 = arith.constant dense<0.000000e+00> : vector<1024x16xf32>
    %dot_general3A_65 = tpu.matmul %get3A_61, %get3A_4, %dot_general3A_64 {dimension_numbers = #tpu.dot_dimension_numbers<[0], [0], [1], [1], [0, 1, 1, 1], [], []>, transpose_lhs_hint = true} : vector<32x1024xf32>, vector<32x16xf32>, vector<1024x16xf32> -> vector<1024x16xf32>
    %bitcast_convert_type3A_66 = tpu.bitcast %dot_general3A_63 : vector<1024x16xf32> -> vector<1024x16xi32>
    %shift_right_logical3A_67 = arith.constant 16 : i32
    %shift_right_logical3A_68 = vector.broadcast %shift_right_logical3A_67 : i32 to vector<1024x16xi32>
    %shift_right_logical3A_69 = arith.shrui %bitcast_convert_type3A_66, %shift_right_logical3A_68 : vector<1024x16xi32>
    %bitcast_convert_type3A_70 = tpu.bitcast %dot_general3A_65 : vector<1024x16xf32> -> vector<1024x16xi32>
    %and3A_71 = arith.constant -65536 : i32
    %and3A_72 = vector.broadcast %and3A_71 : i32 to vector<1024x16xi32>
    %and3A_73 = arith.andi %bitcast_convert_type3A_70, %and3A_72 : vector<1024x16xi32>
    %or3A_74 = arith.ori %and3A_73, %shift_right_logical3A_69 : vector<1024x16xi32>
    %bitcast_convert_type3A_75 = tpu.bitcast %or3A_74 : vector<1024x16xi32> -> vector<1024x16xf32>
    %swap3A_76 = arith.constant 0 : index
    %swap3A_77 = arith.constant 48 : index
    %swap3A_78 = vector.load %arg11[%swap3A_76, %swap3A_77] : memref<1024x128xf32, #tpu.memory_space<vmem>>, vector<1024x16xf32>
    tpu.vector_store %arg11[%swap3A_76, %swap3A_77], %bitcast_convert_type3A_75 {strides = array<i32>} : memref<1024x128xf32, #tpu.memory_space<vmem>>, vector<1024x16xf32>,
    %get3A_79 = arith.constant 0 : index
    %get3A_80 = arith.constant 0 : index
    %get3A_81 = vector.load %arg7[%get3A_79, %get3A_80] : memref<32x1024xf32, #tpu.memory_space<vmem>>, vector<32x1024xf32>
    %dot_general3A_82 = arith.constant dense<0.000000e+00> : vector<1024x16xf32>
    %dot_general3A_83 = tpu.matmul %get3A_81, %get3A_1, %dot_general3A_82 {dimension_numbers = #tpu.dot_dimension_numbers<[0], [0], [1], [1], [0, 1, 1, 1], [], []>, transpose_lhs_hint = true} : vector<32x1024xf32>, vector<32x16xf32>, vector<1024x16xf32> -> vector<1024x16xf32>
    %dot_general3A_84 = arith.constant dense<0.000000e+00> : vector<1024x16xf32>
    %dot_general3A_85 = tpu.matmul %get3A_81, %get3A_4, %dot_general3A_84 {dimension_numbers = #tpu.dot_dimension_numbers<[0], [0], [1], [1], [0, 1, 1, 1], [], []>, transpose_lhs_hint = true} : vector<32x1024xf32>, vector<32x16xf32>, vector<1024x16xf32> -> vector<1024x16xf32>
    %bitcast_convert_type3A_86 = tpu.bitcast %dot_general3A_83 : vector<1024x16xf32> -> vector<1024x16xi32>
    %shift_right_logical3A_87 = arith.constant 16 : i32
    %shift_right_logical3A_88 = vector.broadcast %shift_right_logical3A_87 : i32 to vector<1024x16xi32>
    %shift_right_logical3A_89 = arith.shrui %bitcast_convert_type3A_86, %shift_right_logical3A_88 : vector<1024x16xi32>
    %bitcast_convert_type3A_90 = tpu.bitcast %dot_general3A_85 : vector<1024x16xf32> -> vector<1024x16xi32>
    %and3A_91 = arith.constant -65536 : i32
    %and3A_92 = vector.broadcast %and3A_91 : i32 to vector<1024x16xi32>
    %and3A_93 = arith.andi %bitcast_convert_type3A_90, %and3A_92 : vector<1024x16xi32>
    %or3A_94 = arith.ori %and3A_93, %shift_right_logical3A_89 : vector<1024x16xi32>
    %bitcast_convert_type3A_95 = tpu.bitcast %or3A_94 : vector<1024x16xi32> -> vector<1024x16xf32>
    %swap3A_96 = arith.constant 0 : index
    %swap3A_97 = arith.constant 64 : index
    %swap3A_98 = vector.load %arg11[%swap3A_96, %swap3A_97] : memref<1024x128xf32, #tpu.memory_space<vmem>>, vector<1024x16xf32>
    tpu.vector_store %arg11[%swap3A_96, %swap3A_97], %bitcast_convert_type3A_95 {strides = array<i32>} : memref<1024x128xf32, #tpu.memory_space<vmem>>, vector<1024x16xf32>,
    %get3A_99 = arith.constant 0 : index
    %get3A_100 = arith.constant 0 : index
    %get3A_101 = vector.load %arg8[%get3A_99, %get3A_100] : memref<32x1024xf32, #tpu.memory_space<vmem>>, vector<32x1024xf32>
    %dot_general3A_102 = arith.constant dense<0.000000e+00> : vector<1024x16xf32>
    %dot_general3A_103 = tpu.matmul %get3A_101, %get3A_1, %dot_general3A_102 {dimension_numbers = #tpu.dot_dimension_numbers<[0], [0], [1], [1], [0, 1, 1, 1], [], []>, transpose_lhs_hint = true} : vector<32x1024xf32>, vector<32x16xf32>, vector<1024x16xf32> -> vector<1024x16xf32>
    %dot_general3A_104 = arith.constant dense<0.000000e+00> : vector<1024x16xf32>
    %dot_general3A_105 = tpu.matmul %get3A_101, %get3A_4, %dot_general3A_104 {dimension_numbers = #tpu.dot_dimension_numbers<[0], [0], [1], [1], [0, 1, 1, 1], [], []>, transpose_lhs_hint = true} : vector<32x1024xf32>, vector<32x16xf32>, vector<1024x16xf32> -> vector<1024x16xf32>
    %bitcast_convert_type3A_106 = tpu.bitcast %dot_general3A_103 : vector<1024x16xf32> -> vector<1024x16xi32>
    %shift_right_logical3A_107 = arith.constant 16 : i32
    %shift_right_logical3A_108 = vector.broadcast %shift_right_logical3A_107 : i32 to vector<1024x16xi32>
    %shift_right_logical3A_109 = arith.shrui %bitcast_convert_type3A_106, %shift_right_logical3A_108 : vector<1024x16xi32>
    %bitcast_convert_type3A_110 = tpu.bitcast %dot_general3A_105 : vector<1024x16xf32> -> vector<1024x16xi32>
    %and3A_111 = arith.constant -65536 : i32
    %and3A_112 = vector.broadcast %and3A_111 : i32 to vector<1024x16xi32>
    %and3A_113 = arith.andi %bitcast_convert_type3A_110, %and3A_112 : vector<1024x16xi32>
    %or3A_114 = arith.ori %and3A_113, %shift_right_logical3A_109 : vector<1024x16xi32>
    %bitcast_convert_type3A_115 = tpu.bitcast %or3A_114 : vector<1024x16xi32> -> vector<1024x16xf32>
    %swap3A_116 = arith.constant 0 : index
    %swap3A_117 = arith.constant 80 : index
    %swap3A_118 = vector.load %arg11[%swap3A_116, %swap3A_117] : memref<1024x128xf32, #tpu.memory_space<vmem>>, vector<1024x16xf32>
    tpu.vector_store %arg11[%swap3A_116, %swap3A_117], %bitcast_convert_type3A_115 {strides = array<i32>} : memref<1024x128xf32, #tpu.memory_space<vmem>>, vector<1024x16xf32>,
    %get3A_119 = arith.constant 0 : index
    %get3A_120 = arith.constant 0 : index
    %get3A_121 = vector.load %arg9[%get3A_119, %get3A_120] : memref<32x1024xf32, #tpu.memory_space<vmem>>, vector<32x1024xf32>
    %dot_general3A_122 = arith.constant dense<0.000000e+00> : vector<1024x16xf32>
    %dot_general3A_123 = tpu.matmul %get3A_121, %get3A_1, %dot_general3A_122 {dimension_numbers = #tpu.dot_dimension_numbers<[0], [0], [1], [1], [0, 1, 1, 1], [], []>, transpose_lhs_hint = true} : vector<32x1024xf32>, vector<32x16xf32>, vector<1024x16xf32> -> vector<1024x16xf32>
    %dot_general3A_124 = arith.constant dense<0.000000e+00> : vector<1024x16xf32>
    %dot_general3A_125 = tpu.matmul %get3A_121, %get3A_4, %dot_general3A_124 {dimension_numbers = #tpu.dot_dimension_numbers<[0], [0], [1], [1], [0, 1, 1, 1], [], []>, transpose_lhs_hint = true} : vector<32x1024xf32>, vector<32x16xf32>, vector<1024x16xf32> -> vector<1024x16xf32>
    %bitcast_convert_type3A_126 = tpu.bitcast %dot_general3A_123 : vector<1024x16xf32> -> vector<1024x16xi32>
    %shift_right_logical3A_127 = arith.constant 16 : i32
    %shift_right_logical3A_128 = vector.broadcast %shift_right_logical3A_127 : i32 to vector<1024x16xi32>
    %shift_right_logical3A_129 = arith.shrui %bitcast_convert_type3A_126, %shift_right_logical3A_128 : vector<1024x16xi32>
    %bitcast_convert_type3A_130 = tpu.bitcast %dot_general3A_125 : vector<1024x16xf32> -> vector<1024x16xi32>
    %and3A_131 = arith.constant -65536 : i32
    %and3A_132 = vector.broadcast %and3A_131 : i32 to vector<1024x16xi32>
    %and3A_133 = arith.andi %bitcast_convert_type3A_130, %and3A_132 : vector<1024x16xi32>
    %or3A_134 = arith.ori %and3A_133, %shift_right_logical3A_129 : vector<1024x16xi32>
    %bitcast_convert_type3A_135 = tpu.bitcast %or3A_134 : vector<1024x16xi32> -> vector<1024x16xf32>
    %swap3A_136 = arith.constant 0 : index
    %swap3A_137 = arith.constant 96 : index
    %swap3A_138 = vector.load %arg11[%swap3A_136, %swap3A_137] : memref<1024x128xf32, #tpu.memory_space<vmem>>, vector<1024x16xf32>
    tpu.vector_store %arg11[%swap3A_136, %swap3A_137], %bitcast_convert_type3A_135 {strides = array<i32>} : memref<1024x128xf32, #tpu.memory_space<vmem>>, vector<1024x16xf32>,
    %get3A_139 = arith.constant 0 : index
    %get3A_140 = arith.constant 0 : index
    %get3A_141 = vector.load %arg10[%get3A_139, %get3A_140] : memref<32x1024xf32, #tpu.memory_space<vmem>>, vector<32x1024xf32>
    %dot_general3A_142 = arith.constant dense<0.000000e+00> : vector<1024x16xf32>
    %dot_general3A_143 = tpu.matmul %get3A_141, %get3A_1, %dot_general3A_142 {dimension_numbers = #tpu.dot_dimension_numbers<[0], [0], [1], [1], [0, 1, 1, 1], [], []>, transpose_lhs_hint = true} : vector<32x1024xf32>, vector<32x16xf32>, vector<1024x16xf32> -> vector<1024x16xf32>
    %dot_general3A_144 = arith.constant dense<0.000000e+00> : vector<1024x16xf32>
    %dot_general3A_145 = tpu.matmul %get3A_141, %get3A_4, %dot_general3A_144 {dimension_numbers = #tpu.dot_dimension_numbers<[0], [0], [1], [1], [0, 1, 1, 1], [], []>, transpose_lhs_hint = true} : vector<32x1024xf32>, vector<32x16xf32>, vector<1024x16xf32> -> vector<1024x16xf32>
    %bitcast_convert_type3A_146 = tpu.bitcast %dot_general3A_143 : vector<1024x16xf32> -> vector<1024x16xi32>
    %shift_right_logical3A_147 = arith.constant 16 : i32
    %shift_right_logical3A_148 = vector.broadcast %shift_right_logical3A_147 : i32 to vector<1024x16xi32>
    %shift_right_logical3A_149 = arith.shrui %bitcast_convert_type3A_146, %shift_right_logical3A_148 : vector<1024x16xi32>
    %bitcast_convert_type3A_150 = tpu.bitcast %dot_general3A_145 : vector<1024x16xf32> -> vector<1024x16xi32>
    %and3A_151 = arith.constant -65536 : i32
    %and3A_152 = vector.broadcast %and3A_151 : i32 to vector<1024x16xi32>
    %and3A_153 = arith.andi %bitcast_convert_type3A_150, %and3A_152 : vector<1024x16xi32>
    %or3A_154 = arith.ori %and3A_153, %shift_right_logical3A_149 : vector<1024x16xi32>
    %bitcast_convert_type3A_155 = tpu.bitcast %or3A_154 : vector<1024x16xi32> -> vector<1024x16xf32>
    %swap3A_156 = arith.constant 0 : index
    %swap3A_157 = arith.constant 112 : index
    %swap3A_158 = vector.load %arg11[%swap3A_156, %swap3A_157] : memref<1024x128xf32, #tpu.memory_space<vmem>>, vector<1024x16xf32>
    tpu.vector_store %arg11[%swap3A_156, %swap3A_157], %bitcast_convert_type3A_155 {strides = array<i32>} : memref<1024x128xf32, #tpu.memory_space<vmem>>, vector<1024x16xf32>,
    return
  }
  func.func @transform_0(%arg0: i32) -> (i32, i32) {
    %c0_i32 = arith.constant 0 : i32
    %c0_i32_0 = arith.constant 0 : i32
    %c0_i32_1 = arith.constant 0 : i32
    return %c0_i32, %c0_i32_0 : i32, i32
  }
  func.func @transform_1(%arg0: i32) -> (i32, i32) {
    %c0_i32 = arith.constant 0 : i32
    %c0_i32_0 = arith.constant 0 : i32
    %c0_i32_1 = arith.constant 0 : i32
    return %c0_i32, %c0_i32_0 : i32, i32
  }
  func.func @transform_2(%arg0: i32) -> (i32, i32) {
    %add3A = arith.constant 0 : i32
    %add3A_0 = arith.addi %add3A, %arg0 : i32
    %c0_i32 = arith.constant 0 : i32
    %c0_i32_1 = arith.constant 0 : i32
    return %c0_i32, %add3A_0 : i32, i32
  }
  func.func @transform_3(%arg0: i32) -> (i32, i32) {
    %add3A = arith.constant 122 : i32
    %add3A_0 = arith.addi %add3A, %arg0 : i32
    %c0_i32 = arith.constant 0 : i32
    %c0_i32_1 = arith.constant 0 : i32
    return %c0_i32, %add3A_0 : i32, i32
  }
  func.func @transform_4(%arg0: i32) -> (i32, i32) {
    %add3A = arith.constant 244 : i32
    %add3A_0 = arith.addi %add3A, %arg0 : i32
    %c0_i32 = arith.constant 0 : i32
    %c0_i32_1 = arith.constant 0 : i32
    return %c0_i32, %add3A_0 : i32, i32
  }
  func.func @transform_5(%arg0: i32) -> (i32, i32) {
    %add3A = arith.constant 366 : i32
    %add3A_0 = arith.addi %add3A, %arg0 : i32
    %c0_i32 = arith.constant 0 : i32
    %c0_i32_1 = arith.constant 0 : i32
    return %c0_i32, %add3A_0 : i32, i32
  }
  func.func @transform_6(%arg0: i32) -> (i32, i32) {
    %add3A = arith.constant 488 : i32
    %add3A_0 = arith.addi %add3A, %arg0 : i32
    %c0_i32 = arith.constant 0 : i32
    %c0_i32_1 = arith.constant 0 : i32
    return %c0_i32, %add3A_0 : i32, i32
  }
  func.func @transform_7(%arg0: i32) -> (i32, i32) {
    %add3A = arith.constant 610 : i32
    %add3A_0 = arith.addi %add3A, %arg0 : i32
    %c0_i32 = arith.constant 0 : i32
    %c0_i32_1 = arith.constant 0 : i32
    return %c0_i32, %add3A_0 : i32, i32
  }
  func.func @transform_8(%arg0: i32) -> (i32, i32) {
    %add3A = arith.constant 732 : i32
    %add3A_0 = arith.addi %add3A, %arg0 : i32
    %c0_i32 = arith.constant 0 : i32
    %c0_i32_1 = arith.constant 0 : i32
    return %c0_i32, %add3A_0 : i32, i32
  }
  func.func @transform_9(%arg0: i32) -> (i32, i32) {
    %add3A = arith.constant 854 : i32
    %add3A_0 = arith.addi %add3A, %arg0 : i32
    %c0_i32 = arith.constant 0 : i32
    %c0_i32_1 = arith.constant 0 : i32
    return %c0_i32, %add3A_0 : i32, i32
  }
  func.func @transform_10(%arg0: i32) -> (i32, i32) {
    %c0_i32 = arith.constant 0 : i32
    %c0_i32_0 = arith.constant 0 : i32
    return %arg0, %c0_i32 : i32, i32
  }
}

module attributes {stable_mosaic.version = 14 : i64} {
  func.func @_mlp_body(%arg0: memref<4096x64xf32, #tpu.memory_space<vmem>>, %arg1: memref<64x128xf32, #tpu.memory_space<vmem>>, %arg2: memref<1x128xf32, #tpu.memory_space<vmem>>, %arg3: memref<128x128xf32, #tpu.memory_space<vmem>>, %arg4: memref<1x128xf32, #tpu.memory_space<vmem>>, %arg5: memref<4096x128xf32, #tpu.memory_space<vmem>>) attributes {dimension_semantics = [], scalar_prefetch = 0 : i64, scratch_operands = 0 : i64, tpu.core_type = #tpu.core_type<tc>} {
    %get3A = arith.constant 0 : index
    %get3A_0 = arith.constant 0 : index
    %get3A_1 = vector.load %arg0[%get3A, %get3A_0] : memref<4096x64xf32, #tpu.memory_space<vmem>>, vector<4096x64xf32>
    %get3A_2 = arith.constant 0 : index
    %get3A_3 = arith.constant 0 : index
    %get3A_4 = vector.load %arg1[%get3A_2, %get3A_3] : memref<64x128xf32, #tpu.memory_space<vmem>>, vector<64x128xf32>
    %dot_general3A = arith.constant dense<0.000000e+00> : vector<4096x128xf32>
    %dot_general3A_5 = tpu.matmul %get3A_1, %get3A_4, %dot_general3A {dimension_numbers = #tpu.dot_dimension_numbers<[1], [0], [0], [1], [0, 0, 1, 1], [], []>, transpose_lhs_hint = false} : vector<4096x64xf32>, vector<64x128xf32>, vector<4096x128xf32> -> vector<4096x128xf32>
    %get3A_6 = arith.constant 0 : index
    %get3A_7 = arith.constant 0 : index
    %get3A_8 = vector.load %arg2[%get3A_6, %get3A_7] : memref<1x128xf32, #tpu.memory_space<vmem>>, vector<1x128xf32>
    %add3A = vector.broadcast %get3A_8 : vector<1x128xf32> to vector<4096x128xf32>
    %add3A_9 = arith.addf %dot_general3A_5, %add3A : vector<4096x128xf32>
    %max3A = arith.constant 0.000000e+00 : f32
    %max3A_10 = vector.broadcast %max3A : f32 to vector<4096x128xf32>
    %max3A_11 = arith.maximumf %add3A_9, %max3A_10 : vector<4096x128xf32>
    %get3A_12 = arith.constant 0 : index
    %get3A_13 = arith.constant 0 : index
    %get3A_14 = vector.load %arg3[%get3A_12, %get3A_13] : memref<128x128xf32, #tpu.memory_space<vmem>>, vector<128x128xf32>
    %dot_general3A_15 = arith.constant dense<0.000000e+00> : vector<4096x128xf32>
    %dot_general3A_16 = tpu.matmul %max3A_11, %get3A_14, %dot_general3A_15 {dimension_numbers = #tpu.dot_dimension_numbers<[1], [0], [0], [1], [0, 0, 1, 1], [], []>, transpose_lhs_hint = false} : vector<4096x128xf32>, vector<128x128xf32>, vector<4096x128xf32> -> vector<4096x128xf32>
    %get3A_17 = arith.constant 0 : index
    %get3A_18 = arith.constant 0 : index
    %get3A_19 = vector.load %arg4[%get3A_17, %get3A_18] : memref<1x128xf32, #tpu.memory_space<vmem>>, vector<1x128xf32>
    %add3A_20 = vector.broadcast %get3A_19 : vector<1x128xf32> to vector<4096x128xf32>
    %add3A_21 = arith.addf %dot_general3A_16, %add3A_20 : vector<4096x128xf32>
    %swap3A = arith.constant 0 : index
    %swap3A_22 = arith.constant 0 : index
    %swap3A_23 = vector.load %arg5[%swap3A, %swap3A_22] : memref<4096x128xf32, #tpu.memory_space<vmem>>, vector<4096x128xf32>
    tpu.vector_store %arg5[%swap3A, %swap3A_22], %add3A_21 {strides = array<i32>} : memref<4096x128xf32, #tpu.memory_space<vmem>>, vector<4096x128xf32>,
    return
  }
}

</mosaic_0001>

<sc_bundles>
// kernel: kernel.13.cloned.1.call-start
scs
__scs_entry_jumppad:
0x0: {  	(pc) =	sbr.rel $0x88, $3  }
0x1: {  	(tag) =	ssettag $0x0;
	lr =	simm.s32 $0x1  }
0x2: {  	[smem:$0x3F99] =	sst lr;
	_ =	strace $0xD0000000  }
0x3: {  	_ = 	snop  }
0x4: {  	_ = 	snop  }
0x5: {  	_ = 	snop  }
0x6: {  	_ = 	snop  }
0x7: {  	_ = 	snop  }
__scs_overlays_trampoline_lowered:
0x8: {  	[smem:$0x3FA8] =	sst s0  }
0x9: {  	[smem:$0x3FA9] =	sst s1  }
0xa: {  	[smem:$0x3FAA] =	sst s2  }
0xb: {  	[smem:$0x3FAB] =	sst s3  }
0xc: {  	[smem:$0x3FAC] =	sst s4  }
0xd: {  	[smem:$0x3FAD] =	sst s5  }
0xe: {  	[smem:$0x3FAE] =	sst s6  }
0xf: {  	[smem:$0x3FAF] =	sst s7  }
0x10: {  	[smem:$0x3FB0] =	sst s8  }
0x11: {  	[smem:$0x3FB1] =	sst s9;
	s0 =	simm.s32 @!p0 $0x0  }
0x12: {  	s1 =	sld [smem:$0x3F97];
	s0 =	simm.s32 @p0 $0x1  }
0x13: {  	[smem:$0x3FB2] =	sst s0;
	s0 =	simm.s32 @!p1 $0x0  }
0x14: {  	s2 =	sld [smem:$0x3F96];
	s0 =	simm.s32 @p1 $0x1  }
0x15: {  	[smem:$0x3FB3] =	sst s0;
	s0 =	simm.s32 @!p2 $0x0  }
0x16: {  	s3 =	sld [smem:$0x3FDB];
	s0 =	simm.s32 @p2 $0x1  }
0x17: {  	s4 =	simm.s32 $0x1BF5;
	[smem:$0x3FB5] =	sst s0  }
0x18: {  	s0 =	sld [smem:$0x3F98];
	_ =	swait.ge [sflag:s4], $0x0  }
0x19: {  	s7 =	sld [smem:$0x3F99]  }
0x1a: {  	s8 =	sadd.s32 $0xFFFFE003, lr  }
0x1b: {  	s9 =	sadd.s32 $0xFFFFFEF7, lr;
	s5 =	simm.s32 $0xFFFFFFFF;
	p2 =	slt.u32 s8, $0xFFFFF086  }
0x1c: {  	p1 =	slt.u32 s9, $0xF7A;
	s5 =	simm.s32 @!p2 $0x0  }
0x1d: {  	s5 =	simm.s32 @p1 $0x1;
	p0 =	seq.s32 s7, s2  }
0x1e: {  	s7 =	smul.u32 @!p0 $0xF7A, s2;
	p2 =	seq.s32 @!p0 s5, $0x0  }
0x1f: {  	s9 =	smul.u32 $0xF7A, s1;
	s8 =	simm.s32 @!p0 $0x1BF5;
	p2 =	por !p2, p0  }
0x20: {  	[sflag:s8] =	ssyncset.s32 @!p0 $0xFFFFF086;
	s6 =	sadd.s32 @!p0 s3, s7;
	s7 =	simm.s32 @!p0 $0x108  }
0x21: {  	s3 =	sadd.s32 s3, s9;
	s6 =	sadd.s32 @!p0 $0x88, s6;
	s7 =	simm.s32 @p2 $0x1082  }
0x22: {  	[simem:s7], [sflag:s8] =	dma.local @!p0 [hbm:s6], $0xF7A  }
0x23: {  	s9 =	sor.u32 $0xD0000000, s2;
	s6 =	simm.s32 $0x108;
	_ =	swait.ge @!p0 [sflag:s8], $0x0  }
0x24: {  	s3 =	sadd.s32 $0x88, s3;
	s6 =	simm.s32 @!p1 $0x1082;
	[sflag:s4] =	ssyncset.s32 $0xFFFFF086  }
0x25: {  	[simem:s6], [sflag:s4] =	dma.local [hbm:s3], $0xF7A  }
0x26: {  	[smem:$0x3F99] =	sst s1;
	(tag) =	ssettag s2;
	_ =	strace s9  }
0x27: {  	s1 =	sld [smem:$0x3FA9]  }
0x28: {  	s2 =	sld [smem:$0x3FAA]  }
0x29: {  	s4 =	sld [smem:$0x3FAC]  }
0x2a: {  	p0 =	seq.s32 s5, $0x0;
	s5 =	sld [smem:$0x3FAD]  }
0x2b: {  	s6 =	sld [smem:$0x3FAE]  }
0x2c: {  	s7 =	sld [smem:$0x3FAF]  }
0x2d: {  	s3 =	simm.s32 $0x108;
	s8 =	sld [smem:$0x3FB0]  }
0x2e: {  	s3 =	simm.s32 @!p0 $0x1082;
	s9 =	sld [smem:$0x3FB1]  }
0x2f: {  	lr =	sadd.s32 s0, s3;
	s0 =	sld [smem:$0x3FA8]  }
0x30: {  	s3 =	sld [smem:$0x3FAB]  }
0x31: {  	[smem:$0x3FB4] =	sst s10  }
0x32: {  	s10 =	sld [smem:$0x3FB2];
	_ =	sdelay $0x3  }
0x33: {  	p0 =	seq.s32 s10, $0x1;
	s10 =	sld [smem:$0x3FB4];
	_ =	sdelay $0x3  }
0x34: {  	[smem:$0x3FB4] =	sst s10  }
0x35: {  	s10 =	sld [smem:$0x3FB3];
	_ =	sdelay $0x3  }
0x36: {  	p1 =	seq.s32 s10, $0x1;
	s10 =	sld [smem:$0x3FB4];
	_ =	sdelay $0x3  }
0x37: {  	[smem:$0x3FB4] =	sst s10  }
0x38: {  	s10 =	sld [smem:$0x3FB5]  }
0x39: {  	_ = 	snop;
	(pc) =	sbr.ind lr, $3  }
0x3a: {  	_ = 	snop  }
0x3b: {  	_ = 	snop  }
0x3c: {  	p2 =	seq.s32 s10, $0x1;
	s10 =	sld [smem:$0x3FB4]  }
0x3d: {  	_ =	shalt  }
0x3e: {  	_ =	shalt  }
0x3f: {  	_ =	shalt  }
0x40: {  	_ =	shalt  }
0x41: {  	_ =	shalt  }
0x42: {  	_ =	shalt  }
0x43: {  	_ =	shalt  }
0x44: {  	_ =	shalt  }
0x45: {  	_ =	shalt  }
0x46: {  	_ =	shalt  }
0x47: {  	_ =	shalt  }
0x48: {  	_ =	shalt  }
0x49: {  	_ =	shalt  }
0x4a: {  	_ =	shalt  }
0x4b: {  	_ =	shalt  }
0x4c: {  	_ =	shalt  }
0x4d: {  	_ =	shalt  }
0x4e: {  	_ =	shalt  }
0x4f: {  	_ =	shalt  }
0x50: {  	_ =	shalt  }
0x51: {  	_ =	shalt  }
0x52: {  	_ =	shalt  }
0x53: {  	_ =	shalt  }
0x54: {  	_ =	shalt  }
0x55: {  	_ =	shalt  }
0x56: {  	_ =	shalt  }
0x57: {  	_ =	shalt  }
0x58: {  	_ =	shalt  }
0x59: {  	_ =	shalt  }
0x5a: {  	_ =	shalt  }
0x5b: {  	_ =	shalt  }
0x5c: {  	_ =	shalt  }
0x5d: {  	_ =	shalt  }
0x5e: {  	_ =	shalt  }
0x5f: {  	_ =	shalt  }
0x60: {  	_ =	shalt  }
0x61: {  	_ =	shalt  }
0x62: {  	_ =	shalt  }
0x63: {  	_ =	shalt  }
0x64: {  	_ =	shalt  }
0x65: {  	_ =	shalt  }
0x66: {  	_ =	shalt  }
0x67: {  	_ =	shalt  }
0x68: {  	_ =	shalt  }
0x69: {  	_ =	shalt  }
0x6a: {  	_ =	shalt  }
0x6b: {  	_ =	shalt  }
0x6c: {  	_ =	shalt  }
0x6d: {  	_ =	shalt  }
0x6e: {  	_ =	shalt  }
0x6f: {  	_ =	shalt  }
0x70: {  	_ =	shalt  }
0x71: {  	_ =	shalt  }
0x72: {  	_ =	shalt  }
0x73: {  	_ =	shalt  }
0x74: {  	_ =	shalt  }
0x75: {  	_ =	shalt  }
0x76: {  	_ =	shalt  }
0x77: {  	_ =	shalt  }
0x78: {  	_ =	shalt  }
0x79: {  	_ =	shalt  }
0x7a: {  	_ =	shalt  }
0x7b: {  	_ =	shalt  }
0x7c: {  	_ =	shalt  }
0x7d: {  	_ =	shalt  }
0x7e: {  	_ =	shalt  }
0x7f: {  	_ =	shalt  }
0x80: {  	_ =	shalt  }
0x81: {  	_ =	shalt  }
0x82: {  	_ =	shalt  }
0x83: {  	_ =	shalt  }
0x84: {  	_ =	shalt  }
0x85: {  	_ =	shalt  }
0x86: {  	_ =	shalt  }
0x87: {  	_ =	shalt  }
.Lfunc_end0:
.L_simem_size_0:
called_computation_lowered:
.L_overlay_start_0:
0x88: {  	s2 =	sld [smem:$0x3FD9]  }
0x89: {  	s3 =	sld [smem:$0x3FFE];
	_ =	sdelay $0x1  }
0x8a: {  	s1 =	srdreg.scid  }
0x8b: {  	s0 =	sand.u32 $0x1, s1  }
0x8c: {  	s17 =	sshll.u32 s0, $0xA;
	s2 =	sadd.s32 s3, s2  }
0x8d: {  	s2 =	sadd.s32 s2, s17  }
0x8e: {  	[smem:$0x3FC0] =	sst s2  }
0x8f: {  	_ = 	snop  }
0x90: {  	s18 =	sld [smem:$0x3FD0];
	(tm) =	ssettm $0x1  }
0x91: {  	s19 =	sld [smem:$0x3FFB];
	_ =	sdelay $0x3  }
0x92: {  	_ =	strace s19  }
0x93: {  	s2 =	sld [smem:$0x3FFC];
	_ =	sdelay $0x3  }
0x94: {  	_ =	strace s2  }
0x95: {  	s2 =	sld [smem:$0x3FFD];
	_ =	sdelay $0x3  }
0x96: {  	_ =	strace s2  }
0x97: {  	_ =	strace $0x8FFFFFFF  }
0x98: {  	s20 =	sld [smem:$0x3FDB];
	_ =	sdelay $0x1  }
0x99: {  	s4 =	simm.s32 $_scs_section_size  }
0x9a: {  	s5 =	simm.s32 $_size__tile_overlayer_lowered;
	s6 =	simm.s32 $_tile_overlayer_lowered  }
0x9b: {  	s7 =	simm.s32 $0x1BFF;
	s21 =	sshll.u32 s6, $0x1;
	s4 =	sadd.s32 s4, s20  }
0x9c: {  	s22 =	simm.s32 $0x0;
	s5 =	sshll.u32 s5, $0x1;
	s6 =	sadd.s32 s21, s4  }
0x9d: {  	[timem:s22], [sflag:s7] =	dma.local [hbm:s6], s5  }
0x9e: {  	_ =	swait.ge [sflag:s7], s5  }
0x9f: {  	s5 =	ssub.s32 $0x0, s5;
	[sflag:s7] =	ssyncset.done $0x0  }
0xa0: {  	[sflag:s7] =	ssyncadd.s32 s5;
	_ =	sdelay $0x1  }
0xa1: {  	s23 =	simm.s32 $0x1B8B  }
0xa2: {  	_ =	swait.ge [sflag:s23], $0x1  }
0xa3: {  	[sflag:s23] =	ssyncset.done $0x0  }
0xa4: {  	[sflag:s23] =	ssyncadd.s32 $0xFFFFFFFF  }
0xa5: {  	s5 =	sld [smem:$0x0]  }
0xa6: {  	s6 =	sand.u32 $0xFFFFFFFE, s1  }
0xa7: {  	p0 =	sne.s32 s1, s6  }
0xa8: {  	s6 =	sshll.u32 @p0 s6, $0xE  }
0xa9: {  	s6 =	sadd.s32 @p0 $0x11B8D, s6;
	s7 =	sshll.u32 @p0 s5, $0x11  }
0xaa: {  	s6 =	sor.u32 @p0 s7, s6  }
0xab: {  	[sflag:s6] =	ssyncadd.remote.s32 @p0 $0x1;
	_ =	sdelay $0x1  }
0xac: {  	s6 =	simm.s32 @p0 $0x1B8D  }
0xad: {  	_ =	swait.eq @p0 [sflag:s6], $0x1  }
0xae: {  	[sflag:s6] =	ssyncadd.s32 @p0 $0xFFFFFFFF  }
0xaf: {  	s7 =	sshll.u32 @!p0 s1, $0xE  }
0xb0: {  	s7 =	sor.u32 @!p0 $0x4000, s7;
	s6 =	simm.s32 @!p0 $0x1B8D  }
0xb1: {  	s5 =	sshll.u32 @!p0 s5, $0x11;
	s7 =	sadd.s32 @!p0 $0x11B8D, s7;
	_ =	swait.eq @!p0 [sflag:s6], $0x1  }
0xb2: {  	s5 =	sor.u32 @!p0 s5, s7;
	[sflag:s6] =	ssyncadd.s32 @!p0 $0xFFFFFFFF  }
0xb3: {  	s25 =	simm.s32 $0x1B8E;
	s24 =	sld [smem:$0x3FFE];
	[sflag:s5] =	ssyncadd.remote.s32 @!p0 $0x1  }
0xb4: {  	s26 =	simm.s32 $execute0_lowered;
	[smem:$0x3FD2] =	sst s25  }
0xb5: {  	s6 =	sshll.u32 s26, $0x1;
	_ =	strace $0x8000004C;
	[dreg:$0x1] =	wrdreg $0xFFFFFFFF  }
0xb6: {  	s28 =	simm.s32 $_size_execute0_lowered;
	s4 =	sadd.s32 s4, s6;
	[dreg:$0x0] =	wrdreg $0x0  }
0xb7: {  	s6 =	sshll.u32 s28, $0x1;
	[dreg:$0x2] =	wrdreg s4  }
0xb8: {  	[dreg:$0x3] =	wrdreg s6  }
0xb9: {  	[dreg:$0x4] =	wrdreg $0xC0  }
0xba: {  	_ =	task [dreg:s22], $0x5FFFF  }
0xbb: {  	[dreg:$0x1] =	wrdreg $0xFFFFFFFF  }
0xbc: {  	[dreg:$0x0] =	wrdreg $0x60  }
0xbd: {  	[dreg:$0x2] =	wrdreg s24  }
0xbe: {  	[dreg:$0x3] =	wrdreg s18  }
0xbf: {  	[dreg:$0x4] =	wrdreg $0x9  }
0xc0: {  	_ =	task.clear_ibuf [dreg:s22], $0x5FFFF;
	_ =	strace $0x9000004C  }
0xc1: {  	s29 =	simm.s32 $0x9;
	_ =	strace $0x8000004E  }
0xc2: {  	_ =	swait.ge [sflag:s29], $0x1  }
0xc3: {  	[sflag:s29] =	ssyncadd.s32 $0xFFFFFFFF  }
0xc4: {  	_ =	strace $0x9000004E  }
0xc5: {  	_ =	sfence  }
0xc6: {  	s30 =	sld [smem:$0x0];
	_ =	sdelay $0x2  }
0xc7: {  	s31 =	sshll.u32 s1, $0xD;
	s1 =	sshrl.u32 s1, $0x2  }
0xc8: {  	s4 =	sand.u32 $0x4000, s31;
	s1 =	sadd.s32 s1, s30  }
0xc9: {  	s0 =	sor.u32 s4, s0;
	s1 =	sshll.u32 s1, $0x11  }
0xca: {  	s0 =	sor.u32 s1, s0  }
0xcb: {  	s0 =	sadd.s32 $0x8F2B, s0  }
0xcc: {  	[sflag:s0] =	ssyncadd.remote.s32 $0x1  }
0xcd: {  	_ =	sfence.sel $0xFFFF  }
0xce: {  	[dreg:$0x0] =	wrdreg $0xFFFFFFFF;
	(pc) =	sbr.abs _section_cstart, $3  }
0xcf: {  	[dreg:$0x1] =	wrdreg $0xFFFFFFFF  }
0xd0: {  	_ =	task.clear_ibuf [dreg:s22], $0x2FFFF;
	_ =	strace $0x9FFFFFFF  }
0xd1: {  	(tm) =	ssettm $0x7FFFFFFF  }
tec
execute0_lowered:
.L_overlay_start_1:
0x0: {  	(tag) =	ssettag $0x1  }
0x1: {  	s5 =	rddreg [dreg:$0x0]  }
0x2: {  	s1 =	rddreg [dreg:$0x1]  }
0x3: {  	s3 =	srdreg.scid;
	s0 =	rddreg [dreg:$0x2];
	s2 =	simm.s32 $0x0  }
0x4: {  	s6 =	sand.u32 $0x1, s3;
	[smem:$0x7FF] =	sst s2;
	s3 =	stileid.u32  }
0x5: {  	s4 =	ssub.s32 $0x2, s6;
	_ =	strace $0x8000004D;
	s8 =	sshll.u32 s3, $0xC  }
0x6: {  	s31 =	sshll.u32 s3, $0x1;
	s9 =	sshll.u32 s6, $0xB;
	s7 =	sshrl.u32 s4, $0x1  }
0x7: {  	s8 =	sadd.s32 s8, s5;
	s5 =	sadd.s32 $0xB74400, s5;
	s7 =	ssub.s32 s4, s7  }
0x8: {  	s4 =	sor.u32 s6, s31;
	s8 =	sadd.s32 s9, s8;
	s6 =	smax.u32 s7, $0x1  }
0x9: {  	s7 =	sadd.s32 $0x98C400, s8;
	s8 =	sadd.s32 $0x7A4400, s8;
	p0 =	sne.s32 s4, $0x0  }
.LBB2_1:
0xa: {  	p1 =	sgt.u32 s4, $0x3CF  }
0xb: {  	s9 =	sadd.s32 @!p1 $0x0, s8;
	s10 =	simm.s32 @!p1 $0x0;
	s11 =	simm.s32 @!p1 $0x2  }
0xc: {  	[tilespmem:s10], [sflag:$0x2] =	stream.linear.gather @!p1 [hbm4b:s9+s10], $0x4000, $0x38;
	[tilespmem:$0x4000] =	vst v63  }
0xd: {  	_ =	swait.ge @!p1 [sflag:s11], $0x4000  }
0xe: {  	[sflag:s11] =	ssyncset.done @!p1 $0x0;
	p1 =	por p1, p1  }
0xf: {  	[sflag:s11] =	ssyncadd.s32 @!p1 $0xFFFFC000;
	s9 =	sadd.s32 @!p1 $0x0, s7  }
0x10: {  	[hbm4b:s9+s10] =	stream.linear.scatter @!p1 [tilespmem:s10], [sflag:$0x1], $0x4000, $0x38;
	[tilespmem:$0x4000] =	vst v63  }
0x11: {  	s12 =	simm.s32 @!p1 $0x1;
	s11 =	simm.s32 $0x20000;
	s10 =	sadd.s32 $0x20, s4  }
0x12: {  	s9 =	simm.s32 $0x10000;
	p2 =	sgt.u32 s10, $0x3CF;
	_ =	swait.ge @!p1 [sflag:s12], $0x4000  }
.LBB2_2:
0x13: {  	s13 =	sadd.s32 @!p2 s9, s8;
	s14 =	simm.s32 @!p2 $0x0  }
0x14: {  	[sflag:s12] =	ssyncset.done @!p1 $0x0;
	s15 =	smov.u32 s11;
	s11 =	sadd.s32 $0x10000, s11  }
0x15: {  	s16 =	simm.s32 @!p2 $0x2;
	[sflag:s12] =	ssyncadd.s32 @!p1 $0xFFFFC000;
	p3 =	sne.s32 s11, $0x1F0000  }
0x16: {  	[tilespmem:s14], [sflag:$0x2] =	stream.linear.gather @!p2 [hbm4b:s13+s14], $0x4000, $0x38;
	[tilespmem:$0x4000] =	vst v63  }
.Ltmp0:
0x17: {  	_ =	swait.ge @!p2 [sflag:s16], $0x4000;
	(pc) =	sbr.rel @p3 .LBB2_2-.Ltmp0, $4  }
0x18: {  	s10 =	sadd.s32 $0x20, s10;
	p1 =	por p2, p2;
	[sflag:s16] =	ssyncset.done @!p2 $0x0  }
0x19: {  	s9 =	sadd.s32 @!p1 s9, s7;
	s12 =	simm.s32 @!p1 $0x1;
	[sflag:s16] =	ssyncadd.s32 @!p1 $0xFFFFC000  }
0x1a: {  	[hbm4b:s9+s14] =	stream.linear.scatter @!p1 [tilespmem:s14], [sflag:$0x1], $0x4000, $0x38;
	[tilespmem:$0x4000] =	vst v63  }
0x1b: {  	p2 =	sgt.u32 s10, $0x3CF;
	s9 =	smov.u32 s15;
	_ =	swait.ge @!p1 [sflag:s12], $0x4000  }
0x1c: {  	s10 =	sadd.s32 @!p2 s9, s8;
	[sflag:s12] =	ssyncset.done @!p1 $0x0  }
0x1d: {  	s11 =	simm.s32 @!p2 $0x0;
	s13 =	simm.s32 @!p2 $0x2;
	[sflag:s12] =	ssyncadd.s32 @!p1 $0xFFFFC000  }
0x1e: {  	[tilespmem:s11], [sflag:$0x2] =	stream.linear.gather @!p2 [hbm4b:s10+s11], $0x4000, $0x38;
	[tilespmem:$0x4000] =	vst v63  }
0x1f: {  	_ =	swait.ge @!p2 [sflag:s13], $0x4000  }
0x20: {  	p1 =	por p2, p2;
	[sflag:s13] =	ssyncset.done @!p2 $0x0  }
0x21: {  	s9 =	sadd.s32 @!p1 s9, s7;
	s10 =	simm.s32 @!p1 $0x1;
	[sflag:s13] =	ssyncadd.s32 @!p1 $0xFFFFC000  }
0x22: {  	[hbm4b:s9+s11] =	stream.linear.scatter @!p1 [tilespmem:s11], [sflag:$0x1], $0x4000, $0x38;
	[tilespmem:$0x4000] =	vst v63  }
0x23: {  	_ =	swait.ge @!p1 [sflag:s10], $0x4000  }
0x24: {  	[sflag:s10] =	ssyncset.done @!p1 $0x0  }
0x25: {  	s9 =	simm.s32 @!p0 $0x0;
	[sflag:s10] =	ssyncadd.s32 @!p1 $0xFFFFC000;
	s10 =	simm.s32 @!p0 $0x1  }
0x26: {  	[tilespmem:s9], [sflag:$0x1] =	stream.linear.gather @!p0 [hbm4b:s1+s9], $0x2400, $0x38;
	[tilespmem:$0x4000] =	vst v63  }
0x27: {  	s2 =	sadd.s32 $0x1, s2;
	_ =	swait.ge @!p0 [sflag:s10], $0x2400  }
0x28: {  	p1 =	sne.s32 s2, s6;
	[sflag:s10] =	ssyncset.done @!p0 $0x0  }
.Ltmp1:
0x29: {  	[sflag:s10] =	ssyncadd.s32 @!p0 $0xFFFFDC00;
	(pc) =	sbr.rel @p1 .LBB2_1-.Ltmp1, $4  }
0x2a: {  	[hbm4b:s5+s9] =	stream.linear.scatter @!p0 [tilespmem:s9], [sflag:$0x1], $0x2400, $0x38;
	[tilespmem:$0x4000] =	vst v63  }
0x2b: {  	_ =	swait.ge @!p0 [sflag:s10], $0x2400  }
0x2c: {  	[sflag:s10] =	ssyncset.done @!p0 $0x0  }
0x2d: {  	[sflag:s10] =	ssyncadd.s32 @!p0 $0xFFFFDC00  }
0x2e: {  	_ =	sfence.sel $0x180000  }
0x2f: {  	[bflag:$0x0] =	sbarrier.arrive $0xFFFF  }
0x30: {  	p0 =	sne.s32 s3, $0x0;
	_ =	strace $0x9000004D  }
0x31: {  	s0 =	sadd.s32 @!p0 $0x100000, s0;
	[bflag:$0x2] =	sbarrier.arrive $0xFFFF  }
0x32: {  	[sflag:s0] =	ssyncadd.tile.s32 @!p0 $0x1;
	_ =	shalt  }
.Lfunc_end2:
_tile_overlayer_lowered:
.L_overlay_start_2:
0x33: {  	(tag) =	ssettag $0x2  }
0x34: {  	s0 =	rddreg [dreg:$0x0];
	s2 =	stileid.u32  }
0x35: {  	s1 =	rddreg [dreg:$0x1];
	p0 =	sne.s32 s2, $0x0  }
0x36: {  	s3 =	rddreg [dreg:$0x2];
	[bflag:$0x3] =	sbarrier.arrive $0xFFFF;
	s2 =	simm.s32 @!p0 $0x1C01  }
0x37: {  	[timem:s3], [sflag:s2] =	dma.local @!p0 [hbm:s0], s1  }
0x38: {  	s0 =	simm.s32 @!p0 $0x1  }
0x39: {  	_ =	swait.ge @!p0 [sflag:s0], s1  }
0x3a: {  	s1 =	ssub.s32 @!p0 $0x0, s1;
	[sflag:s0] =	ssyncset.done @!p0 $0x0  }
0x3b: {  	[sflag:s0] =	ssyncadd.s32 @!p0 s1  }
0x3c: {  	[bflag:$0x3] =	sbarrier.arrive $0xFFFF  }
0x3d: {  	_ =	shalt  }

// kernel: kernel.16.cloned.1.call-start
scs
__scs_entry_jumppad:
0x0: {  	(pc) =	sbr.rel $0x88, $3  }
0x1: {  	(tag) =	ssettag $0x0;
	lr =	simm.s32 $0x1  }
0x2: {  	[smem:$0x3F99] =	sst lr;
	_ =	strace $0xD0000000  }
0x3: {  	_ = 	snop  }
0x4: {  	_ = 	snop  }
0x5: {  	_ = 	snop  }
0x6: {  	_ = 	snop  }
0x7: {  	_ = 	snop  }
__scs_overlays_trampoline_lowered:
0x8: {  	[smem:$0x3FA8] =	sst s0  }
0x9: {  	[smem:$0x3FA9] =	sst s1  }
0xa: {  	[smem:$0x3FAA] =	sst s2  }
0xb: {  	[smem:$0x3FAB] =	sst s3  }
0xc: {  	[smem:$0x3FAC] =	sst s4  }
0xd: {  	[smem:$0x3FAD] =	sst s5  }
0xe: {  	[smem:$0x3FAE] =	sst s6  }
0xf: {  	[smem:$0x3FAF] =	sst s7  }
0x10: {  	[smem:$0x3FB0] =	sst s8  }
0x11: {  	[smem:$0x3FB1] =	sst s9;
	s0 =	simm.s32 @!p0 $0x0  }
0x12: {  	s1 =	sld [smem:$0x3F97];
	s0 =	simm.s32 @p0 $0x1  }
0x13: {  	[smem:$0x3FB2] =	sst s0;
	s0 =	simm.s32 @!p1 $0x0  }
0x14: {  	s2 =	sld [smem:$0x3F96];
	s0 =	simm.s32 @p1 $0x1  }
0x15: {  	[smem:$0x3FB3] =	sst s0;
	s0 =	simm.s32 @!p2 $0x0  }
0x16: {  	s3 =	sld [smem:$0x3FDB];
	s0 =	simm.s32 @p2 $0x1  }
0x17: {  	s4 =	simm.s32 $0x1BF5;
	[smem:$0x3FB5] =	sst s0  }
0x18: {  	s0 =	sld [smem:$0x3F98];
	_ =	swait.ge [sflag:s4], $0x0  }
0x19: {  	s7 =	sld [smem:$0x3F99]  }
0x1a: {  	s8 =	sadd.s32 $0xFFFFE003, lr  }
0x1b: {  	s9 =	sadd.s32 $0xFFFFFEF7, lr;
	s5 =	simm.s32 $0xFFFFFFFF;
	p2 =	slt.u32 s8, $0xFFFFF086  }
0x1c: {  	p1 =	slt.u32 s9, $0xF7A;
	s5 =	simm.s32 @!p2 $0x0  }
0x1d: {  	s5 =	simm.s32 @p1 $0x1;
	p0 =	seq.s32 s7, s2  }
0x1e: {  	s7 =	smul.u32 @!p0 $0xF7A, s2;
	p2 =	seq.s32 @!p0 s5, $0x0  }
0x1f: {  	s9 =	smul.u32 $0xF7A, s1;
	s8 =	simm.s32 @!p0 $0x1BF5;
	p2 =	por !p2, p0  }
0x20: {  	[sflag:s8] =	ssyncset.s32 @!p0 $0xFFFFF086;
	s6 =	sadd.s32 @!p0 s3, s7;
	s7 =	simm.s32 @!p0 $0x108  }
0x21: {  	s3 =	sadd.s32 s3, s9;
	s6 =	sadd.s32 @!p0 $0x88, s6;
	s7 =	simm.s32 @p2 $0x1082  }
0x22: {  	[simem:s7], [sflag:s8] =	dma.local @!p0 [hbm:s6], $0xF7A  }
0x23: {  	s9 =	sor.u32 $0xD0000000, s2;
	s6 =	simm.s32 $0x108;
	_ =	swait.ge @!p0 [sflag:s8], $0x0  }
0x24: {  	s3 =	sadd.s32 $0x88, s3;
	s6 =	simm.s32 @!p1 $0x1082;
	[sflag:s4] =	ssyncset.s32 $0xFFFFF086  }
0x25: {  	[simem:s6], [sflag:s4] =	dma.local [hbm:s3], $0xF7A  }
0x26: {  	[smem:$0x3F99] =	sst s1;
	(tag) =	ssettag s2;
	_ =	strace s9  }
0x27: {  	s1 =	sld [smem:$0x3FA9]  }
0x28: {  	s2 =	sld [smem:$0x3FAA]  }
0x29: {  	s4 =	sld [smem:$0x3FAC]  }
0x2a: {  	p0 =	seq.s32 s5, $0x0;
	s5 =	sld [smem:$0x3FAD]  }
0x2b: {  	s6 =	sld [smem:$0x3FAE]  }
0x2c: {  	s7 =	sld [smem:$0x3FAF]  }
0x2d: {  	s3 =	simm.s32 $0x108;
	s8 =	sld [smem:$0x3FB0]  }
0x2e: {  	s3 =	simm.s32 @!p0 $0x1082;
	s9 =	sld [smem:$0x3FB1]  }
0x2f: {  	lr =	sadd.s32 s0, s3;
	s0 =	sld [smem:$0x3FA8]  }
0x30: {  	s3 =	sld [smem:$0x3FAB]  }
0x31: {  	[smem:$0x3FB4] =	sst s10  }
0x32: {  	s10 =	sld [smem:$0x3FB2];
	_ =	sdelay $0x3  }
0x33: {  	p0 =	seq.s32 s10, $0x1;
	s10 =	sld [smem:$0x3FB4];
	_ =	sdelay $0x3  }
0x34: {  	[smem:$0x3FB4] =	sst s10  }
0x35: {  	s10 =	sld [smem:$0x3FB3];
	_ =	sdelay $0x3  }
0x36: {  	p1 =	seq.s32 s10, $0x1;
	s10 =	sld [smem:$0x3FB4];
	_ =	sdelay $0x3  }
0x37: {  	[smem:$0x3FB4] =	sst s10  }
0x38: {  	s10 =	sld [smem:$0x3FB5]  }
0x39: {  	_ = 	snop;
	(pc) =	sbr.ind lr, $3  }
0x3a: {  	_ = 	snop  }
0x3b: {  	_ = 	snop  }
0x3c: {  	p2 =	seq.s32 s10, $0x1;
	s10 =	sld [smem:$0x3FB4]  }
0x3d: {  	_ =	shalt  }
0x3e: {  	_ =	shalt  }
0x3f: {  	_ =	shalt  }
0x40: {  	_ =	shalt  }
0x41: {  	_ =	shalt  }
0x42: {  	_ =	shalt  }
0x43: {  	_ =	shalt  }
0x44: {  	_ =	shalt  }
0x45: {  	_ =	shalt  }
0x46: {  	_ =	shalt  }
0x47: {  	_ =	shalt  }
0x48: {  	_ =	shalt  }
0x49: {  	_ =	shalt  }
0x4a: {  	_ =	shalt  }
0x4b: {  	_ =	shalt  }
0x4c: {  	_ =	shalt  }
0x4d: {  	_ =	shalt  }
0x4e: {  	_ =	shalt  }
0x4f: {  	_ =	shalt  }
0x50: {  	_ =	shalt  }
0x51: {  	_ =	shalt  }
0x52: {  	_ =	shalt  }
0x53: {  	_ =	shalt  }
0x54: {  	_ =	shalt  }
0x55: {  	_ =	shalt  }
0x56: {  	_ =	shalt  }
0x57: {  	_ =	shalt  }
0x58: {  	_ =	shalt  }
0x59: {  	_ =	shalt  }
0x5a: {  	_ =	shalt  }
0x5b: {  	_ =	shalt  }
0x5c: {  	_ =	shalt  }
0x5d: {  	_ =	shalt  }
0x5e: {  	_ =	shalt  }
0x5f: {  	_ =	shalt  }
0x60: {  	_ =	shalt  }
0x61: {  	_ =	shalt  }
0x62: {  	_ =	shalt  }
0x63: {  	_ =	shalt  }
0x64: {  	_ =	shalt  }
0x65: {  	_ =	shalt  }
0x66: {  	_ =	shalt  }
0x67: {  	_ =	shalt  }
0x68: {  	_ =	shalt  }
0x69: {  	_ =	shalt  }
0x6a: {  	_ =	shalt  }
0x6b: {  	_ =	shalt  }
0x6c: {  	_ =	shalt  }
0x6d: {  	_ =	shalt  }
0x6e: {  	_ =	shalt  }
0x6f: {  	_ =	shalt  }
0x70: {  	_ =	shalt  }
0x71: {  	_ =	shalt  }
0x72: {  	_ =	shalt  }
0x73: {  	_ =	shalt  }
0x74: {  	_ =	shalt  }
0x75: {  	_ =	shalt  }
0x76: {  	_ =	shalt  }
0x77: {  	_ =	shalt  }
0x78: {  	_ =	shalt  }
0x79: {  	_ =	shalt  }
0x7a: {  	_ =	shalt  }
0x7b: {  	_ =	shalt  }
0x7c: {  	_ =	shalt  }
0x7d: {  	_ =	shalt  }
0x7e: {  	_ =	shalt  }
0x7f: {  	_ =	shalt  }
0x80: {  	_ =	shalt  }
0x81: {  	_ =	shalt  }
0x82: {  	_ =	shalt  }
0x83: {  	_ =	shalt  }
0x84: {  	_ =	shalt  }
0x85: {  	_ =	shalt  }
0x86: {  	_ =	shalt  }
0x87: {  	_ =	shalt  }
.Lfunc_end0:
.L_simem_size_0:
called_computation.1_lowered:
.L_overlay_start_0:
0x88: {  	s2 =	sld [smem:$0x3FD9]  }
0x89: {  	s3 =	sld [smem:$0x3FFE];
	_ =	sdelay $0x1  }
0x8a: {  	s1 =	srdreg.scid  }
0x8b: {  	s0 =	sand.u32 $0x1, s1  }
0x8c: {  	s17 =	sshll.u32 s0, $0xA;
	s2 =	sadd.s32 s3, s2  }
0x8d: {  	s2 =	sadd.s32 s2, s17  }
0x8e: {  	[smem:$0x3FC0] =	sst s2  }
0x8f: {  	_ = 	snop  }
0x90: {  	(tm) =	ssettm $0x1  }
0x91: {  	s18 =	sld [smem:$0x3FFB];
	_ =	sdelay $0x3  }
0x92: {  	_ =	strace s18  }
0x93: {  	s2 =	sld [smem:$0x3FFC];
	_ =	sdelay $0x3  }
0x94: {  	_ =	strace s2  }
0x95: {  	s2 =	sld [smem:$0x3FFD];
	_ =	sdelay $0x3  }
0x96: {  	_ =	strace s2  }
0x97: {  	_ =	strace $0x8FFFFFFF  }
0x98: {  	s19 =	sld [smem:$0x3FDB];
	_ =	sdelay $0x1  }
0x99: {  	s20 =	simm.s32 $_scs_section_size  }
0x9a: {  	s4 =	simm.s32 $_size__tile_overlayer_lowered;
	s5 =	simm.s32 $_tile_overlayer_lowered  }
0x9b: {  	s6 =	simm.s32 $0x1BFF;
	s21 =	sshll.u32 s5, $0x1;
	s3 =	sadd.s32 s20, s19  }
0x9c: {  	s22 =	simm.s32 $0x0;
	s4 =	sshll.u32 s4, $0x1;
	s5 =	sadd.s32 s21, s3  }
0x9d: {  	[timem:s22], [sflag:s6] =	dma.local [hbm:s5], s4  }
0x9e: {  	_ =	swait.ge [sflag:s6], s4  }
0x9f: {  	s4 =	ssub.s32 $0x0, s4;
	[sflag:s6] =	ssyncset.done $0x0  }
0xa0: {  	[sflag:s6] =	ssyncadd.s32 s4;
	_ =	sdelay $0x1  }
0xa1: {  	s23 =	simm.s32 $0x1B8B  }
0xa2: {  	_ =	swait.ge [sflag:s23], $0x1  }
0xa3: {  	[sflag:s23] =	ssyncset.done $0x0  }
0xa4: {  	[sflag:s23] =	ssyncadd.s32 $0xFFFFFFFF  }
0xa5: {  	s4 =	sld [smem:$0x0]  }
0xa6: {  	s5 =	sand.u32 $0xFFFFFFFE, s1  }
0xa7: {  	p0 =	sne.s32 s1, s5  }
0xa8: {  	s5 =	sshll.u32 @p0 s5, $0xE  }
0xa9: {  	s5 =	sadd.s32 @p0 $0x11B8D, s5;
	s6 =	sshll.u32 @p0 s4, $0x11  }
0xaa: {  	s5 =	sor.u32 @p0 s6, s5  }
0xab: {  	[sflag:s5] =	ssyncadd.remote.s32 @p0 $0x1;
	_ =	sdelay $0x1  }
0xac: {  	s5 =	simm.s32 @p0 $0x1B8D  }
0xad: {  	_ =	swait.eq @p0 [sflag:s5], $0x1  }
0xae: {  	[sflag:s5] =	ssyncadd.s32 @p0 $0xFFFFFFFF  }
0xaf: {  	s6 =	sshll.u32 @!p0 s1, $0xE  }
0xb0: {  	s6 =	sor.u32 @!p0 $0x4000, s6;
	s5 =	simm.s32 @!p0 $0x1B8D  }
0xb1: {  	s4 =	sshll.u32 @!p0 s4, $0x11;
	s6 =	sadd.s32 @!p0 $0x11B8D, s6;
	_ =	swait.eq @!p0 [sflag:s5], $0x1  }
0xb2: {  	s4 =	sor.u32 @!p0 s4, s6;
	[sflag:s5] =	ssyncadd.s32 @!p0 $0xFFFFFFFF  }
0xb3: {  	s25 =	simm.s32 $0x1B8E;
	s24 =	sld [smem:$0x3FFE];
	[sflag:s4] =	ssyncadd.remote.s32 @!p0 $0x1  }
0xb4: {  	s26 =	simm.s32 $execute0_lowered;
	[smem:$0x3FD2] =	sst s25  }
0xb5: {  	s5 =	sshll.u32 s26, $0x1;
	_ =	strace $0x80000049;
	[dreg:$0x1] =	wrdreg $0xFFFFFFFF  }
0xb6: {  	s28 =	simm.s32 $_size_execute0_lowered;
	s3 =	sadd.s32 s3, s5;
	[dreg:$0x0] =	wrdreg $0x0  }
0xb7: {  	s5 =	sshll.u32 s28, $0x1;
	[dreg:$0x2] =	wrdreg s3  }
0xb8: {  	[dreg:$0x3] =	wrdreg s5  }
0xb9: {  	[dreg:$0x4] =	wrdreg $0xC0  }
0xba: {  	_ =	task [dreg:s22], $0x5FFFF  }
0xbb: {  	[dreg:$0x1] =	wrdreg $0xFFFFFFFF  }
0xbc: {  	[dreg:$0x0] =	wrdreg $0x60  }
0xbd: {  	[dreg:$0x2] =	wrdreg s24  }
0xbe: {  	[dreg:$0x3] =	wrdreg $0xA  }
0xbf: {  	_ =	task.clear_ibuf [dreg:s22], $0x4FFFF;
	_ =	strace $0x90000049  }
0xc0: {  	s29 =	simm.s32 $0xA;
	_ =	strace $0x8000004B  }
0xc1: {  	_ =	swait.ge [sflag:s29], $0x1  }
0xc2: {  	[sflag:s29] =	ssyncadd.s32 $0xFFFFFFFF  }
0xc3: {  	_ =	strace $0x9000004B  }
0xc4: {  	_ =	sfence  }
0xc5: {  	s30 =	sld [smem:$0x0];
	_ =	sdelay $0x2  }
0xc6: {  	s31 =	sshll.u32 s1, $0xD;
	s1 =	sshrl.u32 s1, $0x2  }
0xc7: {  	s4 =	sand.u32 $0x4000, s31;
	s1 =	sadd.s32 s1, s30  }
0xc8: {  	s0 =	sor.u32 s4, s0;
	s1 =	sshll.u32 s1, $0x11  }
0xc9: {  	s0 =	sor.u32 s1, s0  }
0xca: {  	s0 =	sadd.s32 $0x8F2B, s0  }
0xcb: {  	[sflag:s0] =	ssyncadd.remote.s32 $0x1  }
0xcc: {  	_ =	sfence.sel $0xFFFF  }
0xcd: {  	[dreg:$0x0] =	wrdreg $0xFFFFFFFF;
	(pc) =	sbr.abs _section_cstart, $3  }
0xce: {  	[dreg:$0x1] =	wrdreg $0xFFFFFFFF  }
0xcf: {  	_ =	task.clear_ibuf [dreg:s22], $0x2FFFF;
	_ =	strace $0x9FFFFFFF  }
0xd0: {  	(tm) =	ssettm $0x7FFFFFFF  }
0xd1: {  	_ =	shalt  }
tec
execute0_lowered:
.L_overlay_start_1:
0x0: {  	(tag) =	ssettag $0x1  }
0x1: {  	s5 =	rddreg [dreg:$0x0];
	s1 =	srdreg.scid  }
0x2: {  	s0 =	rddreg [dreg:$0x1];
	s2 =	simm.s32 $0x0;
	s6 =	sand.u32 $0x1, s1  }
0x3: {  	[smem:$0x7FF] =	sst s2;
	s1 =	stileid.u32;
	s3 =	ssub.s32 $0x2, s6  }
0x4: {  	_ =	strace $0x8000004A;
	s4 =	sshll.u32 s1, $0xC;
	s31 =	sshll.u32 s1, $0x1  }
0x5: {  	s9 =	sshll.u32 s6, $0xB;
	s7 =	sshrl.u32 s3, $0x1;
	s8 =	sadd.s32 s4, s5  }
0x6: {  	s4 =	sor.u32 s6, s31;
	s7 =	ssub.s32 s3, s7;
	s3 =	sadd.s32 $0x5BB800, s5  }
0x7: {  	s5 =	sadd.s32 $0x7A3E00, s5;
	s8 =	sadd.s32 s9, s8;
	p0 =	sne.s32 s4, $0x0  }
0x8: {  	s6 =	smax.u32 s7, $0x1;
	s7 =	sadd.s32 $0x5BBE00, s8;
	s8 =	sadd.s32 $0x3D3800, s8  }
.LBB2_1:
0x9: {  	p1 =	sgt.u32 s4, $0x3CF  }
0xa: {  	s9 =	sadd.s32 @!p1 $0x0, s8;
	s10 =	simm.s32 @!p1 $0x0;
	s11 =	simm.s32 @!p1 $0x2  }
0xb: {  	[tilespmem:s10], [sflag:$0x2] =	stream.linear.gather @!p1 [hbm4b:s9+s10], $0x4000, $0x38;
	[tilespmem:$0x4000] =	vst v63  }
0xc: {  	_ =	swait.ge @!p1 [sflag:s11], $0x4000  }
0xd: {  	[sflag:s11] =	ssyncset.done @!p1 $0x0;
	p1 =	por p1, p1  }
0xe: {  	[sflag:s11] =	ssyncadd.s32 @!p1 $0xFFFFC000;
	s9 =	sadd.s32 @!p1 $0x0, s7  }
0xf: {  	[hbm4b:s9+s10] =	stream.linear.scatter @!p1 [tilespmem:s10], [sflag:$0x1], $0x4000, $0x38;
	[tilespmem:$0x4000] =	vst v63  }
0x10: {  	s12 =	simm.s32 @!p1 $0x1;
	s11 =	simm.s32 $0x20000;
	s10 =	sadd.s32 $0x20, s4  }
0x11: {  	s9 =	simm.s32 $0x10000;
	p2 =	sgt.u32 s10, $0x3CF;
	_ =	swait.ge @!p1 [sflag:s12], $0x4000  }
.LBB2_2:
0x12: {  	s13 =	sadd.s32 @!p2 s9, s8;
	s14 =	simm.s32 @!p2 $0x0  }
0x13: {  	[sflag:s12] =	ssyncset.done @!p1 $0x0;
	s15 =	smov.u32 s11;
	s11 =	sadd.s32 $0x10000, s11  }
0x14: {  	s16 =	simm.s32 @!p2 $0x2;
	[sflag:s12] =	ssyncadd.s32 @!p1 $0xFFFFC000;
	p3 =	sne.s32 s11, $0x1F0000  }
0x15: {  	[tilespmem:s14], [sflag:$0x2] =	stream.linear.gather @!p2 [hbm4b:s13+s14], $0x4000, $0x38;
	[tilespmem:$0x4000] =	vst v63  }
.Ltmp0:
0x16: {  	_ =	swait.ge @!p2 [sflag:s16], $0x4000;
	(pc) =	sbr.rel @p3 .LBB2_2-.Ltmp0, $4  }
0x17: {  	s10 =	sadd.s32 $0x20, s10;
	p1 =	por p2, p2;
	[sflag:s16] =	ssyncset.done @!p2 $0x0  }
0x18: {  	s9 =	sadd.s32 @!p1 s9, s7;
	s12 =	simm.s32 @!p1 $0x1;
	[sflag:s16] =	ssyncadd.s32 @!p1 $0xFFFFC000  }
0x19: {  	[hbm4b:s9+s14] =	stream.linear.scatter @!p1 [tilespmem:s14], [sflag:$0x1], $0x4000, $0x38;
	[tilespmem:$0x4000] =	vst v63  }
0x1a: {  	p2 =	sgt.u32 s10, $0x3CF;
	s9 =	smov.u32 s15;
	_ =	swait.ge @!p1 [sflag:s12], $0x4000  }
0x1b: {  	s10 =	sadd.s32 @!p2 s9, s8;
	[sflag:s12] =	ssyncset.done @!p1 $0x0  }
0x1c: {  	s11 =	simm.s32 @!p2 $0x0;
	s13 =	simm.s32 @!p2 $0x2;
	[sflag:s12] =	ssyncadd.s32 @!p1 $0xFFFFC000  }
0x1d: {  	[tilespmem:s11], [sflag:$0x2] =	stream.linear.gather @!p2 [hbm4b:s10+s11], $0x4000, $0x38;
	[tilespmem:$0x4000] =	vst v63  }
0x1e: {  	_ =	swait.ge @!p2 [sflag:s13], $0x4000  }
0x1f: {  	p1 =	por p2, p2;
	[sflag:s13] =	ssyncset.done @!p2 $0x0  }
0x20: {  	s9 =	sadd.s32 @!p1 s9, s7;
	s10 =	simm.s32 @!p1 $0x1;
	[sflag:s13] =	ssyncadd.s32 @!p1 $0xFFFFC000  }
0x21: {  	[hbm4b:s9+s11] =	stream.linear.scatter @!p1 [tilespmem:s11], [sflag:$0x1], $0x4000, $0x38;
	[tilespmem:$0x4000] =	vst v63  }
0x22: {  	_ =	swait.ge @!p1 [sflag:s10], $0x4000  }
0x23: {  	[sflag:s10] =	ssyncset.done @!p1 $0x0  }
0x24: {  	s9 =	simm.s32 @!p0 $0x0;
	[sflag:s10] =	ssyncadd.s32 @!p1 $0xFFFFC000;
	s10 =	simm.s32 @!p0 $0x1  }
0x25: {  	[tilespmem:s9], [sflag:$0x1] =	stream.linear.gather @!p0 [hbm4b:s3+s9], $0x2400, $0x38;
	[tilespmem:$0x4000] =	vst v63  }
0x26: {  	s2 =	sadd.s32 $0x1, s2;
	_ =	swait.ge @!p0 [sflag:s10], $0x2400  }
0x27: {  	p1 =	sne.s32 s2, s6;
	[sflag:s10] =	ssyncset.done @!p0 $0x0  }
.Ltmp1:
0x28: {  	[sflag:s10] =	ssyncadd.s32 @!p0 $0xFFFFDC00;
	(pc) =	sbr.rel @p1 .LBB2_1-.Ltmp1, $4  }
0x29: {  	[hbm4b:s5+s9] =	stream.linear.scatter @!p0 [tilespmem:s9], [sflag:$0x1], $0x2400, $0x38;
	[tilespmem:$0x4000] =	vst v63  }
0x2a: {  	_ =	swait.ge @!p0 [sflag:s10], $0x2400  }
0x2b: {  	[sflag:s10] =	ssyncset.done @!p0 $0x0  }
0x2c: {  	[sflag:s10] =	ssyncadd.s32 @!p0 $0xFFFFDC00  }
0x2d: {  	_ =	sfence.sel $0x180000  }
0x2e: {  	[bflag:$0x0] =	sbarrier.arrive $0xFFFF  }
0x2f: {  	p0 =	sne.s32 s1, $0x0;
	_ =	strace $0x9000004A  }
0x30: {  	s0 =	sadd.s32 @!p0 $0x100000, s0;
	[bflag:$0x2] =	sbarrier.arrive $0xFFFF  }
0x31: {  	[sflag:s0] =	ssyncadd.tile.s32 @!p0 $0x1;
	_ =	shalt  }
.Lfunc_end2:
_tile_overlayer_lowered:
.L_overlay_start_2:
0x32: {  	(tag) =	ssettag $0x2  }
0x33: {  	s0 =	rddreg [dreg:$0x0];
	s2 =	stileid.u32  }
0x34: {  	s1 =	rddreg [dreg:$0x1];
	p0 =	sne.s32 s2, $0x0  }
0x35: {  	s3 =	rddreg [dreg:$0x2];
	[bflag:$0x3] =	sbarrier.arrive $0xFFFF;
	s2 =	simm.s32 @!p0 $0x1C01  }
0x36: {  	[timem:s3], [sflag:s2] =	dma.local @!p0 [hbm:s0], s1  }
0x37: {  	s0 =	simm.s32 @!p0 $0x1  }
0x38: {  	_ =	swait.ge @!p0 [sflag:s0], s1  }
0x39: {  	s1 =	ssub.s32 @!p0 $0x0, s1;
	[sflag:s0] =	ssyncset.done @!p0 $0x0  }
0x3a: {  	[sflag:s0] =	ssyncadd.s32 @!p0 s1  }
0x3b: {  	[bflag:$0x3] =	sbarrier.arrive $0xFFFF  }
0x3c: {  	_ =	shalt  }

// kernel: kernel.19.cloned.1.call-start
scs
__scs_entry_jumppad:
0x0: {  	(pc) =	sbr.rel $0x88, $3  }
0x1: {  	(tag) =	ssettag $0x0;
	lr =	simm.s32 $0x1  }
0x2: {  	[smem:$0x3F99] =	sst lr;
	_ =	strace $0xD0000000  }
0x3: {  	_ = 	snop  }
0x4: {  	_ = 	snop  }
0x5: {  	_ = 	snop  }
0x6: {  	_ = 	snop  }
0x7: {  	_ = 	snop  }
__scs_overlays_trampoline_lowered:
0x8: {  	[smem:$0x3FA8] =	sst s0  }
0x9: {  	[smem:$0x3FA9] =	sst s1  }
0xa: {  	[smem:$0x3FAA] =	sst s2  }
0xb: {  	[smem:$0x3FAB] =	sst s3  }
0xc: {  	[smem:$0x3FAC] =	sst s4  }
0xd: {  	[smem:$0x3FAD] =	sst s5  }
0xe: {  	[smem:$0x3FAE] =	sst s6  }
0xf: {  	[smem:$0x3FAF] =	sst s7  }
0x10: {  	[smem:$0x3FB0] =	sst s8  }
0x11: {  	[smem:$0x3FB1] =	sst s9;
	s0 =	simm.s32 @!p0 $0x0  }
0x12: {  	s1 =	sld [smem:$0x3F97];
	s0 =	simm.s32 @p0 $0x1  }
0x13: {  	[smem:$0x3FB2] =	sst s0;
	s0 =	simm.s32 @!p1 $0x0  }
0x14: {  	s2 =	sld [smem:$0x3F96];
	s0 =	simm.s32 @p1 $0x1  }
0x15: {  	[smem:$0x3FB3] =	sst s0;
	s0 =	simm.s32 @!p2 $0x0  }
0x16: {  	s3 =	sld [smem:$0x3FDB];
	s0 =	simm.s32 @p2 $0x1  }
0x17: {  	s4 =	simm.s32 $0x1BF5;
	[smem:$0x3FB5] =	sst s0  }
0x18: {  	s0 =	sld [smem:$0x3F98];
	_ =	swait.ge [sflag:s4], $0x0  }
0x19: {  	s7 =	sld [smem:$0x3F99]  }
0x1a: {  	s8 =	sadd.s32 $0xFFFFE003, lr  }
0x1b: {  	s9 =	sadd.s32 $0xFFFFFEF7, lr;
	s5 =	simm.s32 $0xFFFFFFFF;
	p2 =	slt.u32 s8, $0xFFFFF086  }
0x1c: {  	p1 =	slt.u32 s9, $0xF7A;
	s5 =	simm.s32 @!p2 $0x0  }
0x1d: {  	s5 =	simm.s32 @p1 $0x1;
	p0 =	seq.s32 s7, s2  }
0x1e: {  	s7 =	smul.u32 @!p0 $0xF7A, s2;
	p2 =	seq.s32 @!p0 s5, $0x0  }
0x1f: {  	s9 =	smul.u32 $0xF7A, s1;
	s8 =	simm.s32 @!p0 $0x1BF5;
	p2 =	por !p2, p0  }
0x20: {  	[sflag:s8] =	ssyncset.s32 @!p0 $0xFFFFF086;
	s6 =	sadd.s32 @!p0 s3, s7;
	s7 =	simm.s32 @!p0 $0x108  }
0x21: {  	s3 =	sadd.s32 s3, s9;
	s6 =	sadd.s32 @!p0 $0x88, s6;
	s7 =	simm.s32 @p2 $0x1082  }
0x22: {  	[simem:s7], [sflag:s8] =	dma.local @!p0 [hbm:s6], $0xF7A  }
0x23: {  	s9 =	sor.u32 $0xD0000000, s2;
	s6 =	simm.s32 $0x108;
	_ =	swait.ge @!p0 [sflag:s8], $0x0  }
0x24: {  	s3 =	sadd.s32 $0x88, s3;
	s6 =	simm.s32 @!p1 $0x1082;
	[sflag:s4] =	ssyncset.s32 $0xFFFFF086  }
0x25: {  	[simem:s6], [sflag:s4] =	dma.local [hbm:s3], $0xF7A  }
0x26: {  	[smem:$0x3F99] =	sst s1;
	(tag) =	ssettag s2;
	_ =	strace s9  }
0x27: {  	s1 =	sld [smem:$0x3FA9]  }
0x28: {  	s2 =	sld [smem:$0x3FAA]  }
0x29: {  	s4 =	sld [smem:$0x3FAC]  }
0x2a: {  	p0 =	seq.s32 s5, $0x0;
	s5 =	sld [smem:$0x3FAD]  }
0x2b: {  	s6 =	sld [smem:$0x3FAE]  }
0x2c: {  	s7 =	sld [smem:$0x3FAF]  }
0x2d: {  	s3 =	simm.s32 $0x108;
	s8 =	sld [smem:$0x3FB0]  }
0x2e: {  	s3 =	simm.s32 @!p0 $0x1082;
	s9 =	sld [smem:$0x3FB1]  }
0x2f: {  	lr =	sadd.s32 s0, s3;
	s0 =	sld [smem:$0x3FA8]  }
0x30: {  	s3 =	sld [smem:$0x3FAB]  }
0x31: {  	[smem:$0x3FB4] =	sst s10  }
0x32: {  	s10 =	sld [smem:$0x3FB2];
	_ =	sdelay $0x3  }
0x33: {  	p0 =	seq.s32 s10, $0x1;
	s10 =	sld [smem:$0x3FB4];
	_ =	sdelay $0x3  }
0x34: {  	[smem:$0x3FB4] =	sst s10  }
0x35: {  	s10 =	sld [smem:$0x3FB3];
	_ =	sdelay $0x3  }
0x36: {  	p1 =	seq.s32 s10, $0x1;
	s10 =	sld [smem:$0x3FB4];
	_ =	sdelay $0x3  }
0x37: {  	[smem:$0x3FB4] =	sst s10  }
0x38: {  	s10 =	sld [smem:$0x3FB5]  }
0x39: {  	_ = 	snop;
	(pc) =	sbr.ind lr, $3  }
0x3a: {  	_ = 	snop  }
0x3b: {  	_ = 	snop  }
0x3c: {  	p2 =	seq.s32 s10, $0x1;
	s10 =	sld [smem:$0x3FB4]  }
0x3d: {  	_ =	shalt  }
0x3e: {  	_ =	shalt  }
0x3f: {  	_ =	shalt  }
0x40: {  	_ =	shalt  }
0x41: {  	_ =	shalt  }
0x42: {  	_ =	shalt  }
0x43: {  	_ =	shalt  }
0x44: {  	_ =	shalt  }
0x45: {  	_ =	shalt  }
0x46: {  	_ =	shalt  }
0x47: {  	_ =	shalt  }
0x48: {  	_ =	shalt  }
0x49: {  	_ =	shalt  }
0x4a: {  	_ =	shalt  }
0x4b: {  	_ =	shalt  }
0x4c: {  	_ =	shalt  }
0x4d: {  	_ =	shalt  }
0x4e: {  	_ =	shalt  }
0x4f: {  	_ =	shalt  }
0x50: {  	_ =	shalt  }
0x51: {  	_ =	shalt  }
0x52: {  	_ =	shalt  }
0x53: {  	_ =	shalt  }
0x54: {  	_ =	shalt  }
0x55: {  	_ =	shalt  }
0x56: {  	_ =	shalt  }
0x57: {  	_ =	shalt  }
0x58: {  	_ =	shalt  }
0x59: {  	_ =	shalt  }
0x5a: {  	_ =	shalt  }
0x5b: {  	_ =	shalt  }
0x5c: {  	_ =	shalt  }
0x5d: {  	_ =	shalt  }
0x5e: {  	_ =	shalt  }
0x5f: {  	_ =	shalt  }
0x60: {  	_ =	shalt  }
0x61: {  	_ =	shalt  }
0x62: {  	_ =	shalt  }
0x63: {  	_ =	shalt  }
0x64: {  	_ =	shalt  }
0x65: {  	_ =	shalt  }
0x66: {  	_ =	shalt  }
0x67: {  	_ =	shalt  }
0x68: {  	_ =	shalt  }
0x69: {  	_ =	shalt  }
0x6a: {  	_ =	shalt  }
0x6b: {  	_ =	shalt  }
0x6c: {  	_ =	shalt  }
0x6d: {  	_ =	shalt  }
0x6e: {  	_ =	shalt  }
0x6f: {  	_ =	shalt  }
0x70: {  	_ =	shalt  }
0x71: {  	_ =	shalt  }
0x72: {  	_ =	shalt  }
0x73: {  	_ =	shalt  }
0x74: {  	_ =	shalt  }
0x75: {  	_ =	shalt  }
0x76: {  	_ =	shalt  }
0x77: {  	_ =	shalt  }
0x78: {  	_ =	shalt  }
0x79: {  	_ =	shalt  }
0x7a: {  	_ =	shalt  }
0x7b: {  	_ =	shalt  }
0x7c: {  	_ =	shalt  }
0x7d: {  	_ =	shalt  }
0x7e: {  	_ =	shalt  }
0x7f: {  	_ =	shalt  }
0x80: {  	_ =	shalt  }
0x81: {  	_ =	shalt  }
0x82: {  	_ =	shalt  }
0x83: {  	_ =	shalt  }
0x84: {  	_ =	shalt  }
0x85: {  	_ =	shalt  }
0x86: {  	_ =	shalt  }
0x87: {  	_ =	shalt  }
.Lfunc_end0:
.L_simem_size_0:
called_computation.2_lowered:
.L_overlay_start_0:
0x88: {  	s2 =	sld [smem:$0x3FD9]  }
0x89: {  	s3 =	sld [smem:$0x3FFE];
	_ =	sdelay $0x1  }
0x8a: {  	s1 =	srdreg.scid  }
0x8b: {  	s0 =	sand.u32 $0x1, s1  }
0x8c: {  	s16 =	sshll.u32 s0, $0xA;
	s2 =	sadd.s32 s3, s2  }
0x8d: {  	s2 =	sadd.s32 s2, s16  }
0x8e: {  	[smem:$0x3FC0] =	sst s2  }
0x8f: {  	_ = 	snop  }
0x90: {  	(tm) =	ssettm $0x1  }
0x91: {  	s17 =	sld [smem:$0x3FFB];
	_ =	sdelay $0x3  }
0x92: {  	_ =	strace s17  }
0x93: {  	s2 =	sld [smem:$0x3FFC];
	_ =	sdelay $0x3  }
0x94: {  	_ =	strace s2  }
0x95: {  	s2 =	sld [smem:$0x3FFD];
	_ =	sdelay $0x3  }
0x96: {  	_ =	strace s2  }
0x97: {  	_ =	strace $0x8FFFFFFF  }
0x98: {  	s18 =	sld [smem:$0x3FDB];
	_ =	sdelay $0x1  }
0x99: {  	s19 =	simm.s32 $_scs_section_size  }
0x9a: {  	s4 =	simm.s32 $_size__tile_overlayer_lowered;
	s5 =	simm.s32 $_tile_overlayer_lowered  }
0x9b: {  	s22 =	simm.s32 $0x1BFF;
	s21 =	sshll.u32 s5, $0x1;
	s2 =	sadd.s32 s19, s18  }
0x9c: {  	s6 =	simm.s32 $0x0;
	s20 =	sshll.u32 s4, $0x1;
	s4 =	sadd.s32 s21, s2  }
0x9d: {  	[timem:s6], [sflag:s22] =	dma.local [hbm:s4], s20  }
0x9e: {  	_ =	swait.ge [sflag:s22], s20  }
0x9f: {  	s3 =	ssub.s32 $0x0, s20;
	[sflag:s22] =	ssyncset.done $0x0  }
0xa0: {  	[sflag:s22] =	ssyncadd.s32 s3;
	_ =	sdelay $0x1  }
0xa1: {  	s23 =	simm.s32 $0x1B8B  }
0xa2: {  	_ =	swait.ge [sflag:s23], $0x1  }
0xa3: {  	[sflag:s23] =	ssyncset.done $0x0  }
0xa4: {  	s25 =	simm.s32 $0x1B8E;
	s24 =	sld [smem:$0x3FFE];
	[sflag:s23] =	ssyncadd.s32 $0xFFFFFFFF  }
0xa5: {  	s26 =	simm.s32 $execute0_lowered;
	[smem:$0x3FD2] =	sst s25  }
0xa6: {  	s4 =	sshll.u32 s26, $0x1;
	_ =	strace $0x80000046;
	[dreg:$0x1] =	wrdreg $0xFFFFFFFF  }
0xa7: {  	s28 =	simm.s32 $_size_execute0_lowered;
	s2 =	sadd.s32 s2, s4;
	[dreg:$0x0] =	wrdreg $0x0  }
0xa8: {  	s4 =	sshll.u32 s28, $0x1;
	[dreg:$0x2] =	wrdreg s2  }
0xa9: {  	[dreg:$0x3] =	wrdreg s4  }
0xaa: {  	[dreg:$0x4] =	wrdreg $0xC0  }
0xab: {  	_ =	task [dreg:s6], $0x5FFFF  }
0xac: {  	[dreg:$0x1] =	wrdreg $0xFFFFFFFF  }
0xad: {  	[dreg:$0x0] =	wrdreg $0x60  }
0xae: {  	[dreg:$0x2] =	wrdreg s24  }
0xaf: {  	[dreg:$0x3] =	wrdreg $0xB  }
0xb0: {  	_ =	task.clear_ibuf [dreg:s6], $0x4FFFF;
	_ =	strace $0x90000046  }
0xb1: {  	s29 =	simm.s32 $0xB;
	_ =	strace $0x80000048  }
0xb2: {  	_ =	swait.ge [sflag:s29], $0x1  }
0xb3: {  	[sflag:s29] =	ssyncadd.s32 $0xFFFFFFFF  }
0xb4: {  	_ =	strace $0x90000048  }
0xb5: {  	_ =	sfence  }
0xb6: {  	s30 =	sld [smem:$0x0];
	_ =	sdelay $0x2  }
0xb7: {  	s31 =	sshll.u32 s1, $0xD;
	s1 =	sshrl.u32 s1, $0x2  }
0xb8: {  	s3 =	sand.u32 $0x4000, s31;
	s1 =	sadd.s32 s1, s30  }
0xb9: {  	s0 =	sor.u32 s3, s0;
	s1 =	sshll.u32 s1, $0x11  }
0xba: {  	s0 =	sor.u32 s1, s0  }
0xbb: {  	s0 =	sadd.s32 $0x8F2B, s0  }
0xbc: {  	[sflag:s0] =	ssyncadd.remote.s32 $0x1  }
0xbd: {  	_ =	sfence.sel $0xFFFF  }
0xbe: {  	[dreg:$0x0] =	wrdreg $0xFFFFFFFF;
	(pc) =	sbr.abs _section_cstart, $3  }
0xbf: {  	[dreg:$0x1] =	wrdreg $0xFFFFFFFF  }
0xc0: {  	_ =	task.clear_ibuf [dreg:s6], $0x2FFFF;
	_ =	strace $0x9FFFFFFF  }
0xc1: {  	(tm) =	ssettm $0x7FFFFFFF  }
tec
execute0_lowered:
.L_overlay_start_1:
0x0: {  	(tag) =	ssettag $0x1  }
0x1: {  	s5 =	rddreg [dreg:$0x0];
	s1 =	srdreg.scid  }
0x2: {  	s0 =	rddreg [dreg:$0x1];
	s2 =	simm.s32 $0x0;
	s6 =	sand.u32 $0x1, s1  }
0x3: {  	[smem:$0x7FF] =	sst s2;
	s1 =	stileid.u32;
	s3 =	ssub.s32 $0x2, s6  }
0x4: {  	_ =	strace $0x80000047;
	s4 =	sshll.u32 s1, $0xC;
	s31 =	sshll.u32 s1, $0x1  }
0x5: {  	s9 =	sshll.u32 s6, $0xB;
	s7 =	sshrl.u32 s3, $0x1;
	s8 =	sadd.s32 s4, s5  }
0x6: {  	s4 =	sor.u32 s6, s31;
	s7 =	ssub.s32 s3, s7;
	s3 =	sadd.s32 $0x1EAC00, s5  }
0x7: {  	s5 =	sadd.s32 $0x3D3200, s5;
	s8 =	sadd.s32 s9, s8;
	p0 =	sne.s32 s4, $0x0  }
0x8: {  	s6 =	smax.u32 s7, $0x1;
	s7 =	sadd.s32 $0x1EB200, s8;
	s8 =	sadd.s32 $0x2C00, s8  }
.LBB2_1:
0x9: {  	p1 =	sgt.u32 s4, $0x3CF  }
0xa: {  	s9 =	sadd.s32 @!p1 $0x0, s8;
	s10 =	simm.s32 @!p1 $0x0;
	s11 =	simm.s32 @!p1 $0x2  }
0xb: {  	[tilespmem:s10], [sflag:$0x2] =	stream.linear.gather @!p1 [hbm4b:s9+s10], $0x4000, $0x38;
	[tilespmem:$0x4000] =	vst v63  }
0xc: {  	_ =	swait.ge @!p1 [sflag:s11], $0x4000  }
0xd: {  	[sflag:s11] =	ssyncset.done @!p1 $0x0;
	p1 =	por p1, p1  }
0xe: {  	[sflag:s11] =	ssyncadd.s32 @!p1 $0xFFFFC000;
	s9 =	sadd.s32 @!p1 $0x0, s7  }
0xf: {  	[hbm4b:s9+s10] =	stream.linear.scatter @!p1 [tilespmem:s10], [sflag:$0x1], $0x4000, $0x38;
	[tilespmem:$0x4000] =	vst v63  }
0x10: {  	s12 =	simm.s32 @!p1 $0x1;
	s11 =	simm.s32 $0x20000;
	s10 =	sadd.s32 $0x20, s4  }
0x11: {  	s9 =	simm.s32 $0x10000;
	p2 =	sgt.u32 s10, $0x3CF;
	_ =	swait.ge @!p1 [sflag:s12], $0x4000  }
.LBB2_2:
0x12: {  	s13 =	sadd.s32 @!p2 s9, s8;
	s14 =	simm.s32 @!p2 $0x0  }
0x13: {  	[sflag:s12] =	ssyncset.done @!p1 $0x0;
	s15 =	smov.u32 s11;
	s11 =	sadd.s32 $0x10000, s11  }
0x14: {  	s16 =	simm.s32 @!p2 $0x2;
	[sflag:s12] =	ssyncadd.s32 @!p1 $0xFFFFC000;
	p3 =	sne.s32 s11, $0x1F0000  }
0x15: {  	[tilespmem:s14], [sflag:$0x2] =	stream.linear.gather @!p2 [hbm4b:s13+s14], $0x4000, $0x38;
	[tilespmem:$0x4000] =	vst v63  }
.Ltmp0:
0x16: {  	_ =	swait.ge @!p2 [sflag:s16], $0x4000;
	(pc) =	sbr.rel @p3 .LBB2_2-.Ltmp0, $4  }
0x17: {  	s10 =	sadd.s32 $0x20, s10;
	p1 =	por p2, p2;
	[sflag:s16] =	ssyncset.done @!p2 $0x0  }
0x18: {  	s9 =	sadd.s32 @!p1 s9, s7;
	s12 =	simm.s32 @!p1 $0x1;
	[sflag:s16] =	ssyncadd.s32 @!p1 $0xFFFFC000  }
0x19: {  	[hbm4b:s9+s14] =	stream.linear.scatter @!p1 [tilespmem:s14], [sflag:$0x1], $0x4000, $0x38;
	[tilespmem:$0x4000] =	vst v63  }
0x1a: {  	p2 =	sgt.u32 s10, $0x3CF;
	s9 =	smov.u32 s15;
	_ =	swait.ge @!p1 [sflag:s12], $0x4000  }
0x1b: {  	s10 =	sadd.s32 @!p2 s9, s8;
	[sflag:s12] =	ssyncset.done @!p1 $0x0  }
0x1c: {  	s11 =	simm.s32 @!p2 $0x0;
	s13 =	simm.s32 @!p2 $0x2;
	[sflag:s12] =	ssyncadd.s32 @!p1 $0xFFFFC000  }
0x1d: {  	[tilespmem:s11], [sflag:$0x2] =	stream.linear.gather @!p2 [hbm4b:s10+s11], $0x4000, $0x38;
	[tilespmem:$0x4000] =	vst v63  }
0x1e: {  	_ =	swait.ge @!p2 [sflag:s13], $0x4000  }
0x1f: {  	p1 =	por p2, p2;
	[sflag:s13] =	ssyncset.done @!p2 $0x0  }
0x20: {  	s9 =	sadd.s32 @!p1 s9, s7;
	s10 =	simm.s32 @!p1 $0x1;
	[sflag:s13] =	ssyncadd.s32 @!p1 $0xFFFFC000  }
0x21: {  	[hbm4b:s9+s11] =	stream.linear.scatter @!p1 [tilespmem:s11], [sflag:$0x1], $0x4000, $0x38;
	[tilespmem:$0x4000] =	vst v63  }
0x22: {  	_ =	swait.ge @!p1 [sflag:s10], $0x4000  }
0x23: {  	[sflag:s10] =	ssyncset.done @!p1 $0x0  }
0x24: {  	s9 =	simm.s32 @!p0 $0x0;
	[sflag:s10] =	ssyncadd.s32 @!p1 $0xFFFFC000;
	s10 =	simm.s32 @!p0 $0x1  }
0x25: {  	[tilespmem:s9], [sflag:$0x1] =	stream.linear.gather @!p0 [hbm4b:s3+s9], $0x2400, $0x38;
	[tilespmem:$0x4000] =	vst v63  }
0x26: {  	s2 =	sadd.s32 $0x1, s2;
	_ =	swait.ge @!p0 [sflag:s10], $0x2400  }
0x27: {  	p1 =	sne.s32 s2, s6;
	[sflag:s10] =	ssyncset.done @!p0 $0x0  }
.Ltmp1:
0x28: {  	[sflag:s10] =	ssyncadd.s32 @!p0 $0xFFFFDC00;
	(pc) =	sbr.rel @p1 .LBB2_1-.Ltmp1, $4  }
0x29: {  	[hbm4b:s5+s9] =	stream.linear.scatter @!p0 [tilespmem:s9], [sflag:$0x1], $0x2400, $0x38;
	[tilespmem:$0x4000] =	vst v63  }
0x2a: {  	_ =	swait.ge @!p0 [sflag:s10], $0x2400  }
0x2b: {  	[sflag:s10] =	ssyncset.done @!p0 $0x0  }
0x2c: {  	[sflag:s10] =	ssyncadd.s32 @!p0 $0xFFFFDC00  }
0x2d: {  	_ =	sfence.sel $0x180000  }
0x2e: {  	[bflag:$0x0] =	sbarrier.arrive $0xFFFF  }
0x2f: {  	p0 =	sne.s32 s1, $0x0;
	_ =	strace $0x90000047  }
0x30: {  	s0 =	sadd.s32 @!p0 $0x100000, s0;
	[bflag:$0x2] =	sbarrier.arrive $0xFFFF  }
0x31: {  	[sflag:s0] =	ssyncadd.tile.s32 @!p0 $0x1;
	_ =	shalt  }
.Lfunc_end2:
_tile_overlayer_lowered:
.L_overlay_start_2:
0x32: {  	(tag) =	ssettag $0x2  }
0x33: {  	s0 =	rddreg [dreg:$0x0];
	s2 =	stileid.u32  }
0x34: {  	s1 =	rddreg [dreg:$0x1];
	p0 =	sne.s32 s2, $0x0  }
0x35: {  	s3 =	rddreg [dreg:$0x2];
	[bflag:$0x3] =	sbarrier.arrive $0xFFFF;
	s2 =	simm.s32 @!p0 $0x1C01  }
0x36: {  	[timem:s3], [sflag:s2] =	dma.local @!p0 [hbm:s0], s1  }
0x37: {  	s0 =	simm.s32 @!p0 $0x1  }
0x38: {  	_ =	swait.ge @!p0 [sflag:s0], s1  }
0x39: {  	s1 =	ssub.s32 @!p0 $0x0, s1;
	[sflag:s0] =	ssyncset.done @!p0 $0x0  }
0x3a: {  	[sflag:s0] =	ssyncadd.s32 @!p0 s1  }
0x3b: {  	[bflag:$0x3] =	sbarrier.arrive $0xFFFF  }
0x3c: {  	_ =	shalt  }

// kernel: kernel.22.cloned.1.call-start
scs
__scs_entry_jumppad:
0x0: {  	(pc) =	sbr.rel $0x88, $3  }
0x1: {  	(tag) =	ssettag $0x0;
	lr =	simm.s32 $0x1  }
0x2: {  	[smem:$0x3F99] =	sst lr;
	_ =	strace $0xD0000000  }
0x3: {  	_ = 	snop  }
0x4: {  	_ = 	snop  }
0x5: {  	_ = 	snop  }
0x6: {  	_ = 	snop  }
0x7: {  	_ = 	snop  }
__scs_overlays_trampoline_lowered:
0x8: {  	[smem:$0x3FA8] =	sst s0  }
0x9: {  	[smem:$0x3FA9] =	sst s1  }
0xa: {  	[smem:$0x3FAA] =	sst s2  }
0xb: {  	[smem:$0x3FAB] =	sst s3  }
0xc: {  	[smem:$0x3FAC] =	sst s4  }
0xd: {  	[smem:$0x3FAD] =	sst s5  }
0xe: {  	[smem:$0x3FAE] =	sst s6  }
0xf: {  	[smem:$0x3FAF] =	sst s7  }
0x10: {  	[smem:$0x3FB0] =	sst s8  }
0x11: {  	[smem:$0x3FB1] =	sst s9;
	s0 =	simm.s32 @!p0 $0x0  }
0x12: {  	s1 =	sld [smem:$0x3F97];
	s0 =	simm.s32 @p0 $0x1  }
0x13: {  	[smem:$0x3FB2] =	sst s0;
	s0 =	simm.s32 @!p1 $0x0  }
0x14: {  	s2 =	sld [smem:$0x3F96];
	s0 =	simm.s32 @p1 $0x1  }
0x15: {  	[smem:$0x3FB3] =	sst s0;
	s0 =	simm.s32 @!p2 $0x0  }
0x16: {  	s3 =	sld [smem:$0x3FDB];
	s0 =	simm.s32 @p2 $0x1  }
0x17: {  	s4 =	simm.s32 $0x1BF5;
	[smem:$0x3FB5] =	sst s0  }
0x18: {  	s0 =	sld [smem:$0x3F98];
	_ =	swait.ge [sflag:s4], $0x0  }
0x19: {  	s7 =	sld [smem:$0x3F99]  }
0x1a: {  	s8 =	sadd.s32 $0xFFFFE003, lr  }
0x1b: {  	s9 =	sadd.s32 $0xFFFFFEF7, lr;
	s5 =	simm.s32 $0xFFFFFFFF;
	p2 =	slt.u32 s8, $0xFFFFF086  }
0x1c: {  	p1 =	slt.u32 s9, $0xF7A;
	s5 =	simm.s32 @!p2 $0x0  }
0x1d: {  	s5 =	simm.s32 @p1 $0x1;
	p0 =	seq.s32 s7, s2  }
0x1e: {  	s7 =	smul.u32 @!p0 $0xF7A, s2;
	p2 =	seq.s32 @!p0 s5, $0x0  }
0x1f: {  	s9 =	smul.u32 $0xF7A, s1;
	s8 =	simm.s32 @!p0 $0x1BF5;
	p2 =	por !p2, p0  }
0x20: {  	[sflag:s8] =	ssyncset.s32 @!p0 $0xFFFFF086;
	s6 =	sadd.s32 @!p0 s3, s7;
	s7 =	simm.s32 @!p0 $0x108  }
0x21: {  	s3 =	sadd.s32 s3, s9;
	s6 =	sadd.s32 @!p0 $0x88, s6;
	s7 =	simm.s32 @p2 $0x1082  }
0x22: {  	[simem:s7], [sflag:s8] =	dma.local @!p0 [hbm:s6], $0xF7A  }
0x23: {  	s9 =	sor.u32 $0xD0000000, s2;
	s6 =	simm.s32 $0x108;
	_ =	swait.ge @!p0 [sflag:s8], $0x0  }
0x24: {  	s3 =	sadd.s32 $0x88, s3;
	s6 =	simm.s32 @!p1 $0x1082;
	[sflag:s4] =	ssyncset.s32 $0xFFFFF086  }
0x25: {  	[simem:s6], [sflag:s4] =	dma.local [hbm:s3], $0xF7A  }
0x26: {  	[smem:$0x3F99] =	sst s1;
	(tag) =	ssettag s2;
	_ =	strace s9  }
0x27: {  	s1 =	sld [smem:$0x3FA9]  }
0x28: {  	s2 =	sld [smem:$0x3FAA]  }
0x29: {  	s4 =	sld [smem:$0x3FAC]  }
0x2a: {  	p0 =	seq.s32 s5, $0x0;
	s5 =	sld [smem:$0x3FAD]  }
0x2b: {  	s6 =	sld [smem:$0x3FAE]  }
0x2c: {  	s7 =	sld [smem:$0x3FAF]  }
0x2d: {  	s3 =	simm.s32 $0x108;
	s8 =	sld [smem:$0x3FB0]  }
0x2e: {  	s3 =	simm.s32 @!p0 $0x1082;
	s9 =	sld [smem:$0x3FB1]  }
0x2f: {  	lr =	sadd.s32 s0, s3;
	s0 =	sld [smem:$0x3FA8]  }
0x30: {  	s3 =	sld [smem:$0x3FAB]  }
0x31: {  	[smem:$0x3FB4] =	sst s10  }
0x32: {  	s10 =	sld [smem:$0x3FB2];
	_ =	sdelay $0x3  }
0x33: {  	p0 =	seq.s32 s10, $0x1;
	s10 =	sld [smem:$0x3FB4];
	_ =	sdelay $0x3  }
0x34: {  	[smem:$0x3FB4] =	sst s10  }
0x35: {  	s10 =	sld [smem:$0x3FB3];
	_ =	sdelay $0x3  }
0x36: {  	p1 =	seq.s32 s10, $0x1;
	s10 =	sld [smem:$0x3FB4];
	_ =	sdelay $0x3  }
0x37: {  	[smem:$0x3FB4] =	sst s10  }
0x38: {  	s10 =	sld [smem:$0x3FB5]  }
0x39: {  	_ = 	snop;
	(pc) =	sbr.ind lr, $3  }
0x3a: {  	_ = 	snop  }
0x3b: {  	_ = 	snop  }
0x3c: {  	p2 =	seq.s32 s10, $0x1;
	s10 =	sld [smem:$0x3FB4]  }
0x3d: {  	_ =	shalt  }
0x3e: {  	_ =	shalt  }
0x3f: {  	_ =	shalt  }
0x40: {  	_ =	shalt  }
0x41: {  	_ =	shalt  }
0x42: {  	_ =	shalt  }
0x43: {  	_ =	shalt  }
0x44: {  	_ =	shalt  }
0x45: {  	_ =	shalt  }
0x46: {  	_ =	shalt  }
0x47: {  	_ =	shalt  }
0x48: {  	_ =	shalt  }
0x49: {  	_ =	shalt  }
0x4a: {  	_ =	shalt  }
0x4b: {  	_ =	shalt  }
0x4c: {  	_ =	shalt  }
0x4d: {  	_ =	shalt  }
0x4e: {  	_ =	shalt  }
0x4f: {  	_ =	shalt  }
0x50: {  	_ =	shalt  }
0x51: {  	_ =	shalt  }
0x52: {  	_ =	shalt  }
0x53: {  	_ =	shalt  }
0x54: {  	_ =	shalt  }
0x55: {  	_ =	shalt  }
0x56: {  	_ =	shalt  }
0x57: {  	_ =	shalt  }
0x58: {  	_ =	shalt  }
0x59: {  	_ =	shalt  }
0x5a: {  	_ =	shalt  }
0x5b: {  	_ =	shalt  }
0x5c: {  	_ =	shalt  }
0x5d: {  	_ =	shalt  }
0x5e: {  	_ =	shalt  }
0x5f: {  	_ =	shalt  }
0x60: {  	_ =	shalt  }
0x61: {  	_ =	shalt  }
0x62: {  	_ =	shalt  }
0x63: {  	_ =	shalt  }
0x64: {  	_ =	shalt  }
0x65: {  	_ =	shalt  }
0x66: {  	_ =	shalt  }
0x67: {  	_ =	shalt  }
0x68: {  	_ =	shalt  }
0x69: {  	_ =	shalt  }
0x6a: {  	_ =	shalt  }
0x6b: {  	_ =	shalt  }
0x6c: {  	_ =	shalt  }
0x6d: {  	_ =	shalt  }
0x6e: {  	_ =	shalt  }
0x6f: {  	_ =	shalt  }
0x70: {  	_ =	shalt  }
0x71: {  	_ =	shalt  }
0x72: {  	_ =	shalt  }
0x73: {  	_ =	shalt  }
0x74: {  	_ =	shalt  }
0x75: {  	_ =	shalt  }
0x76: {  	_ =	shalt  }
0x77: {  	_ =	shalt  }
0x78: {  	_ =	shalt  }
0x79: {  	_ =	shalt  }
0x7a: {  	_ =	shalt  }
0x7b: {  	_ =	shalt  }
0x7c: {  	_ =	shalt  }
0x7d: {  	_ =	shalt  }
0x7e: {  	_ =	shalt  }
0x7f: {  	_ =	shalt  }
0x80: {  	_ =	shalt  }
0x81: {  	_ =	shalt  }
0x82: {  	_ =	shalt  }
0x83: {  	_ =	shalt  }
0x84: {  	_ =	shalt  }
0x85: {  	_ =	shalt  }
0x86: {  	_ =	shalt  }
0x87: {  	_ =	shalt  }
.Lfunc_end0:
.L_simem_size_0:
called_computation.3_lowered:
.L_overlay_start_0:
0x88: {  	s2 =	sld [smem:$0x3FD9]  }
0x89: {  	s3 =	sld [smem:$0x3FFE];
	_ =	sdelay $0x1  }
0x8a: {  	s1 =	srdreg.scid  }
0x8b: {  	s0 =	sand.u32 $0x1, s1  }
0x8c: {  	s16 =	sshll.u32 s0, $0xA;
	s2 =	sadd.s32 s3, s2  }
0x8d: {  	s2 =	sadd.s32 s2, s16  }
0x8e: {  	[smem:$0x3FC0] =	sst s2  }
0x8f: {  	_ = 	snop  }
0x90: {  	(tm) =	ssettm $0x1  }
0x91: {  	s17 =	sld [smem:$0x3FFB];
	_ =	sdelay $0x3  }
0x92: {  	_ =	strace s17  }
0x93: {  	s2 =	sld [smem:$0x3FFC];
	_ =	sdelay $0x3  }
0x94: {  	_ =	strace s2  }
0x95: {  	s2 =	sld [smem:$0x3FFD];
	_ =	sdelay $0x3  }
0x96: {  	_ =	strace s2  }
0x97: {  	_ =	strace $0x8FFFFFFF  }
0x98: {  	s18 =	sld [smem:$0x3FDB];
	_ =	sdelay $0x1  }
0x99: {  	s19 =	simm.s32 $_scs_section_size  }
0x9a: {  	s4 =	simm.s32 $_size__tile_overlayer_lowered;
	s5 =	simm.s32 $_tile_overlayer_lowered  }
0x9b: {  	s22 =	simm.s32 $0x1BFF;
	s21 =	sshll.u32 s5, $0x1;
	s2 =	sadd.s32 s19, s18  }
0x9c: {  	s6 =	simm.s32 $0x0;
	s20 =	sshll.u32 s4, $0x1;
	s4 =	sadd.s32 s21, s2  }
0x9d: {  	[timem:s6], [sflag:s22] =	dma.local [hbm:s4], s20  }
0x9e: {  	_ =	swait.ge [sflag:s22], s20  }
0x9f: {  	s3 =	ssub.s32 $0x0, s20;
	[sflag:s22] =	ssyncset.done $0x0  }
0xa0: {  	[sflag:s22] =	ssyncadd.s32 s3;
	_ =	sdelay $0x1  }
0xa1: {  	s23 =	simm.s32 $0x1B8B  }
0xa2: {  	_ =	swait.ge [sflag:s23], $0x1  }
0xa3: {  	[sflag:s23] =	ssyncset.done $0x0  }
0xa4: {  	s25 =	simm.s32 $0x1B8E;
	s24 =	sld [smem:$0x3FFE];
	[sflag:s23] =	ssyncadd.s32 $0xFFFFFFFF  }
0xa5: {  	s26 =	simm.s32 $execute0_lowered;
	[smem:$0x3FD2] =	sst s25  }
0xa6: {  	s4 =	sshll.u32 s26, $0x1;
	_ =	strace $0x8000004F;
	[dreg:$0x1] =	wrdreg $0xFFFFFFFF  }
0xa7: {  	s28 =	simm.s32 $_size_execute0_lowered;
	s2 =	sadd.s32 s2, s4;
	[dreg:$0x0] =	wrdreg $0x0  }
0xa8: {  	s4 =	sshll.u32 s28, $0x1;
	[dreg:$0x2] =	wrdreg s2  }
0xa9: {  	[dreg:$0x3] =	wrdreg s4  }
0xaa: {  	[dreg:$0x4] =	wrdreg $0xC0  }
0xab: {  	_ =	task [dreg:s6], $0x5FFFF  }
0xac: {  	[dreg:$0x1] =	wrdreg $0xFFFFFFFF  }
0xad: {  	[dreg:$0x0] =	wrdreg $0x60  }
0xae: {  	[dreg:$0x2] =	wrdreg s24  }
0xaf: {  	[dreg:$0x3] =	wrdreg $0x9  }
0xb0: {  	_ =	task.clear_ibuf [dreg:s6], $0x4FFFF;
	_ =	strace $0x9000004F  }
0xb1: {  	s29 =	simm.s32 $0x9;
	_ =	strace $0x80000051  }
0xb2: {  	_ =	swait.ge [sflag:s29], $0x1  }
0xb3: {  	[sflag:s29] =	ssyncadd.s32 $0xFFFFFFFF  }
0xb4: {  	_ =	strace $0x90000051  }
0xb5: {  	_ =	sfence  }
0xb6: {  	s30 =	sld [smem:$0x0];
	_ =	sdelay $0x2  }
0xb7: {  	s31 =	sshll.u32 s1, $0xD;
	s1 =	sshrl.u32 s1, $0x2  }
0xb8: {  	s3 =	sand.u32 $0x4000, s31;
	s1 =	sadd.s32 s1, s30  }
0xb9: {  	s0 =	sor.u32 s3, s0;
	s1 =	sshll.u32 s1, $0x11  }
0xba: {  	s0 =	sor.u32 s1, s0  }
0xbb: {  	s0 =	sadd.s32 $0x8F2B, s0  }
0xbc: {  	[sflag:s0] =	ssyncadd.remote.s32 $0x1  }
0xbd: {  	_ =	sfence.sel $0xFFFF  }
0xbe: {  	[dreg:$0x0] =	wrdreg $0xFFFFFFFF;
	(pc) =	sbr.abs _section_cstart, $3  }
0xbf: {  	[dreg:$0x1] =	wrdreg $0xFFFFFFFF  }
0xc0: {  	_ =	task.clear_ibuf [dreg:s6], $0x2FFFF;
	_ =	strace $0x9FFFFFFF  }
0xc1: {  	(tm) =	ssettm $0x7FFFFFFF  }
tec
execute0_lowered:
.L_overlay_start_1:
0x0: {  	(tag) =	ssettag $0x1  }
0x1: {  	s0 =	rddreg [dreg:$0x0];
	s2 =	simm.s32 $0x0;
	s1 =	srdreg.scid  }
0x2: {  	s3 =	stileid.u32;
	s14 =	simm.s32 $0x3;
	s17 =	simm.s32 $0x50  }
0x3: {  	s11 =	simm.s32 $0x8160;
	s15 =	simm.s32 $0x8660;
	s16 =	simm.s32 $0x820  }
0x4: {  	s28 =	simm.s32 $0x8B60;
	s29 =	simm.s32 $0x870;
	s30 =	simm.s32 $0x9060  }
0x5: {  	s31 =	simm.s32 $0x8C0;
	s10 =	simm.s32 $0x1;
	s12 =	simm.s32 $0x2  }
0x6: {  	s13 =	simm.s32 $0x0;
	[smem:$0x7FF] =	sst s2;
	s1 =	sand.u32 $0x1, s1  }
0x7: {  	s5 =	sshll.u32 s3, $0x1;
	s3 =	sadd.s32 $0xB74A00, s0;
	s4 =	sadd.s32 $0x98C400, s0  }
0x8: {  	s6 =	sadd.s32 $0x1EB200, s0;
	_ =	strace $0x80000050;
	s7 =	sor.u32 s1, s5  }
0x9: {  	s5 =	sadd.s32 $0x5BBE00, s0;
	s1 =	ssub.s32 $0x2, s1;
	s9 =	sshll.u32 s7, $0xA  }
0xa: {  	s8 =	smul.u32 $0x6400, s7;
	s21 =	sshrl.u32 s1, $0x1;
	s0 =	sadd.s32 s9, s0  }
0xb: {  	s1 =	ssub.s32 s1, s21;
	s21 =	simm.s32 $0x5460;
	s0 =	sadd.s32 $0x7A4400, s0  }
0xc: {  	s8 =	sshrl.u32 s8, $0x3;
	s26 =	smax.u32 s1, $0x1;
	[dreg:$0x6] =	wrdreg s0  }
0xd: {  	s9 =	simm.s32 $0x9A60;
	s22 =	sadd.s32 s3, s8;
	[dreg:$0x7] =	wrdreg s26  }
0xe: {  	s1 =	simm.s32 $0x910;
	s23 =	sadd.s32 $0x19000, s22;
	[dreg:$0x2] =	wrdreg s22  }
0xf: {  	s8 =	sshll.u32 s7, $0x7;
	s24 =	sadd.s32 $0x32000, s22;
	[dreg:$0x3] =	wrdreg s23  }
0x10: {  	s26 =	simm.s32 $0x7D0;
	s25 =	sor.u32 $0x4, s8;
	[dreg:$0x4] =	wrdreg s24  }
0x11: {  	s0 =	simm.s32 $0x9560;
	s22 =	simm.s32 $0x7C60;
	[dreg:$0x5] =	wrdreg s25  }
0x12: {  	s24 =	simm.s32 $0x4B0;
	s25 =	simm.s32 $0x640;
	s23 =	simm.s32 $0x780  }
.LBB2_1:
0x13: {  	[dreg:$0x8] =	wrdreg s13  }
0x14: {  	s7 =	rddreg [dreg:$0x2]  }
0x15: {  	[tilespmem:s2], [sflag:$0x3] =	stream.linear.gather [hbm4b:s7+s2], $0x190, $0x38;
	[tilespmem:$0xBF60] =	vst v63  }
0x16: {  	_ =	swait.ge [sflag:s14], $0x190  }
0x17: {  	[sflag:s14] =	ssyncset.done $0x0  }
0x18: {  	s13 =	simm.s32 $0x190;
	s18 =	rddreg [dreg:$0x3];
	[sflag:s14] =	ssyncadd.s32 $0xFFFFFE70  }
0x19: {  	[tilespmem:s13], [sflag:$0x3] =	stream.linear.gather [hbm4b:s18+s2], $0x190, $0x38;
	[tilespmem:$0xBF60] =	vst v63  }
0x1a: {  	_ =	swait.ge [sflag:s14], $0x190  }
0x1b: {  	[sflag:s14] =	ssyncset.done $0x0  }
0x1c: {  	s18 =	simm.s32 $0x320;
	s19 =	rddreg [dreg:$0x4];
	[sflag:s14] =	ssyncadd.s32 $0xFFFFFE70  }
0x1d: {  	[tilespmem:s18], [sflag:$0x3] =	stream.linear.gather [hbm4b:s19+s2], $0x190, $0x38;
	[tilespmem:$0xBF60] =	vst v63  }
0x1e: {  	_ =	swait.ge [sflag:s14], $0x190  }
0x1f: {  	[sflag:s14] =	ssyncset.done $0x0  }
0x20: {  	s20 =	simm.s32 $0x960;
	[sflag:s14] =	ssyncadd.s32 $0xFFFFFE70  }
0x21: {  	[tilespmem:s20], [sflag:$0x1] =	stream.indirect.gather [hbm4b:s4+s17], $0x10, s2, s17, $0xb8;
	[tilespmem:$0xBF60] =	vst v63  }
0x22: {  	s19 =	simm.s32 $0xE60  }
0x23: {  	[tilespmem:s19], [sflag:$0x1] =	stream.indirect.gather [hbm4b:s4+s17], $0x10, s17, s17, $0xb8;
	[tilespmem:$0xBF60] =	vst v63  }
0x24: {  	s20 =	simm.s32 $0xA0;
	s19 =	simm.s32 $0x1360  }
0x25: {  	[tilespmem:s19], [sflag:$0x1] =	stream.indirect.gather [hbm4b:s4+s17], $0x10, s20, s17, $0xb8;
	[tilespmem:$0xBF60] =	vst v63  }
0x26: {  	s19 =	simm.s32 $0xF0;
	s20 =	simm.s32 $0x1860  }
0x27: {  	[tilespmem:s20], [sflag:$0x1] =	stream.indirect.gather [hbm4b:s4+s17], $0x10, s19, s17, $0xb8;
	[tilespmem:$0xBF60] =	vst v63  }
0x28: {  	s19 =	simm.s32 $0x140;
	s20 =	simm.s32 $0x1D60  }
0x29: {  	[tilespmem:s20], [sflag:$0x1] =	stream.indirect.gather [hbm4b:s4+s17], $0x10, s19, s17, $0xb8;
	[tilespmem:$0xBF60] =	vst v63  }
0x2a: {  	s20 =	simm.s32 $0x2260  }
0x2b: {  	[tilespmem:s20], [sflag:$0x1] =	stream.indirect.gather [hbm4b:s5+s17], $0x10, s13, s17, $0xb8;
	[tilespmem:$0xBF60] =	vst v63  }
0x2c: {  	s19 =	simm.s32 $0x1E0;
	s20 =	simm.s32 $0x2760  }
0x2d: {  	[tilespmem:s20], [sflag:$0x1] =	stream.indirect.gather [hbm4b:s5+s17], $0x10, s19, s17, $0xb8;
	[tilespmem:$0xBF60] =	vst v63  }
0x2e: {  	s19 =	simm.s32 $0x230;
	s20 =	simm.s32 $0x2C60  }
0x2f: {  	[tilespmem:s20], [sflag:$0x1] =	stream.indirect.gather [hbm4b:s5+s17], $0x10, s19, s17, $0xb8;
	[tilespmem:$0xBF60] =	vst v63  }
0x30: {  	s19 =	simm.s32 $0x280;
	s20 =	simm.s32 $0x3160  }
0x31: {  	[tilespmem:s20], [sflag:$0x1] =	stream.indirect.gather [hbm4b:s5+s17], $0x10, s19, s17, $0xb8;
	[tilespmem:$0xBF60] =	vst v63  }
0x32: {  	s13 =	simm.s32 $0x2D0;
	s19 =	simm.s32 $0x3660  }
0x33: {  	[tilespmem:s19], [sflag:$0x1] =	stream.indirect.gather [hbm4b:s5+s17], $0x10, s13, s17, $0xb8;
	[tilespmem:$0xBF60] =	vst v63  }
0x34: {  	s20 =	simm.s32 $0x3B60  }
0x35: {  	[tilespmem:s20], [sflag:$0x1] =	stream.indirect.gather [hbm4b:s6+s17], $0x10, s18, s17, $0xb8;
	[tilespmem:$0xBF60] =	vst v63  }
0x36: {  	s13 =	simm.s32 $0x370;
	s18 =	simm.s32 $0x4060  }
0x37: {  	[tilespmem:s18], [sflag:$0x1] =	stream.indirect.gather [hbm4b:s6+s17], $0x10, s13, s17, $0xb8;
	[tilespmem:$0xBF60] =	vst v63  }
0x38: {  	s19 =	simm.s32 $0x3C0;
	s20 =	simm.s32 $0x4560  }
0x39: {  	[tilespmem:s20], [sflag:$0x1] =	stream.indirect.gather [hbm4b:s6+s17], $0x10, s19, s17, $0xb8;
	[tilespmem:$0xBF60] =	vst v63  }
0x3a: {  	s13 =	simm.s32 $0x410;
	s18 =	simm.s32 $0x4A60  }
0x3b: {  	[tilespmem:s18], [sflag:$0x1] =	stream.indirect.gather [hbm4b:s6+s17], $0x10, s13, s17, $0xb8;
	[tilespmem:$0xBF60] =	vst v63  }
0x3c: {  	s19 =	simm.s32 $0x460;
	s20 =	simm.s32 $0x4F60;
	s13 =	simm.s32 $0x0  }
0x3d: {  	[tilespmem:s20], [sflag:$0x1] =	stream.indirect.gather [hbm4b:s6+s17], $0x10, s19, s17, $0xb8;
	[tilespmem:$0xBF60] =	vst v63  }
.LBB2_2:
0x3e: {  	s7 =	sshllo.u32 s13, $0x1  }
0x3f: {  	s18 =	sshll.u32 s7, $0x1  }
0x40: {  	s18 =	sadd.s32 s8, s18  }
0x41: {  	s18 =	smul.u32 $0xC8, s18;
	_ =	sdelay $0x1  }
0x42: {  	s18 =	sshrl.u32 s18, $0x3  }
0x43: {  	s19 =	simm.s32 $0x0;
	s18 =	sadd.s32 s3, s18  }
0x44: {  	[tilespmem:s24], [sflag:$0x3] =	stream.linear.gather [hbm4b:s18+s19], $0x190, $0x38;
	[tilespmem:$0xBF60] =	vst v63  }
0x45: {  	_ =	swait.ge [sflag:s14], $0x190  }
0x46: {  	[sflag:s14] =	ssyncset.done $0x0  }
0x47: {  	s20 =	sadd.s32 $0x19000, s18;
	[sflag:s14] =	ssyncadd.s32 $0xFFFFFE70  }
0x48: {  	[tilespmem:s25], [sflag:$0x3] =	stream.linear.gather [hbm4b:s20+s19], $0x190, $0x38;
	[tilespmem:$0xBF60] =	vst v63  }
0x49: {  	_ =	swait.ge [sflag:s14], $0x190  }
0x4a: {  	[sflag:s14] =	ssyncset.done $0x0  }
0x4b: {  	s18 =	sadd.s32 $0x32000, s18;
	[sflag:s14] =	ssyncadd.s32 $0xFFFFFE70  }
0x4c: {  	[tilespmem:s26], [sflag:$0x3] =	stream.linear.gather [hbm4b:s18+s19], $0x190, $0x38;
	[tilespmem:$0xBF60] =	vst v63  }
0x4d: {  	_ =	swait.ge [sflag:s14], $0x190  }
0x4e: {  	[sflag:s14] =	ssyncset.done $0x0  }
0x4f: {  	[sflag:s14] =	ssyncadd.s32 $0xFFFFFE70  }
0x50: {  	[tilespmem:s21], [sflag:$0x2] =	stream.indirect.gather [hbm4b:s4+s17], $0x10, s24, s17, $0xb8;
	[tilespmem:$0xBF60] =	vst v63  }
0x51: {  	s20 =	simm.s32 $0x5960;
	s19 =	simm.s32 $0x500  }
0x52: {  	[tilespmem:s20], [sflag:$0x2] =	stream.indirect.gather [hbm4b:s4+s17], $0x10, s19, s17, $0xb8;
	[tilespmem:$0xBF60] =	vst v63  }
0x53: {  	s19 =	simm.s32 $0x550;
	s20 =	simm.s32 $0x5E60  }
0x54: {  	[tilespmem:s20], [sflag:$0x2] =	stream.indirect.gather [hbm4b:s4+s17], $0x10, s19, s17, $0xb8;
	[tilespmem:$0xBF60] =	vst v63  }
0x55: {  	s19 =	simm.s32 $0x5A0;
	s20 =	simm.s32 $0x6360  }
0x56: {  	[tilespmem:s20], [sflag:$0x2] =	stream.indirect.gather [hbm4b:s4+s17], $0x10, s19, s17, $0xb8;
	[tilespmem:$0xBF60] =	vst v63  }
0x57: {  	s19 =	simm.s32 $0x5F0;
	s20 =	simm.s32 $0x6860  }
0x58: {  	[tilespmem:s20], [sflag:$0x2] =	stream.indirect.gather [hbm4b:s4+s17], $0x10, s19, s17, $0xb8;
	[tilespmem:$0xBF60] =	vst v63  }
0x59: {  	s20 =	simm.s32 $0x6D60  }
0x5a: {  	[tilespmem:s20], [sflag:$0x2] =	stream.indirect.gather [hbm4b:s5+s17], $0x10, s25, s17, $0xb8;
	[tilespmem:$0xBF60] =	vst v63  }
0x5b: {  	s19 =	simm.s32 $0x690;
	s20 =	simm.s32 $0x7260  }
0x5c: {  	[tilespmem:s20], [sflag:$0x2] =	stream.indirect.gather [hbm4b:s5+s17], $0x10, s19, s17, $0xb8;
	[tilespmem:$0xBF60] =	vst v63  }
0x5d: {  	s19 =	simm.s32 $0x6E0;
	s20 =	simm.s32 $0x7760  }
0x5e: {  	[tilespmem:s20], [sflag:$0x2] =	stream.indirect.gather [hbm4b:s5+s17], $0x10, s19, s17, $0xb8;
	[tilespmem:$0xBF60] =	vst v63  }
0x5f: {  	s19 =	simm.s32 $0x730  }
0x60: {  	[tilespmem:s22], [sflag:$0x2] =	stream.indirect.gather [hbm4b:s5+s17], $0x10, s19, s17, $0xb8;
	[tilespmem:$0xBF60] =	vst v63  }
0x61: {  	_ = 	snop  }
0x62: {  	[tilespmem:s11], [sflag:$0x2] =	stream.indirect.gather [hbm4b:s5+s17], $0x10, s23, s17, $0xb8;
	[tilespmem:$0xBF60] =	vst v63  }
0x63: {  	_ = 	snop  }
0x64: {  	[tilespmem:s15], [sflag:$0x2] =	stream.indirect.gather [hbm4b:s6+s17], $0x10, s26, s17, $0xb8;
	[tilespmem:$0xBF60] =	vst v63  }
0x65: {  	_ = 	snop  }
0x66: {  	[tilespmem:s28], [sflag:$0x2] =	stream.indirect.gather [hbm4b:s6+s17], $0x10, s16, s17, $0xb8;
	[tilespmem:$0xBF60] =	vst v63  }
0x67: {  	_ = 	snop  }
0x68: {  	[tilespmem:s30], [sflag:$0x2] =	stream.indirect.gather [hbm4b:s6+s17], $0x10, s29, s17, $0xb8;
	[tilespmem:$0xBF60] =	vst v63  }
0x69: {  	_ = 	snop  }
0x6a: {  	[tilespmem:s0], [sflag:$0x2] =	stream.indirect.gather [hbm4b:s6+s17], $0x10, s31, s17, $0xb8;
	[tilespmem:$0xBF60] =	vst v63  }
0x6b: {  	_ = 	snop  }
0x6c: {  	[tilespmem:s9], [sflag:$0x2] =	stream.indirect.gather [hbm4b:s6+s17], $0x10, s1, s17, $0xb8;
	[tilespmem:$0xBF60] =	vst v63  }
0x6d: {  	_ =	swait.ge [sflag:s10], $0x4B00  }
0x6e: {  	[sflag:s10] =	ssyncset.done $0x0  }
0x6f: {  	s20 =	simm.s32 $0x0;
	[sflag:s10] =	ssyncadd.s32 $0xFFFFB500  }
0x70: {  	v7 =	vld [tilespmem:s20+$0x3B60]  }
0x71: {  	v6 =	vld [tilespmem:s20+$0x960]  }
0x72: {  	v4 =	vimm.f32 $0.0e+00;
	v5 =	vimm.f32 $0.0e+00;
	v3 =	vimm.f32 $0.0e+00;
	v2 =	vld [tilespmem:s20+$0x2260]  }
0x73: {  	v1 =	vimm.f32 $0.0e+00;
	v0 =	vimm.f32 $0.0e+00;
	v8 =	vimm.f32 $0.0e+00;
	s18 =	simm.s32 $0x40  }
.LBB2_3:
0x74: {  	p0 =	sne.s32 s18, $0x31C0  }
.Ltmp0:
0x75: {  	s19 =	sshra.s32 s18, $0x2;
	s18 =	sadd.s32 $0x40, s18;
	v9 =	vunpack.i.u.bf16.f32 v7;
	v10 =	vunpack.i.l.bf16.f32 v7;
	(pc) =	sbr.rel @p0 .LBB2_3-.Ltmp0, $4  }
0x76: {  	v7 =	vld [tilespmem:s19+$0x3B60];
	v11 =	vunpack.i.u.bf16.f32 v6;
	v12 =	vunpack.i.l.bf16.f32 v6;
	v4 =	vadd.f32 v9, v4  }
0x77: {  	v6 =	vld [tilespmem:s19+$0x960];
	v9 =	vunpack.i.u.bf16.f32 v2;
	v13 =	vunpack.i.l.bf16.f32 v2;
	v5 =	vadd.f32 v12, v5  }
0x78: {  	v3 =	vadd.f32 v11, v3;
	v2 =	vld [tilespmem:s19+$0x2260];
	v1 =	vadd.f32 v13, v1  }
0x79: {  	v8 =	vadd.f32 v10, v8;
	v0 =	vadd.f32 v9, v0  }
0x7a: {  	_ = 	snop  }
0x7b: {  	v9 =	vunpack.i.l.bf16.f32 v7  }
0x7c: {  	v7 =	vunpack.i.u.bf16.f32 v7;
	v8 =	vadd.f32 v9, v8  }
0x7d: {  	v9 =	vunpack.i.l.bf16.f32 v6;
	v4 =	vadd.f32 v7, v4;
	v6 =	vunpack.i.u.bf16.f32 v6  }
0x7e: {  	v5 =	vadd.f32 v9, v5;
	v3 =	vadd.f32 v6, v3;
	v6 =	vunpack.i.l.bf16.f32 v2  }
0x7f: {  	v2 =	vunpack.i.u.bf16.f32 v2;
	v7 =	vmul.f32 $5.000000000e+00, v8;
	v1 =	vadd.f32 v6, v1  }
0x80: {  	v4 =	vmul.f32 $5.000000000e+00, v4;
	v0 =	vadd.f32 v2, v0  }
0x81: {  	s18 =	sshll.u32 s13, $0x8;
	v5 =	vadd.f32 v7, v5;
	v1 =	vmul.f32 $4.999999890e-03, v1  }
0x82: {  	s18 =	sand.u32 $0x3FFFFF00, s18;
	v3 =	vadd.f32 v4, v3;
	v0 =	vmul.f32 $4.999999890e-03, v0  }
0x83: {  	v4 =	vmul.f32 $4.999999890e-03, v5;
	[tilespmem:s18+$0x9F80] =	vst v1  }
0x84: {  	v2 =	vmul.f32 $4.999999890e-03, v3;
	[tilespmem:s18+$0x9F90] =	vst v0  }
0x85: {  	[tilespmem:s18+$0x9F60] =	vst v4  }
0x86: {  	s20 =	simm.s32 $0x0;
	[tilespmem:s18+$0x9F70] =	vst v2  }
0x87: {  	v7 =	vld [tilespmem:s20+$0x47E0]  }
0x88: {  	v6 =	vld [tilespmem:s20+$0x15E0]  }
0x89: {  	v8 =	vimm.f32 $0.0e+00;
	v5 =	vimm.f32 $0.0e+00;
	v3 =	vimm.f32 $0.0e+00;
	v2 =	vld [tilespmem:s20+$0x2EE0]  }
0x8a: {  	s19 =	simm.s32 $0x40;
	v1 =	vimm.f32 $0.0e+00;
	v0 =	vimm.f32 $0.0e+00;
	v4 =	vimm.f32 $0.0e+00  }
.LBB2_5:
0x8b: {  	p0 =	sne.s32 s19, $0x31C0  }
.Ltmp1:
0x8c: {  	s20 =	sshra.s32 s19, $0x2;
	s19 =	sadd.s32 $0x40, s19;
	v9 =	vunpack.i.u.bf16.f32 v7;
	v10 =	vunpack.i.l.bf16.f32 v7;
	(pc) =	sbr.rel @p0 .LBB2_5-.Ltmp1, $4  }
0x8d: {  	v7 =	vld [tilespmem:s20+$0x47E0];
	v11 =	vunpack.i.u.bf16.f32 v6;
	v12 =	vunpack.i.l.bf16.f32 v6;
	v4 =	vadd.f32 v9, v4  }
0x8e: {  	v6 =	vld [tilespmem:s20+$0x15E0];
	v9 =	vunpack.i.u.bf16.f32 v2;
	v13 =	vunpack.i.l.bf16.f32 v2;
	v5 =	vadd.f32 v12, v5  }
0x8f: {  	v3 =	vadd.f32 v11, v3;
	v2 =	vld [tilespmem:s20+$0x2EE0];
	v1 =	vadd.f32 v13, v1  }
0x90: {  	v8 =	vadd.f32 v10, v8;
	v0 =	vadd.f32 v9, v0  }
0x91: {  	_ = 	snop  }
0x92: {  	v9 =	vunpack.i.l.bf16.f32 v7;
	v56 =	vunpack.i.u.bf16.f32 v7  }
0x93: {  	v8 =	vadd.f32 v9, v8;
	v57 =	vunpack.i.l.bf16.f32 v6;
	v4 =	vadd.f32 v56, v4  }
0x94: {  	v58 =	vunpack.i.u.bf16.f32 v6;
	v5 =	vadd.f32 v57, v5;
	v60 =	vunpack.i.l.bf16.f32 v2  }
0x95: {  	v61 =	vunpack.i.u.bf16.f32 v2;
	v59 =	vmul.f32 $5.000000000e+00, v8;
	v1 =	vadd.f32 v60, v1  }
0x96: {  	v3 =	vadd.f32 v58, v3;
	v4 =	vmul.f32 $5.000000000e+00, v4;
	v0 =	vadd.f32 v61, v0  }
0x97: {  	p0 =	seq.s32 s13, $0x1F;
	v5 =	vadd.f32 v59, v5;
	v1 =	vmul.f32 $4.999999890e-03, v1  }
.Ltmp2:
0x98: {  	v3 =	vadd.f32 v4, v3;
	v0 =	vmul.f32 $4.999999890e-03, v0;
	(pc) =	sbr.rel @p0 .LBB2_8-.Ltmp2, $4  }
0x99: {  	v62 =	vmul.f32 $4.999999890e-03, v5;
	[tilespmem:s18+$0x9FC0] =	vst v1  }
0x9a: {  	v63 =	vmul.f32 $4.999999890e-03, v3;
	[tilespmem:s18+$0x9FD0] =	vst v0  }
0x9b: {  	[tilespmem:s18+$0x9FA0] =	vst v62  }
0x9c: {  	[tilespmem:s18+$0x9FB0] =	vst v63  }
0x9d: {  	s18 =	sshll.u32 s13, $0x2;
	s19 =	rddreg [dreg:$0x5]  }
0x9e: {  	s18 =	sadd.s32 s18, s19  }
0x9f: {  	s18 =	smul.u32 $0xC8, s18;
	_ =	sdelay $0x1  }
0xa0: {  	s18 =	sshrl.u32 s18, $0x3  }
0xa1: {  	s18 =	sadd.s32 s3, s18  }
0xa2: {  	[tilespmem:s2], [sflag:$0x3] =	stream.linear.gather [hbm4b:s18+s2], $0x190, $0x38;
	[tilespmem:$0xBF60] =	vst v63  }
0xa3: {  	_ =	swait.ge [sflag:s14], $0x190  }
0xa4: {  	[sflag:s14] =	ssyncset.done $0x0  }
0xa5: {  	s20 =	simm.s32 $0x190;
	s21 =	sadd.s32 $0x19000, s18;
	[sflag:s14] =	ssyncadd.s32 $0xFFFFFE70  }
0xa6: {  	[tilespmem:s20], [sflag:$0x3] =	stream.linear.gather [hbm4b:s21+s2], $0x190, $0x38;
	[tilespmem:$0xBF60] =	vst v63  }
0xa7: {  	_ =	swait.ge [sflag:s14], $0x190  }
0xa8: {  	[sflag:s14] =	ssyncset.done $0x0  }
0xa9: {  	s19 =	simm.s32 $0x320;
	s18 =	sadd.s32 $0x32000, s18;
	[sflag:s14] =	ssyncadd.s32 $0xFFFFFE70  }
0xaa: {  	[tilespmem:s19], [sflag:$0x3] =	stream.linear.gather [hbm4b:s18+s2], $0x190, $0x38;
	[tilespmem:$0xBF60] =	vst v63  }
0xab: {  	_ =	swait.ge [sflag:s14], $0x190  }
0xac: {  	[sflag:s14] =	ssyncset.done $0x0  }
0xad: {  	s21 =	simm.s32 $0x960;
	[sflag:s14] =	ssyncadd.s32 $0xFFFFFE70  }
0xae: {  	[tilespmem:s21], [sflag:$0x1] =	stream.indirect.gather [hbm4b:s4+s17], $0x10, s2, s17, $0xb8;
	[tilespmem:$0xBF60] =	vst v63  }
0xaf: {  	s21 =	simm.s32 $0xE60  }
0xb0: {  	[tilespmem:s21], [sflag:$0x1] =	stream.indirect.gather [hbm4b:s4+s17], $0x10, s17, s17, $0xb8;
	[tilespmem:$0xBF60] =	vst v63  }
0xb1: {  	s18 =	simm.s32 $0xA0;
	s21 =	simm.s32 $0x1360  }
0xb2: {  	[tilespmem:s21], [sflag:$0x1] =	stream.indirect.gather [hbm4b:s4+s17], $0x10, s18, s17, $0xb8;
	[tilespmem:$0xBF60] =	vst v63  }
0xb3: {  	s18 =	simm.s32 $0xF0;
	s21 =	simm.s32 $0x1860  }
0xb4: {  	[tilespmem:s21], [sflag:$0x1] =	stream.indirect.gather [hbm4b:s4+s17], $0x10, s18, s17, $0xb8;
	[tilespmem:$0xBF60] =	vst v63  }
0xb5: {  	s18 =	simm.s32 $0x140;
	s21 =	simm.s32 $0x1D60  }
0xb6: {  	[tilespmem:s21], [sflag:$0x1] =	stream.indirect.gather [hbm4b:s4+s17], $0x10, s18, s17, $0xb8;
	[tilespmem:$0xBF60] =	vst v63  }
0xb7: {  	s18 =	simm.s32 $0x2260  }
0xb8: {  	[tilespmem:s18], [sflag:$0x1] =	stream.indirect.gather [hbm4b:s5+s17], $0x10, s20, s17, $0xb8;
	[tilespmem:$0xBF60] =	vst v63  }
0xb9: {  	s18 =	simm.s32 $0x1E0;
	s20 =	simm.s32 $0x2760  }
0xba: {  	[tilespmem:s20], [sflag:$0x1] =	stream.indirect.gather [hbm4b:s5+s17], $0x10, s18, s17, $0xb8;
	[tilespmem:$0xBF60] =	vst v63  }
0xbb: {  	s18 =	simm.s32 $0x230;
	s20 =	simm.s32 $0x2C60  }
0xbc: {  	[tilespmem:s20], [sflag:$0x1] =	stream.indirect.gather [hbm4b:s5+s17], $0x10, s18, s17, $0xb8;
	[tilespmem:$0xBF60] =	vst v63  }
0xbd: {  	s18 =	simm.s32 $0x280;
	s20 =	simm.s32 $0x3160  }
0xbe: {  	[tilespmem:s20], [sflag:$0x1] =	stream.indirect.gather [hbm4b:s5+s17], $0x10, s18, s17, $0xb8;
	[tilespmem:$0xBF60] =	vst v63  }
0xbf: {  	s18 =	simm.s32 $0x2D0;
	s20 =	simm.s32 $0x3660  }
0xc0: {  	[tilespmem:s20], [sflag:$0x1] =	stream.indirect.gather [hbm4b:s5+s17], $0x10, s18, s17, $0xb8;
	[tilespmem:$0xBF60] =	vst v63  }
0xc1: {  	s20 =	simm.s32 $0x3B60  }
0xc2: {  	[tilespmem:s20], [sflag:$0x1] =	stream.indirect.gather [hbm4b:s6+s17], $0x10, s19, s17, $0xb8;
	[tilespmem:$0xBF60] =	vst v63  }
0xc3: {  	s19 =	simm.s32 $0x370;
	s20 =	simm.s32 $0x4060  }
0xc4: {  	[tilespmem:s20], [sflag:$0x1] =	stream.indirect.gather [hbm4b:s6+s17], $0x10, s19, s17, $0xb8;
	[tilespmem:$0xBF60] =	vst v63  }
0xc5: {  	s19 =	simm.s32 $0x3C0;
	s20 =	simm.s32 $0x4560  }
0xc6: {  	[tilespmem:s20], [sflag:$0x1] =	stream.indirect.gather [hbm4b:s6+s17], $0x10, s19, s17, $0xb8;
	[tilespmem:$0xBF60] =	vst v63  }
0xc7: {  	s19 =	simm.s32 $0x410;
	s20 =	simm.s32 $0x4A60  }
0xc8: {  	[tilespmem:s20], [sflag:$0x1] =	stream.indirect.gather [hbm4b:s6+s17], $0x10, s19, s17, $0xb8;
	[tilespmem:$0xBF60] =	vst v63  }
0xc9: {  	s21 =	simm.s32 $0x5460;
	s19 =	simm.s32 $0x460;
	s20 =	simm.s32 $0x4F60  }
0xca: {  	[tilespmem:s20], [sflag:$0x1] =	stream.indirect.gather [hbm4b:s6+s17], $0x10, s19, s17, $0xb8;
	[tilespmem:$0xBF60] =	vst v63  }
.LBB2_8:
0xcb: {  	_ =	swait.ge [sflag:s12], $0x4B00  }
0xcc: {  	[sflag:s12] =	ssyncset.done $0x0  }
0xcd: {  	s19 =	simm.s32 $0x0;
	[sflag:s12] =	ssyncadd.s32 $0xFFFFB500  }
0xce: {  	v7 =	vld [tilespmem:s19+$0x8660]  }
0xcf: {  	v6 =	vld [tilespmem:s19+$0x5460]  }
0xd0: {  	v4 =	vimm.f32 $0.0e+00;
	v5 =	vimm.f32 $0.0e+00;
	v3 =	vimm.f32 $0.0e+00;
	v2 =	vld [tilespmem:s19+$0x6D60]  }
0xd1: {  	s18 =	simm.s32 $0x40;
	v1 =	vimm.f32 $0.0e+00;
	v0 =	vimm.f32 $0.0e+00;
	v8 =	vimm.f32 $0.0e+00  }
.LBB2_9:
0xd2: {  	p0 =	sne.s32 s18, $0x31C0  }
.Ltmp3:
0xd3: {  	s19 =	sshra.s32 s18, $0x2;
	s18 =	sadd.s32 $0x40, s18;
	v9 =	vunpack.i.u.bf16.f32 v7;
	v10 =	vunpack.i.l.bf16.f32 v7;
	(pc) =	sbr.rel @p0 .LBB2_9-.Ltmp3, $4  }
0xd4: {  	v7 =	vld [tilespmem:s19+$0x8660];
	v11 =	vunpack.i.u.bf16.f32 v6;
	v12 =	vunpack.i.l.bf16.f32 v6;
	v4 =	vadd.f32 v9, v4  }
0xd5: {  	v6 =	vld [tilespmem:s19+$0x5460];
	v9 =	vunpack.i.u.bf16.f32 v2;
	v13 =	vunpack.i.l.bf16.f32 v2;
	v5 =	vadd.f32 v12, v5  }
0xd6: {  	v3 =	vadd.f32 v11, v3;
	v2 =	vld [tilespmem:s19+$0x6D60];
	v1 =	vadd.f32 v13, v1  }
0xd7: {  	v8 =	vadd.f32 v10, v8;
	v0 =	vadd.f32 v9, v0  }
0xd8: {  	_ = 	snop  }
0xd9: {  	v9 =	vunpack.i.l.bf16.f32 v7  }
0xda: {  	v7 =	vunpack.i.u.bf16.f32 v7;
	v8 =	vadd.f32 v9, v8  }
0xdb: {  	v9 =	vunpack.i.l.bf16.f32 v6;
	v4 =	vadd.f32 v7, v4;
	v6 =	vunpack.i.u.bf16.f32 v6  }
0xdc: {  	v5 =	vadd.f32 v9, v5;
	v3 =	vadd.f32 v6, v3;
	v6 =	vunpack.i.l.bf16.f32 v2  }
0xdd: {  	v2 =	vunpack.i.u.bf16.f32 v2;
	v7 =	vmul.f32 $5.000000000e+00, v8;
	v1 =	vadd.f32 v6, v1  }
0xde: {  	v4 =	vmul.f32 $5.000000000e+00, v4;
	v0 =	vadd.f32 v2, v0  }
0xdf: {  	s7 =	sshll.u32 s7, $0x7;
	v5 =	vadd.f32 v7, v5;
	v1 =	vmul.f32 $4.999999890e-03, v1  }
0xe0: {  	s7 =	sand.u32 $0x3FFFFF80, s7;
	v3 =	vadd.f32 v4, v3;
	v0 =	vmul.f32 $4.999999890e-03, v0  }
0xe1: {  	v4 =	vmul.f32 $4.999999890e-03, v5;
	[tilespmem:s7+$0x9F80] =	vst v1  }
0xe2: {  	v2 =	vmul.f32 $4.999999890e-03, v3;
	[tilespmem:s7+$0x9F90] =	vst v0  }
0xe3: {  	[tilespmem:s7+$0x9F60] =	vst v4  }
0xe4: {  	s19 =	simm.s32 $0x0;
	[tilespmem:s7+$0x9F70] =	vst v2  }
0xe5: {  	v7 =	vld [tilespmem:s19+$0x92E0]  }
0xe6: {  	v6 =	vld [tilespmem:s19+$0x60E0]  }
0xe7: {  	v8 =	vimm.f32 $0.0e+00;
	v5 =	vimm.f32 $0.0e+00;
	v3 =	vimm.f32 $0.0e+00;
	v2 =	vld [tilespmem:s19+$0x79E0]  }
0xe8: {  	s18 =	simm.s32 $0x40;
	v1 =	vimm.f32 $0.0e+00;
	v0 =	vimm.f32 $0.0e+00;
	v4 =	vimm.f32 $0.0e+00  }
.LBB2_11:
0xe9: {  	p0 =	sne.s32 s18, $0x31C0  }
.Ltmp4:
0xea: {  	s19 =	sshra.s32 s18, $0x2;
	s18 =	sadd.s32 $0x40, s18;
	v9 =	vunpack.i.u.bf16.f32 v7;
	v10 =	vunpack.i.l.bf16.f32 v7;
	(pc) =	sbr.rel @p0 .LBB2_11-.Ltmp4, $4  }
0xeb: {  	v7 =	vld [tilespmem:s19+$0x92E0];
	v11 =	vunpack.i.u.bf16.f32 v6;
	v12 =	vunpack.i.l.bf16.f32 v6;
	v4 =	vadd.f32 v9, v4  }
0xec: {  	v6 =	vld [tilespmem:s19+$0x60E0];
	v9 =	vunpack.i.u.bf16.f32 v2;
	v13 =	vunpack.i.l.bf16.f32 v2;
	v5 =	vadd.f32 v12, v5  }
0xed: {  	v3 =	vadd.f32 v11, v3;
	v2 =	vld [tilespmem:s19+$0x79E0];
	v1 =	vadd.f32 v13, v1  }
0xee: {  	v8 =	vadd.f32 v10, v8;
	v0 =	vadd.f32 v9, v0  }
0xef: {  	_ = 	snop  }
0xf0: {  	v9 =	vunpack.i.l.bf16.f32 v7;
	v56 =	vunpack.i.u.bf16.f32 v7  }
0xf1: {  	v8 =	vadd.f32 v9, v8;
	v57 =	vunpack.i.l.bf16.f32 v6;
	v4 =	vadd.f32 v56, v4  }
0xf2: {  	v58 =	vunpack.i.u.bf16.f32 v6;
	v5 =	vadd.f32 v57, v5;
	v60 =	vunpack.i.l.bf16.f32 v2  }
0xf3: {  	v61 =	vunpack.i.u.bf16.f32 v2;
	v59 =	vmul.f32 $5.000000000e+00, v8;
	v1 =	vadd.f32 v60, v1  }
0xf4: {  	s13 =	sadd.s32 $0x1, s13;
	v3 =	vadd.f32 v58, v3;
	v4 =	vmul.f32 $5.000000000e+00, v4;
	v0 =	vadd.f32 v61, v0  }
0xf5: {  	p0 =	sne.s32 s13, $0x20;
	v5 =	vadd.f32 v59, v5;
	v1 =	vmul.f32 $4.999999890e-03, v1  }
.Ltmp5:
0xf6: {  	v3 =	vadd.f32 v4, v3;
	v0 =	vmul.f32 $4.999999890e-03, v0;
	(pc) =	sbr.rel @p0 .LBB2_2-.Ltmp5, $4  }
0xf7: {  	v62 =	vmul.f32 $4.999999890e-03, v5;
	[tilespmem:s7+$0x9FC0] =	vst v1  }
0xf8: {  	v63 =	vmul.f32 $4.999999890e-03, v3;
	[tilespmem:s7+$0x9FD0] =	vst v0  }
0xf9: {  	[tilespmem:s7+$0x9FA0] =	vst v62  }
0xfa: {  	[tilespmem:s7+$0x9FB0] =	vst v63  }
0xfb: {  	s7 =	rddreg [dreg:$0x6];
	s13 =	simm.s32 $0x9F60  }
0xfc: {  	[hbm4b:s7+s2] =	stream.linear.scatter [tilespmem:s13], [sflag:$0x3], $0x2000, $0x38;
	[tilespmem:$0xBF60] =	vst v63  }
0xfd: {  	_ =	swait.ge [sflag:s14], $0x2000  }
0xfe: {  	s19 =	rddreg [dreg:$0x8]  }
0xff: {  	s20 =	rddreg [dreg:$0x7];
	s13 =	sadd.s32 $0x1, s19  }
0x100: {  	p0 =	sne.s32 s13, s20  }
.Ltmp6:
0x101: {  	_ = 	snop;
	(pc) =	sbr.rel @p0 .LBB2_1-.Ltmp6, $3  }
0x102: {  	_ =	sdelay $0x1  }
0x103: {  	[sflag:s14] =	ssyncset.done $0x0  }
0x104: {  	[sflag:s14] =	ssyncadd.s32 $0xFFFFE000  }
0x105: {  	_ =	sfence.sel $0x180000  }
0x106: {  	[bflag:$0x0] =	sbarrier.arrive $0xFFFF  }
0x107: {  	_ =	strace $0x90000050  }
0x108: {  	s0 =	stileid.u32;
	[bflag:$0x2] =	sbarrier.arrive $0xFFFF  }
0x109: {  	p0 =	sne.s32 s0, $0x0;
	s0 =	rddreg [dreg:$0x1]  }
0x10a: {  	s0 =	sadd.s32 @!p0 $0x100000, s0  }
0x10b: {  	[sflag:s0] =	ssyncadd.tile.s32 @!p0 $0x1;
	_ =	shalt  }
.Lfunc_end2:
_tile_overlayer_lowered:
.L_overlay_start_2:
0x10c: {  	(tag) =	ssettag $0x2  }
0x10d: {  	s0 =	rddreg [dreg:$0x0];
	s2 =	stileid.u32  }
0x10e: {  	s1 =	rddreg [dreg:$0x1];
	p0 =	sne.s32 s2, $0x0  }
0x10f: {  	s3 =	rddreg [dreg:$0x2];
	[bflag:$0x3] =	sbarrier.arrive $0xFFFF;
	s2 =	simm.s32 @!p0 $0x1C03  }
0x110: {  	[timem:s3], [sflag:s2] =	dma.local @!p0 [hbm:s0], s1  }
0x111: {  	s0 =	simm.s32 @!p0 $0x3  }
0x112: {  	_ =	swait.ge @!p0 [sflag:s0], s1  }
0x113: {  	s1 =	ssub.s32 @!p0 $0x0, s1;
	[sflag:s0] =	ssyncset.done @!p0 $0x0  }
0x114: {  	[sflag:s0] =	ssyncadd.s32 @!p0 s1  }
0x115: {  	[bflag:$0x3] =	sbarrier.arrive $0xFFFF  }
0x116: {  	_ =	shalt  }

</sc_bundles>
